<compile_context>
chip_gen: v7x
topology: tpu7x:2x2x1
jax: 0.10.2.dev20260603
libtpu: 0.0.44.dev20260713+nightly
codegen_flags: <defaults>
</compile_context>

<pallas_src>
import jax
import jax.numpy as jnp
from jax import lax
from jax.experimental import pallas as pl
from jax.experimental.pallas import tpu as pltpu
from jax.experimental.pallas import tpu_sc as plsc

N = 10000
E = 320000
D = 128
NC = 2
NS = 16
NW = NC * NS
BLK = 80
NBLK = 125
EPT = NBLK * BLK
NP = N
RPT = NP // NS
DEGW = 16
BR = 2000


def _make_agg(with_deg):
    mesh = plsc.VectorSubcoreMesh(core_axis_name="c", subcore_axis_name="s")
    out_type = [jax.ShapeDtypeStruct((NC, NP, D), jnp.float32)]
    scratch = (
        [pltpu.VMEM((BLK,), jnp.int32) for _ in range(4)]
        + [pltpu.VMEM((BLK,), jnp.int32) for _ in range(4)]
        + [
            pltpu.VMEM((BLK, D), jnp.float32),
            pltpu.VMEM((BLK, D), jnp.float32),
            pltpu.VMEM_SHARED((NP, D), jnp.float32),
        ]
        + [pltpu.SemaphoreType.DMA for _ in range(4)]
        + [pltpu.SemaphoreType.DMA for _ in range(2)]
    )
    if with_deg:
        out_type.append(jax.ShapeDtypeStruct((NC, NP, DEGW), jnp.float32))
        scratch += [
            pltpu.VMEM((BLK, DEGW), jnp.float32),
            pltpu.VMEM((BLK, DEGW), jnp.float32),
            pltpu.VMEM_SHARED((NP, DEGW), jnp.float32),
        ]

    assert NBLK % 4 == 1 and NBLK >= 5
    NFULL, NREM = RPT // BLK, RPT % BLK

    def body(*refs):
        if with_deg:
            (table, edges, out_p, out_d, *rest) = refs
            (s0, s1_, s2_, s3_, d0, d1_, d2_, d3_, rows0, rows1, acc_sh,
             is0, is1, is2, is3, gs0, gs1, ones_v, zd_v, deg_sh) = rest
        else:
            (table, edges, out_p, *rest) = refs
            (s0, s1_, s2_, s3_, d0, d1_, d2_, d3_, rows0, rows1, acc_sh,
             is0, is1, is2, is3, gs0, gs1) = rest
        sib = (s0, s1_, s2_, s3_)
        dib = (d0, d1_, d2_, d3_)
        isem = (is0, is1, is2, is3)
        c = lax.axis_index("c")
        s = lax.axis_index("s")
        wid = s * NC + c
        e0 = wid * EPT
        r0 = s * RPT

        zval = jnp.zeros((16,), jnp.float32)

        def zrow(i, carry):
            for kk in range(D // 16):
                rows1[i, pl.ds(16 * kk, 16)] = zval
            if with_deg:
                ones_v[i, :] = jnp.ones((16,), jnp.float32)
                zd_v[i, :] = zval
            return carry

        lax.fori_loop(0, BLK, zrow, 0)

        def icopy(j, k):
            pltpu.async_copy(edges.at[0, pl.ds(e0 + j * BLK, BLK)],
                             sib[k], isem[k])
            pltpu.async_copy(edges.at[1, pl.ds(e0 + j * BLK, BLK)],
                             dib[k], isem[k])

        def iwait(j, k):
            pltpu.make_async_copy(edges.at[0, pl.ds(e0 + j * BLK, BLK)],
                                  sib[k], isem[k]).wait()
            pltpu.make_async_copy(edges.at[1, pl.ds(e0 + j * BLK, BLK)],
                                  dib[k], isem[k]).wait()

        def gather(k, buf, sem):
            pltpu.async_copy(table.at[sib[k]], buf, sem)

        def gwait(k, buf, sem):
            pltpu.make_async_copy(table.at[sib[k]], buf, sem).wait()

        def scat(k, buf):
            pltpu.sync_copy(buf, acc_sh.at[dib[k]], add=True)
            if with_deg:
                pltpu.sync_copy(ones_v, deg_sh.at[dib[k]], add=True)

        pltpu.sync_copy(edges.at[0, pl.ds(e0, BLK)], sib[0])
        pltpu.sync_copy(edges.at[1, pl.ds(e0, BLK)], dib[0])
        gather(0, rows0, gs0)
        icopy(1, 1)
        icopy(2, 2)
        icopy(3, 3)
        for t in range(NFULL):
            pltpu.sync_copy(rows1, acc_sh.at[pl.ds(r0 + t * BLK, BLK)])
            if with_deg:
                pltpu.sync_copy(zd_v, deg_sh.at[pl.ds(r0 + t * BLK, BLK)])
        if NREM:
            pltpu.sync_copy(rows1.at[pl.ds(0, NREM)],
                            acc_sh.at[pl.ds(r0 + NFULL * BLK, NREM)])
            if with_deg:
                pltpu.sync_copy(zd_v.at[pl.ds(0, NREM)],
                                deg_sh.at[pl.ds(r0 + NFULL * BLK, NREM)])
        plsc.subcore_barrier()

        def quad(jj, carry):
            b0 = 4 * jj
            iwait(b0 + 1, 1)
            gather(1, rows1, gs1)
            gwait(0, rows0, gs0)
            scat(0, rows0)
            icopy(b0 + 4, 0)

            iwait(b0 + 2, 2)
            gather(2, rows0, gs0)
            gwait(1, rows1, gs1)
            scat(1, rows1)

            @pl.when(b0 + 5 < NBLK)
            def _():
                icopy(b0 + 5, 1)

            iwait(b0 + 3, 3)
            gather(3, rows1, gs1)
            gwait(2, rows0, gs0)
            scat(2, rows0)

            @pl.when(b0 + 6 < NBLK)
            def _():
                icopy(b0 + 6, 2)

            iwait(b0 + 4, 0)
            gather(0, rows0, gs0)
            gwait(3, rows1, gs1)
            scat(3, rows1)

            @pl.when(b0 + 7 < NBLK)
            def _():
                icopy(b0 + 7, 3)

            return carry

        lax.fori_loop(0, NBLK // 4, quad, 0)
        gwait(0, rows0, gs0)
        scat(0, rows0)
        plsc.subcore_barrier()
        pltpu.sync_copy(acc_sh.at[pl.ds(r0, RPT)], out_p.at[c, pl.ds(r0, RPT)])
        if with_deg:
            pltpu.sync_copy(deg_sh.at[pl.ds(r0, RPT)],
                            out_d.at[c, pl.ds(r0, RPT)])

    return pl.kernel(body, out_type=out_type, mesh=mesh,
                     scratch_types=scratch,
                     compiler_params=pltpu.CompilerParams(
                         use_tc_tiling_on_sc=False))


_agg_deg = _make_agg(True)
_agg = _make_agg(False)


def _k1_body(x_ref, wn_ref, ws_ref, b_ref, a_ref, z_ref):
    xb = x_ref[...]
    a_ref[...] = jnp.dot(xb, wn_ref[...], preferred_element_type=jnp.float32)
    z_ref[...] = (jnp.dot(xb, ws_ref[...], preferred_element_type=jnp.float32)
                  + b_ref[...])


_k1 = pl.pallas_call(
    _k1_body,
    grid=(N // BR,),
    in_specs=[
        pl.BlockSpec((BR, D), lambda i: (i, 0)),
        pl.BlockSpec((D, D), lambda i: (0, 0)),
        pl.BlockSpec((D, D), lambda i: (0, 0)),
        pl.BlockSpec((1, D), lambda i: (0, 0)),
    ],
    out_specs=[
        pl.BlockSpec((BR, D), lambda i: (i, 0)),
        pl.BlockSpec((BR, D), lambda i: (i, 0)),
    ],
    out_shape=[
        jax.ShapeDtypeStruct((N, D), jnp.float32),
        jax.ShapeDtypeStruct((N, D), jnp.float32),
    ],
)


def _k2_body(p_ref, dg_ref, z1_ref, wn_ref, ws_ref, b_ref, a2_ref, z2_ref):
    s1 = p_ref[0] + p_ref[1]
    deg = jnp.maximum(dg_ref[0, :, :1] + dg_ref[1, :, :1], 1.0)
    h = jnp.maximum(z1_ref[...] + s1 / deg, 0.0)
    a2_ref[...] = jnp.dot(h, wn_ref[...], preferred_element_type=jnp.float32)
    z2_ref[...] = (jnp.dot(h, ws_ref[...], preferred_element_type=jnp.float32)
                   + b_ref[...])


_k2 = pl.pallas_call(
    _k2_body,
    grid=(N // BR,),
    in_specs=[
        pl.BlockSpec((NC, BR, D), lambda i: (0, i, 0)),
        pl.BlockSpec((NC, BR, DEGW), lambda i: (0, i, 0)),
        pl.BlockSpec((BR, D), lambda i: (i, 0)),
        pl.BlockSpec((D, D), lambda i: (0, 0)),
        pl.BlockSpec((D, D), lambda i: (0, 0)),
        pl.BlockSpec((1, D), lambda i: (0, 0)),
    ],
    out_specs=[
        pl.BlockSpec((BR, D), lambda i: (i, 0)),
        pl.BlockSpec((BR, D), lambda i: (i, 0)),
    ],
    out_shape=[
        jax.ShapeDtypeStruct((N, D), jnp.float32),
        jax.ShapeDtypeStruct((N, D), jnp.float32),
    ],
)


def _k3_body(p2_ref, dg_ref, z2_ref, out_ref):
    s2 = p2_ref[0] + p2_ref[1]
    deg = jnp.maximum(dg_ref[0, :, :1] + dg_ref[1, :, :1], 1.0)
    out_ref[...] = z2_ref[...] + s2 / deg


_k3 = pl.pallas_call(
    _k3_body,
    grid=(N // BR,),
    in_specs=[
        pl.BlockSpec((NC, BR, D), lambda i: (0, i, 0)),
        pl.BlockSpec((NC, BR, DEGW), lambda i: (0, i, 0)),
        pl.BlockSpec((BR, D), lambda i: (i, 0)),
    ],
    out_specs=pl.BlockSpec((BR, D), lambda i: (i, 0)),
    out_shape=jax.ShapeDtypeStruct((N, D), jnp.float32),
)


def kernel(x, edge_index, W_self1, W_neigh1, b1, W_self2, W_neigh2, b2):
    ei = edge_index if edge_index.dtype == jnp.int32 else (
        edge_index.astype(jnp.int32))
    b1r = b1.reshape(1, D)
    b2r = b2.reshape(1, D)

    a1, z1 = _k1(x, W_neigh1, W_self1, b1r)
    p1, dg = _agg_deg(a1, ei)
    a2, z2 = _k2(p1, dg, z1, W_neigh2, W_self2, b2r)
    (p2,) = _agg(a2, ei)
    return _k3(p2, dg, z2)

# --- scband reference (transcript-rebuilt; emitter-appended) ---
"""Pipeline reference for scband-sage-6571299963286 (READ-ONLY COPY).

The authoritative reference and input builder live on the scoring server;
editing this copy changes nothing except your own understanding.
"""

import jax, jax.numpy as jnp
import numpy as np

N_NODES = 10000
N_EDGES = 320000
D_IN = 128
D_HID = 128
D_OUT = 128


def setup_inputs(seed: int = 0) -> dict:
    key = jax.random.key(seed)
    ks = jax.random.split(key, 9)
    x = jax.random.normal(ks[0], (N_NODES, D_IN), dtype=jnp.float32)
    edge_index = jax.random.randint(ks[1], (2, N_EDGES), 0, N_NODES, dtype=jnp.int64)
    s1 = 1.0 / np.sqrt(D_IN)
    s2 = 1.0 / np.sqrt(D_HID)
    W_self1 = jax.random.uniform(ks[2], (D_IN, D_HID), jnp.float32, -s1, s1)
    W_neigh1 = jax.random.uniform(ks[3], (D_IN, D_HID), jnp.float32, -s1, s1)
    b1 = jnp.zeros((D_HID,), dtype=jnp.float32)
    W_self2 = jax.random.uniform(ks[4], (D_HID, D_OUT), jnp.float32, -s2, s2)
    W_neigh2 = jax.random.uniform(ks[5], (D_HID, D_OUT), jnp.float32, -s2, s2)
    b2 = jnp.zeros((D_OUT,), dtype=jnp.float32)
    return {"x": x, "edge_index": edge_index, "W_self1": W_self1, "W_neigh1": W_neigh1, "b1": b1, "W_self2": W_self2, "W_neigh2": W_neigh2, "b2": b2}


def _mean_agg(h, src, dst, n):
    # message: copy source features along edges; reduce: mean over incoming edges
    msg_sum = jax.ops.segment_sum(jnp.take(h, src, axis=0), dst, num_segments=n)
    deg = jax.ops.segment_sum(jnp.ones((src.shape[0],), dtype=h.dtype), dst, num_segments=n)
    return msg_sum / jnp.maximum(deg, 1.0)[:, None]


def reference(x, edge_index, W_self1, W_neigh1, b1, W_self2, W_neigh2, b2):
    # DGL SAGEConv (aggregator_type='mean'):
    #   rst = fc_self(h_self) + fc_neigh(mean_neigh(h)) + bias
    src = edge_index[0]
    dst = edge_index[1]
    n = x.shape[0]
    h_neigh1 = _mean_agg(x, src, dst, n)
    h = x @ W_self1 + h_neigh1 @ W_neigh1 + b1
    h = jax.nn.relu(h)
    h_neigh2 = _mean_agg(h, src, dst, n)
    out = h @ W_self2 + h_neigh2 @ W_neigh2 + b2
    return out

if __name__ == "__main__":
    import jax
    _d = setup_inputs()
    print(jax.jit(kernel)(*tuple(_d.values())))

</pallas_src>

<mosaic_0001>
#map = affine_map<(d0, d1) -> (0, 0)>
#map1 = affine_map<(d0, d1) -> (0, 0, 0)>
module attributes {stable_mosaic.version = 14 : i64} {
  func.func @body(%arg0: i32, %arg1: i32, %arg2: memref<10000x128xf32, #tpu.memory_space<hbm>>, %arg3: memref<2x320000xi32, #tpu.memory_space<hbm>>, %arg4: memref<2x10000x128xf32, #tpu.memory_space<hbm>>, %arg5: memref<80xi32, #tpu.memory_space<vmem>>, %arg6: memref<80xi32, #tpu.memory_space<vmem>>, %arg7: memref<80xi32, #tpu.memory_space<vmem>>, %arg8: memref<80xi32, #tpu.memory_space<vmem>>, %arg9: memref<80xi32, #tpu.memory_space<vmem>>, %arg10: memref<80xi32, #tpu.memory_space<vmem>>, %arg11: memref<80xi32, #tpu.memory_space<vmem>>, %arg12: memref<80xi32, #tpu.memory_space<vmem>>, %arg13: memref<80x128xf32, #tpu.memory_space<vmem>>, %arg14: memref<80x128xf32, #tpu.memory_space<vmem>>, %arg15: memref<10000x128xf32, #tpu.memory_space<vmem_shared>>, %arg16: memref<!tpu.dma_semaphore, #tpu.memory_space<semaphore_mem>>, %arg17: memref<!tpu.dma_semaphore, #tpu.memory_space<semaphore_mem>>, %arg18: memref<!tpu.dma_semaphore, #tpu.memory_space<semaphore_mem>>, %arg19: memref<!tpu.dma_semaphore, #tpu.memory_space<semaphore_mem>>, %arg20: memref<!tpu.dma_semaphore, #tpu.memory_space<semaphore_mem>>, %arg21: memref<!tpu.dma_semaphore, #tpu.memory_space<semaphore_mem>>) attributes {dimension_semantics = [#tpu.dimension_semantics<core_parallel>, #tpu.dimension_semantics<subcore_parallel>], iteration_bounds = array<i64: 2, 16>, scalar_prefetch = 0 : i64, scratch_operands = 17 : i64, tpu.core_type = #tpu.core_type<sc_vector_subcore>, window_params = [{transform_indices = #map}, {transform_indices = #map}, {transform_indices = #map1}]} {
    %mul3A = arith.constant 2 : i32
    %mul3A_0 = arith.muli %arg1, %mul3A : i32
    %add3A = arith.addi %mul3A_0, %arg0 : i32
    %mul3A_1 = arith.constant 10000 : i32
    %mul3A_2 = arith.muli %add3A, %mul3A_1 : i32
    %mul3A_3 = arith.constant 625 : i32
    %mul3A_4 = arith.muli %arg1, %mul3A_3 : i32
    %broadcast_in_dim3A = arith.constant 0.000000e+00 : f32
    %broadcast_in_dim3A_5 = vector.broadcast %broadcast_in_dim3A : f32 to vector<16xf32>
    %scan3A = arith.constant 0 : i32
    %scan3A_6 = arith.constant 0 : i32
    %scan3A_7 = arith.constant 80 : i32
    %scan3A_8 = arith.addi %scan3A_6, %scan3A_7 : i32
    %scan3A_9 = arith.constant 1 : i32
    scf.for %scan3A_81 = %scan3A_6 to %scan3A_8 step %scan3A_9  : i32 {
      %swap3A = arith.index_cast %scan3A_81 : i32 to index
      %swap3A_82 = arith.constant 0 : index
      %swap3A_83 = tpu.vector_load %arg14[%swap3A, %swap3A_82] {strides = array<i32>} : memref<80x128xf32, #tpu.memory_space<vmem>>, vector<1x16xf32>,
      %swap3A_84 = vector.shape_cast %swap3A_83 : vector<1x16xf32> to vector<16xf32>
      %swap3A_85 = vector.shape_cast %broadcast_in_dim3A_5 : vector<16xf32> to vector<1x16xf32>
      tpu.vector_store %arg14[%swap3A, %swap3A_82], %swap3A_85 {strides = array<i32>} : memref<80x128xf32, #tpu.memory_space<vmem>>, vector<1x16xf32>,
      %swap3A_86 = arith.index_cast %scan3A_81 : i32 to index
      %swap3A_87 = arith.constant 16 : index
      %swap3A_88 = tpu.vector_load %arg14[%swap3A_86, %swap3A_87] {strides = array<i32>} : memref<80x128xf32, #tpu.memory_space<vmem>>, vector<1x16xf32>,
      %swap3A_89 = vector.shape_cast %swap3A_88 : vector<1x16xf32> to vector<16xf32>
      %swap3A_90 = vector.shape_cast %broadcast_in_dim3A_5 : vector<16xf32> to vector<1x16xf32>
      tpu.vector_store %arg14[%swap3A_86, %swap3A_87], %swap3A_90 {strides = array<i32>} : memref<80x128xf32, #tpu.memory_space<vmem>>, vector<1x16xf32>,
      %swap3A_91 = arith.index_cast %scan3A_81 : i32 to index
      %swap3A_92 = arith.constant 32 : index
      %swap3A_93 = tpu.vector_load %arg14[%swap3A_91, %swap3A_92] {strides = array<i32>} : memref<80x128xf32, #tpu.memory_space<vmem>>, vector<1x16xf32>,
      %swap3A_94 = vector.shape_cast %swap3A_93 : vector<1x16xf32> to vector<16xf32>
      %swap3A_95 = vector.shape_cast %broadcast_in_dim3A_5 : vector<16xf32> to vector<1x16xf32>
      tpu.vector_store %arg14[%swap3A_91, %swap3A_92], %swap3A_95 {strides = array<i32>} : memref<80x128xf32, #tpu.memory_space<vmem>>, vector<1x16xf32>,
      %swap3A_96 = arith.index_cast %scan3A_81 : i32 to index
      %swap3A_97 = arith.constant 48 : index
      %swap3A_98 = tpu.vector_load %arg14[%swap3A_96, %swap3A_97] {strides = array<i32>} : memref<80x128xf32, #tpu.memory_space<vmem>>, vector<1x16xf32>,
      %swap3A_99 = vector.shape_cast %swap3A_98 : vector<1x16xf32> to vector<16xf32>
      %swap3A_100 = vector.shape_cast %broadcast_in_dim3A_5 : vector<16xf32> to vector<1x16xf32>
      tpu.vector_store %arg14[%swap3A_96, %swap3A_97], %swap3A_100 {strides = array<i32>} : memref<80x128xf32, #tpu.memory_space<vmem>>, vector<1x16xf32>,
      %swap3A_101 = arith.index_cast %scan3A_81 : i32 to index
      %swap3A_102 = arith.constant 64 : index
      %swap3A_103 = tpu.vector_load %arg14[%swap3A_101, %swap3A_102] {strides = array<i32>} : memref<80x128xf32, #tpu.memory_space<vmem>>, vector<1x16xf32>,
      %swap3A_104 = vector.shape_cast %swap3A_103 : vector<1x16xf32> to vector<16xf32>
      %swap3A_105 = vector.shape_cast %broadcast_in_dim3A_5 : vector<16xf32> to vector<1x16xf32>
      tpu.vector_store %arg14[%swap3A_101, %swap3A_102], %swap3A_105 {strides = array<i32>} : memref<80x128xf32, #tpu.memory_space<vmem>>, vector<1x16xf32>,
      %swap3A_106 = arith.index_cast %scan3A_81 : i32 to index
      %swap3A_107 = arith.constant 80 : index
      %swap3A_108 = tpu.vector_load %arg14[%swap3A_106, %swap3A_107] {strides = array<i32>} : memref<80x128xf32, #tpu.memory_space<vmem>>, vector<1x16xf32>,
      %swap3A_109 = vector.shape_cast %swap3A_108 : vector<1x16xf32> to vector<16xf32>
      %swap3A_110 = vector.shape_cast %broadcast_in_dim3A_5 : vector<16xf32> to vector<1x16xf32>
      tpu.vector_store %arg14[%swap3A_106, %swap3A_107], %swap3A_110 {strides = array<i32>} : memref<80x128xf32, #tpu.memory_space<vmem>>, vector<1x16xf32>,
      %swap3A_111 = arith.index_cast %scan3A_81 : i32 to index
      %swap3A_112 = arith.constant 96 : index
      %swap3A_113 = tpu.vector_load %arg14[%swap3A_111, %swap3A_112] {strides = array<i32>} : memref<80x128xf32, #tpu.memory_space<vmem>>, vector<1x16xf32>,
      %swap3A_114 = vector.shape_cast %swap3A_113 : vector<1x16xf32> to vector<16xf32>
      %swap3A_115 = vector.shape_cast %broadcast_in_dim3A_5 : vector<16xf32> to vector<1x16xf32>
      tpu.vector_store %arg14[%swap3A_111, %swap3A_112], %swap3A_115 {strides = array<i32>} : memref<80x128xf32, #tpu.memory_space<vmem>>, vector<1x16xf32>,
      %swap3A_116 = arith.index_cast %scan3A_81 : i32 to index
      %swap3A_117 = arith.constant 112 : index
      %swap3A_118 = tpu.vector_load %arg14[%swap3A_116, %swap3A_117] {strides = array<i32>} : memref<80x128xf32, #tpu.memory_space<vmem>>, vector<1x16xf32>,
      %swap3A_119 = vector.shape_cast %swap3A_118 : vector<1x16xf32> to vector<16xf32>
      %swap3A_120 = vector.shape_cast %broadcast_in_dim3A_5 : vector<16xf32> to vector<1x16xf32>
      tpu.vector_store %arg14[%swap3A_116, %swap3A_117], %swap3A_120 {strides = array<i32>} : memref<80x128xf32, #tpu.memory_space<vmem>>, vector<1x16xf32>,
    }
    %scan3A_10 = arith.constant 80 : i32
    %run_scoped3A = arith.constant 0 : i32
    "tpu.region"() ({
      %run_scoped3A_81 = tpu.sem_alloc : memref<!tpu.dma_semaphore, #tpu.memory_space<semaphore_mem>>
      %dma_start3A_82 = tpu.memref_slice %arg3[%run_scoped3A, %mul3A_2] : memref<2x320000xi32, #tpu.memory_space<hbm>> -> memref<1x80xi32, #tpu.memory_space<hbm>>
      %dma_start3A_83 = tpu.memref_squeeze %dma_start3A_82 : memref<1x80xi32, #tpu.memory_space<hbm>> -> memref<80xi32, #tpu.memory_space<hbm>>
      %dma_start3A_84 = tpu.memref_slice %arg3[%run_scoped3A, %mul3A_2] : memref<2x320000xi32, #tpu.memory_space<hbm>> -> memref<1x80xi32, #tpu.memory_space<hbm>>
      %dma_start3A_85 = tpu.memref_squeeze %dma_start3A_84 : memref<1x80xi32, #tpu.memory_space<hbm>> -> memref<80xi32, #tpu.memory_space<hbm>>
      tpu.enqueue_dma source(%dma_start3A_85 : memref<80xi32, #tpu.memory_space<hbm>>) target(%arg5 : memref<80xi32, #tpu.memory_space<vmem>>) target_semaphore(%run_scoped3A_81 : memref<!tpu.dma_semaphore, #tpu.memory_space<semaphore_mem>>)
      %dma_wait3A_86 = tpu.memref_slice %arg3[%run_scoped3A, %mul3A_2] : memref<2x320000xi32, #tpu.memory_space<hbm>> -> memref<1x80xi32, #tpu.memory_space<hbm>>
      %dma_wait3A_87 = tpu.memref_squeeze %dma_wait3A_86 : memref<1x80xi32, #tpu.memory_space<hbm>> -> memref<80xi32, #tpu.memory_space<hbm>>
      %dma_wait3A_88 = tpu.memref_slice %arg3[%run_scoped3A, %mul3A_2] : memref<2x320000xi32, #tpu.memory_space<hbm>> -> memref<1x80xi32, #tpu.memory_space<hbm>>
      %dma_wait3A_89 = tpu.memref_squeeze %dma_wait3A_88 : memref<1x80xi32, #tpu.memory_space<hbm>> -> memref<80xi32, #tpu.memory_space<hbm>>
      tpu.wait_dma2 semaphore(%run_scoped3A_81 : memref<!tpu.dma_semaphore, #tpu.memory_space<semaphore_mem>>) src(%dma_wait3A_89 : memref<80xi32, #tpu.memory_space<hbm>>) dst(%arg5 : memref<80xi32, #tpu.memory_space<vmem>>)
      tpu.yield
    }) : () -> ()
    %run_scoped3A_11 = arith.constant 1 : i32
    "tpu.region"() ({
      %run_scoped3A_81 = tpu.sem_alloc : memref<!tpu.dma_semaphore, #tpu.memory_space<semaphore_mem>>
      %dma_start3A_82 = tpu.memref_slice %arg3[%run_scoped3A_11, %mul3A_2] : memref<2x320000xi32, #tpu.memory_space<hbm>> -> memref<1x80xi32, #tpu.memory_space<hbm>>
      %dma_start3A_83 = tpu.memref_squeeze %dma_start3A_82 : memref<1x80xi32, #tpu.memory_space<hbm>> -> memref<80xi32, #tpu.memory_space<hbm>>
      %dma_start3A_84 = tpu.memref_slice %arg3[%run_scoped3A_11, %mul3A_2] : memref<2x320000xi32, #tpu.memory_space<hbm>> -> memref<1x80xi32, #tpu.memory_space<hbm>>
      %dma_start3A_85 = tpu.memref_squeeze %dma_start3A_84 : memref<1x80xi32, #tpu.memory_space<hbm>> -> memref<80xi32, #tpu.memory_space<hbm>>
      tpu.enqueue_dma source(%dma_start3A_85 : memref<80xi32, #tpu.memory_space<hbm>>) target(%arg9 : memref<80xi32, #tpu.memory_space<vmem>>) target_semaphore(%run_scoped3A_81 : memref<!tpu.dma_semaphore, #tpu.memory_space<semaphore_mem>>)
      %dma_wait3A_86 = tpu.memref_slice %arg3[%run_scoped3A_11, %mul3A_2] : memref<2x320000xi32, #tpu.memory_space<hbm>> -> memref<1x80xi32, #tpu.memory_space<hbm>>
      %dma_wait3A_87 = tpu.memref_squeeze %dma_wait3A_86 : memref<1x80xi32, #tpu.memory_space<hbm>> -> memref<80xi32, #tpu.memory_space<hbm>>
      %dma_wait3A_88 = tpu.memref_slice %arg3[%run_scoped3A_11, %mul3A_2] : memref<2x320000xi32, #tpu.memory_space<hbm>> -> memref<1x80xi32, #tpu.memory_space<hbm>>
      %dma_wait3A_89 = tpu.memref_squeeze %dma_wait3A_88 : memref<1x80xi32, #tpu.memory_space<hbm>> -> memref<80xi32, #tpu.memory_space<hbm>>
      tpu.wait_dma2 semaphore(%run_scoped3A_81 : memref<!tpu.dma_semaphore, #tpu.memory_space<semaphore_mem>>) src(%dma_wait3A_89 : memref<80xi32, #tpu.memory_space<hbm>>) dst(%arg9 : memref<80xi32, #tpu.memory_space<vmem>>)
      tpu.yield
    }) : () -> ()
    %dma_start3A = arith.constant 0 : i32
    %dma_start3A_12 = arith.constant 0 : i32
    %dma_start3A_13 = tpu.memref_slice %arg2[%dma_start3A, %dma_start3A_12] : memref<10000x128xf32, #tpu.memory_space<hbm>> -> memref<10000x128xf32, #tpu.memory_space<hbm>>
    tpu.enqueue_indirect_dma source(%dma_start3A_13 : memref<10000x128xf32, #tpu.memory_space<hbm>>) target(%arg13 : memref<80x128xf32, #tpu.memory_space<vmem>>) offsets(%arg5 : memref<80xi32, #tpu.memory_space<vmem>>) semaphore(%arg20 : memref<!tpu.dma_semaphore, #tpu.memory_space<semaphore_mem>>)
    %add3A_14 = arith.constant 80 : i32
    %add3A_15 = arith.addi %mul3A_2, %add3A_14 : i32
    %dma_start3A_16 = arith.constant 0 : i32
    %dma_start3A_17 = tpu.memref_slice %arg3[%dma_start3A_16, %add3A_15] : memref<2x320000xi32, #tpu.memory_space<hbm>> -> memref<1x80xi32, #tpu.memory_space<hbm>>
    %dma_start3A_18 = tpu.memref_squeeze %dma_start3A_17 : memref<1x80xi32, #tpu.memory_space<hbm>> -> memref<80xi32, #tpu.memory_space<hbm>>
    %dma_start3A_19 = tpu.memref_slice %arg3[%dma_start3A_16, %add3A_15] : memref<2x320000xi32, #tpu.memory_space<hbm>> -> memref<1x80xi32, #tpu.memory_space<hbm>>
    %dma_start3A_20 = tpu.memref_squeeze %dma_start3A_19 : memref<1x80xi32, #tpu.memory_space<hbm>> -> memref<80xi32, #tpu.memory_space<hbm>>
    tpu.enqueue_dma source(%dma_start3A_20 : memref<80xi32, #tpu.memory_space<hbm>>) target(%arg6 : memref<80xi32, #tpu.memory_space<vmem>>) target_semaphore(%arg17 : memref<!tpu.dma_semaphore, #tpu.memory_space<semaphore_mem>>)
    %add3A_21 = arith.constant 80 : i32
    %add3A_22 = arith.addi %mul3A_2, %add3A_21 : i32
    %dma_start3A_23 = arith.constant 1 : i32
    %dma_start3A_24 = tpu.memref_slice %arg3[%dma_start3A_23, %add3A_22] : memref<2x320000xi32, #tpu.memory_space<hbm>> -> memref<1x80xi32, #tpu.memory_space<hbm>>
    %dma_start3A_25 = tpu.memref_squeeze %dma_start3A_24 : memref<1x80xi32, #tpu.memory_space<hbm>> -> memref<80xi32, #tpu.memory_space<hbm>>
    %dma_start3A_26 = tpu.memref_slice %arg3[%dma_start3A_23, %add3A_22] : memref<2x320000xi32, #tpu.memory_space<hbm>> -> memref<1x80xi32, #tpu.memory_space<hbm>>
    %dma_start3A_27 = tpu.memref_squeeze %dma_start3A_26 : memref<1x80xi32, #tpu.memory_space<hbm>> -> memref<80xi32, #tpu.memory_space<hbm>>
    tpu.enqueue_dma source(%dma_start3A_27 : memref<80xi32, #tpu.memory_space<hbm>>) target(%arg10 : memref<80xi32, #tpu.memory_space<vmem>>) target_semaphore(%arg17 : memref<!tpu.dma_semaphore, #tpu.memory_space<semaphore_mem>>)
    %add3A_28 = arith.constant 160 : i32
    %add3A_29 = arith.addi %mul3A_2, %add3A_28 : i32
    %dma_start3A_30 = arith.constant 0 : i32
    %dma_start3A_31 = tpu.memref_slice %arg3[%dma_start3A_30, %add3A_29] : memref<2x320000xi32, #tpu.memory_space<hbm>> -> memref<1x80xi32, #tpu.memory_space<hbm>>
    %dma_start3A_32 = tpu.memref_squeeze %dma_start3A_31 : memref<1x80xi32, #tpu.memory_space<hbm>> -> memref<80xi32, #tpu.memory_space<hbm>>
    %dma_start3A_33 = tpu.memref_slice %arg3[%dma_start3A_30, %add3A_29] : memref<2x320000xi32, #tpu.memory_space<hbm>> -> memref<1x80xi32, #tpu.memory_space<hbm>>
    %dma_start3A_34 = tpu.memref_squeeze %dma_start3A_33 : memref<1x80xi32, #tpu.memory_space<hbm>> -> memref<80xi32, #tpu.memory_space<hbm>>
    tpu.enqueue_dma source(%dma_start3A_34 : memref<80xi32, #tpu.memory_space<hbm>>) target(%arg7 : memref<80xi32, #tpu.memory_space<vmem>>) target_semaphore(%arg18 : memref<!tpu.dma_semaphore, #tpu.memory_space<semaphore_mem>>)
    %add3A_35 = arith.constant 160 : i32
    %add3A_36 = arith.addi %mul3A_2, %add3A_35 : i32
    %dma_start3A_37 = arith.constant 1 : i32
    %dma_start3A_38 = tpu.memref_slice %arg3[%dma_start3A_37, %add3A_36] : memref<2x320000xi32, #tpu.memory_space<hbm>> -> memref<1x80xi32, #tpu.memory_space<hbm>>
    %dma_start3A_39 = tpu.memref_squeeze %dma_start3A_38 : memref<1x80xi32, #tpu.memory_space<hbm>> -> memref<80xi32, #tpu.memory_space<hbm>>
    %dma_start3A_40 = tpu.memref_slice %arg3[%dma_start3A_37, %add3A_36] : memref<2x320000xi32, #tpu.memory_space<hbm>> -> memref<1x80xi32, #tpu.memory_space<hbm>>
    %dma_start3A_41 = tpu.memref_squeeze %dma_start3A_40 : memref<1x80xi32, #tpu.memory_space<hbm>> -> memref<80xi32, #tpu.memory_space<hbm>>
    tpu.enqueue_dma source(%dma_start3A_41 : memref<80xi32, #tpu.memory_space<hbm>>) target(%arg11 : memref<80xi32, #tpu.memory_space<vmem>>) target_semaphore(%arg18 : memref<!tpu.dma_semaphore, #tpu.memory_space<semaphore_mem>>)
    %add3A_42 = arith.constant 240 : i32
    %add3A_43 = arith.addi %mul3A_2, %add3A_42 : i32
    %dma_start3A_44 = arith.constant 0 : i32
    %dma_start3A_45 = tpu.memref_slice %arg3[%dma_start3A_44, %add3A_43] : memref<2x320000xi32, #tpu.memory_space<hbm>> -> memref<1x80xi32, #tpu.memory_space<hbm>>
    %dma_start3A_46 = tpu.memref_squeeze %dma_start3A_45 : memref<1x80xi32, #tpu.memory_space<hbm>> -> memref<80xi32, #tpu.memory_space<hbm>>
    %dma_start3A_47 = tpu.memref_slice %arg3[%dma_start3A_44, %add3A_43] : memref<2x320000xi32, #tpu.memory_space<hbm>> -> memref<1x80xi32, #tpu.memory_space<hbm>>
    %dma_start3A_48 = tpu.memref_squeeze %dma_start3A_47 : memref<1x80xi32, #tpu.memory_space<hbm>> -> memref<80xi32, #tpu.memory_space<hbm>>
    tpu.enqueue_dma source(%dma_start3A_48 : memref<80xi32, #tpu.memory_space<hbm>>) target(%arg8 : memref<80xi32, #tpu.memory_space<vmem>>) target_semaphore(%arg19 : memref<!tpu.dma_semaphore, #tpu.memory_space<semaphore_mem>>)
    %add3A_49 = arith.constant 240 : i32
    %add3A_50 = arith.addi %mul3A_2, %add3A_49 : i32
    %dma_start3A_51 = arith.constant 1 : i32
    %dma_start3A_52 = tpu.memref_slice %arg3[%dma_start3A_51, %add3A_50] : memref<2x320000xi32, #tpu.memory_space<hbm>> -> memref<1x80xi32, #tpu.memory_space<hbm>>
    %dma_start3A_53 = tpu.memref_squeeze %dma_start3A_52 : memref<1x80xi32, #tpu.memory_space<hbm>> -> memref<80xi32, #tpu.memory_space<hbm>>
    %dma_start3A_54 = tpu.memref_slice %arg3[%dma_start3A_51, %add3A_50] : memref<2x320000xi32, #tpu.memory_space<hbm>> -> memref<1x80xi32, #tpu.memory_space<hbm>>
    %dma_start3A_55 = tpu.memref_squeeze %dma_start3A_54 : memref<1x80xi32, #tpu.memory_space<hbm>> -> memref<80xi32, #tpu.memory_space<hbm>>
    tpu.enqueue_dma source(%dma_start3A_55 : memref<80xi32, #tpu.memory_space<hbm>>) target(%arg12 : memref<80xi32, #tpu.memory_space<vmem>>) target_semaphore(%arg19 : memref<!tpu.dma_semaphore, #tpu.memory_space<semaphore_mem>>)
    %add3A_56 = arith.constant 0 : i32
    %add3A_57 = arith.addi %mul3A_4, %add3A_56 : i32
    "tpu.region"() ({
      %run_scoped3A_81 = tpu.sem_alloc : memref<!tpu.dma_semaphore, #tpu.memory_space<semaphore_mem>>
      %dma_start3A_82 = arith.constant 0 : i32
      %dma_start3A_83 = tpu.memref_slice %arg15[%add3A_57, %dma_start3A_82] : memref<10000x128xf32, #tpu.memory_space<vmem_shared>> -> memref<80x128xf32, #tpu.memory_space<vmem_shared>>
      %dma_start3A_84 = arith.constant 0 : i32
      %dma_start3A_85 = tpu.memref_slice %arg15[%add3A_57, %dma_start3A_84] : memref<10000x128xf32, #tpu.memory_space<vmem_shared>> -> memref<80x128xf32, #tpu.memory_space<vmem_shared>>
      tpu.enqueue_dma source(%arg14 : memref<80x128xf32, #tpu.memory_space<vmem>>) target(%dma_start3A_85 : memref<80x128xf32, #tpu.memory_space<vmem_shared>>) target_semaphore(%run_scoped3A_81 : memref<!tpu.dma_semaphore, #tpu.memory_space<semaphore_mem>>)
      %dma_wait3A_86 = arith.constant 0 : i32
      %dma_wait3A_87 = tpu.memref_slice %arg15[%add3A_57, %dma_wait3A_86] : memref<10000x128xf32, #tpu.memory_space<vmem_shared>> -> memref<80x128xf32, #tpu.memory_space<vmem_shared>>
      %dma_wait3A_88 = arith.constant 0 : i32
      %dma_wait3A_89 = tpu.memref_slice %arg15[%add3A_57, %dma_wait3A_88] : memref<10000x128xf32, #tpu.memory_space<vmem_shared>> -> memref<80x128xf32, #tpu.memory_space<vmem_shared>>
      tpu.wait_dma2 semaphore(%run_scoped3A_81 : memref<!tpu.dma_semaphore, #tpu.memory_space<semaphore_mem>>) src(%arg14 : memref<80x128xf32, #tpu.memory_space<vmem>>) dst(%dma_wait3A_89 : memref<80x128xf32, #tpu.memory_space<vmem_shared>>)
      tpu.yield
    }) : () -> ()
    %add3A_58 = arith.constant 80 : i32
    %add3A_59 = arith.addi %mul3A_4, %add3A_58 : i32
    "tpu.region"() ({
      %run_scoped3A_81 = tpu.sem_alloc : memref<!tpu.dma_semaphore, #tpu.memory_space<semaphore_mem>>
      %dma_start3A_82 = arith.constant 0 : i32
      %dma_start3A_83 = tpu.memref_slice %arg15[%add3A_59, %dma_start3A_82] : memref<10000x128xf32, #tpu.memory_space<vmem_shared>> -> memref<80x128xf32, #tpu.memory_space<vmem_shared>>
      %dma_start3A_84 = arith.constant 0 : i32
      %dma_start3A_85 = tpu.memref_slice %arg15[%add3A_59, %dma_start3A_84] : memref<10000x128xf32, #tpu.memory_space<vmem_shared>> -> memref<80x128xf32, #tpu.memory_space<vmem_shared>>
      tpu.enqueue_dma source(%arg14 : memref<80x128xf32, #tpu.memory_space<vmem>>) target(%dma_start3A_85 : memref<80x128xf32, #tpu.memory_space<vmem_shared>>) target_semaphore(%run_scoped3A_81 : memref<!tpu.dma_semaphore, #tpu.memory_space<semaphore_mem>>)
      %dma_wait3A_86 = arith.constant 0 : i32
      %dma_wait3A_87 = tpu.memref_slice %arg15[%add3A_59, %dma_wait3A_86] : memref<10000x128xf32, #tpu.memory_space<vmem_shared>> -> memref<80x128xf32, #tpu.memory_space<vmem_shared>>
      %dma_wait3A_88 = arith.constant 0 : i32
      %dma_wait3A_89 = tpu.memref_slice %arg15[%add3A_59, %dma_wait3A_88] : memref<10000x128xf32, #tpu.memory_space<vmem_shared>> -> memref<80x128xf32, #tpu.memory_space<vmem_shared>>
      tpu.wait_dma2 semaphore(%run_scoped3A_81 : memref<!tpu.dma_semaphore, #tpu.memory_space<semaphore_mem>>) src(%arg14 : memref<80x128xf32, #tpu.memory_space<vmem>>) dst(%dma_wait3A_89 : memref<80x128xf32, #tpu.memory_space<vmem_shared>>)
      tpu.yield
    }) : () -> ()
    %add3A_60 = arith.constant 160 : i32
    %add3A_61 = arith.addi %mul3A_4, %add3A_60 : i32
    "tpu.region"() ({
      %run_scoped3A_81 = tpu.sem_alloc : memref<!tpu.dma_semaphore, #tpu.memory_space<semaphore_mem>>
      %dma_start3A_82 = arith.constant 0 : i32
      %dma_start3A_83 = tpu.memref_slice %arg15[%add3A_61, %dma_start3A_82] : memref<10000x128xf32, #tpu.memory_space<vmem_shared>> -> memref<80x128xf32, #tpu.memory_space<vmem_shared>>
      %dma_start3A_84 = arith.constant 0 : i32
      %dma_start3A_85 = tpu.memref_slice %arg15[%add3A_61, %dma_start3A_84] : memref<10000x128xf32, #tpu.memory_space<vmem_shared>> -> memref<80x128xf32, #tpu.memory_space<vmem_shared>>
      tpu.enqueue_dma source(%arg14 : memref<80x128xf32, #tpu.memory_space<vmem>>) target(%dma_start3A_85 : memref<80x128xf32, #tpu.memory_space<vmem_shared>>) target_semaphore(%run_scoped3A_81 : memref<!tpu.dma_semaphore, #tpu.memory_space<semaphore_mem>>)
      %dma_wait3A_86 = arith.constant 0 : i32
      %dma_wait3A_87 = tpu.memref_slice %arg15[%add3A_61, %dma_wait3A_86] : memref<10000x128xf32, #tpu.memory_space<vmem_shared>> -> memref<80x128xf32, #tpu.memory_space<vmem_shared>>
      %dma_wait3A_88 = arith.constant 0 : i32
      %dma_wait3A_89 = tpu.memref_slice %arg15[%add3A_61, %dma_wait3A_88] : memref<10000x128xf32, #tpu.memory_space<vmem_shared>> -> memref<80x128xf32, #tpu.memory_space<vmem_shared>>
      tpu.wait_dma2 semaphore(%run_scoped3A_81 : memref<!tpu.dma_semaphore, #tpu.memory_space<semaphore_mem>>) src(%arg14 : memref<80x128xf32, #tpu.memory_space<vmem>>) dst(%dma_wait3A_89 : memref<80x128xf32, #tpu.memory_space<vmem_shared>>)
      tpu.yield
    }) : () -> ()
    %add3A_62 = arith.constant 240 : i32
    %add3A_63 = arith.addi %mul3A_4, %add3A_62 : i32
    "tpu.region"() ({
      %run_scoped3A_81 = tpu.sem_alloc : memref<!tpu.dma_semaphore, #tpu.memory_space<semaphore_mem>>
      %dma_start3A_82 = arith.constant 0 : i32
      %dma_start3A_83 = tpu.memref_slice %arg15[%add3A_63, %dma_start3A_82] : memref<10000x128xf32, #tpu.memory_space<vmem_shared>> -> memref<80x128xf32, #tpu.memory_space<vmem_shared>>
      %dma_start3A_84 = arith.constant 0 : i32
      %dma_start3A_85 = tpu.memref_slice %arg15[%add3A_63, %dma_start3A_84] : memref<10000x128xf32, #tpu.memory_space<vmem_shared>> -> memref<80x128xf32, #tpu.memory_space<vmem_shared>>
      tpu.enqueue_dma source(%arg14 : memref<80x128xf32, #tpu.memory_space<vmem>>) target(%dma_start3A_85 : memref<80x128xf32, #tpu.memory_space<vmem_shared>>) target_semaphore(%run_scoped3A_81 : memref<!tpu.dma_semaphore, #tpu.memory_space<semaphore_mem>>)
      %dma_wait3A_86 = arith.constant 0 : i32
      %dma_wait3A_87 = tpu.memref_slice %arg15[%add3A_63, %dma_wait3A_86] : memref<10000x128xf32, #tpu.memory_space<vmem_shared>> -> memref<80x128xf32, #tpu.memory_space<vmem_shared>>
      %dma_wait3A_88 = arith.constant 0 : i32
      %dma_wait3A_89 = tpu.memref_slice %arg15[%add3A_63, %dma_wait3A_88] : memref<10000x128xf32, #tpu.memory_space<vmem_shared>> -> memref<80x128xf32, #tpu.memory_space<vmem_shared>>
      tpu.wait_dma2 semaphore(%run_scoped3A_81 : memref<!tpu.dma_semaphore, #tpu.memory_space<semaphore_mem>>) src(%arg14 : memref<80x128xf32, #tpu.memory_space<vmem>>) dst(%dma_wait3A_89 : memref<80x128xf32, #tpu.memory_space<vmem_shared>>)
      tpu.yield
    }) : () -> ()
    %add3A_64 = arith.constant 320 : i32
    %add3A_65 = arith.addi %mul3A_4, %add3A_64 : i32
    "tpu.region"() ({
      %run_scoped3A_81 = tpu.sem_alloc : memref<!tpu.dma_semaphore, #tpu.memory_space<semaphore_mem>>
      %dma_start3A_82 = arith.constant 0 : i32
      %dma_start3A_83 = tpu.memref_slice %arg15[%add3A_65, %dma_start3A_82] : memref<10000x128xf32, #tpu.memory_space<vmem_shared>> -> memref<80x128xf32, #tpu.memory_space<vmem_shared>>
      %dma_start3A_84 = arith.constant 0 : i32
      %dma_start3A_85 = tpu.memref_slice %arg15[%add3A_65, %dma_start3A_84] : memref<10000x128xf32, #tpu.memory_space<vmem_shared>> -> memref<80x128xf32, #tpu.memory_space<vmem_shared>>
      tpu.enqueue_dma source(%arg14 : memref<80x128xf32, #tpu.memory_space<vmem>>) target(%dma_start3A_85 : memref<80x128xf32, #tpu.memory_space<vmem_shared>>) target_semaphore(%run_scoped3A_81 : memref<!tpu.dma_semaphore, #tpu.memory_space<semaphore_mem>>)
      %dma_wait3A_86 = arith.constant 0 : i32
      %dma_wait3A_87 = tpu.memref_slice %arg15[%add3A_65, %dma_wait3A_86] : memref<10000x128xf32, #tpu.memory_space<vmem_shared>> -> memref<80x128xf32, #tpu.memory_space<vmem_shared>>
      %dma_wait3A_88 = arith.constant 0 : i32
      %dma_wait3A_89 = tpu.memref_slice %arg15[%add3A_65, %dma_wait3A_88] : memref<10000x128xf32, #tpu.memory_space<vmem_shared>> -> memref<80x128xf32, #tpu.memory_space<vmem_shared>>
      tpu.wait_dma2 semaphore(%run_scoped3A_81 : memref<!tpu.dma_semaphore, #tpu.memory_space<semaphore_mem>>) src(%arg14 : memref<80x128xf32, #tpu.memory_space<vmem>>) dst(%dma_wait3A_89 : memref<80x128xf32, #tpu.memory_space<vmem_shared>>)
      tpu.yield
    }) : () -> ()
    %add3A_66 = arith.constant 400 : i32
    %add3A_67 = arith.addi %mul3A_4, %add3A_66 : i32
    "tpu.region"() ({
      %run_scoped3A_81 = tpu.sem_alloc : memref<!tpu.dma_semaphore, #tpu.memory_space<semaphore_mem>>
      %dma_start3A_82 = arith.constant 0 : i32
      %dma_start3A_83 = tpu.memref_slice %arg15[%add3A_67, %dma_start3A_82] : memref<10000x128xf32, #tpu.memory_space<vmem_shared>> -> memref<80x128xf32, #tpu.memory_space<vmem_shared>>
      %dma_start3A_84 = arith.constant 0 : i32
      %dma_start3A_85 = tpu.memref_slice %arg15[%add3A_67, %dma_start3A_84] : memref<10000x128xf32, #tpu.memory_space<vmem_shared>> -> memref<80x128xf32, #tpu.memory_space<vmem_shared>>
      tpu.enqueue_dma source(%arg14 : memref<80x128xf32, #tpu.memory_space<vmem>>) target(%dma_start3A_85 : memref<80x128xf32, #tpu.memory_space<vmem_shared>>) target_semaphore(%run_scoped3A_81 : memref<!tpu.dma_semaphore, #tpu.memory_space<semaphore_mem>>)
      %dma_wait3A_86 = arith.constant 0 : i32
      %dma_wait3A_87 = tpu.memref_slice %arg15[%add3A_67, %dma_wait3A_86] : memref<10000x128xf32, #tpu.memory_space<vmem_shared>> -> memref<80x128xf32, #tpu.memory_space<vmem_shared>>
      %dma_wait3A_88 = arith.constant 0 : i32
      %dma_wait3A_89 = tpu.memref_slice %arg15[%add3A_67, %dma_wait3A_88] : memref<10000x128xf32, #tpu.memory_space<vmem_shared>> -> memref<80x128xf32, #tpu.memory_space<vmem_shared>>
      tpu.wait_dma2 semaphore(%run_scoped3A_81 : memref<!tpu.dma_semaphore, #tpu.memory_space<semaphore_mem>>) src(%arg14 : memref<80x128xf32, #tpu.memory_space<vmem>>) dst(%dma_wait3A_89 : memref<80x128xf32, #tpu.memory_space<vmem_shared>>)
      tpu.yield
    }) : () -> ()
    %add3A_68 = arith.constant 480 : i32
    %add3A_69 = arith.addi %mul3A_4, %add3A_68 : i32
    "tpu.region"() ({
      %run_scoped3A_81 = tpu.sem_alloc : memref<!tpu.dma_semaphore, #tpu.memory_space<semaphore_mem>>
      %dma_start3A_82 = arith.constant 0 : i32
      %dma_start3A_83 = tpu.memref_slice %arg15[%add3A_69, %dma_start3A_82] : memref<10000x128xf32, #tpu.memory_space<vmem_shared>> -> memref<80x128xf32, #tpu.memory_space<vmem_shared>>
      %dma_start3A_84 = arith.constant 0 : i32
      %dma_start3A_85 = tpu.memref_slice %arg15[%add3A_69, %dma_start3A_84] : memref<10000x128xf32, #tpu.memory_space<vmem_shared>> -> memref<80x128xf32, #tpu.memory_space<vmem_shared>>
      tpu.enqueue_dma source(%arg14 : memref<80x128xf32, #tpu.memory_space<vmem>>) target(%dma_start3A_85 : memref<80x128xf32, #tpu.memory_space<vmem_shared>>) target_semaphore(%run_scoped3A_81 : memref<!tpu.dma_semaphore, #tpu.memory_space<semaphore_mem>>)
      %dma_wait3A_86 = arith.constant 0 : i32
      %dma_wait3A_87 = tpu.memref_slice %arg15[%add3A_69, %dma_wait3A_86] : memref<10000x128xf32, #tpu.memory_space<vmem_shared>> -> memref<80x128xf32, #tpu.memory_space<vmem_shared>>
      %dma_wait3A_88 = arith.constant 0 : i32
      %dma_wait3A_89 = tpu.memref_slice %arg15[%add3A_69, %dma_wait3A_88] : memref<10000x128xf32, #tpu.memory_space<vmem_shared>> -> memref<80x128xf32, #tpu.memory_space<vmem_shared>>
      tpu.wait_dma2 semaphore(%run_scoped3A_81 : memref<!tpu.dma_semaphore, #tpu.memory_space<semaphore_mem>>) src(%arg14 : memref<80x128xf32, #tpu.memory_space<vmem>>) dst(%dma_wait3A_89 : memref<80x128xf32, #tpu.memory_space<vmem_shared>>)
      tpu.yield
    }) : () -> ()
    %add3A_70 = arith.constant 560 : i32
    %add3A_71 = arith.addi %mul3A_4, %add3A_70 : i32
    "tpu.region"() ({
      %run_scoped3A_81 = tpu.sem_alloc : memref<!tpu.dma_semaphore, #tpu.memory_space<semaphore_mem>>
      %dma_start3A_82 = arith.constant 0 : i32
      %dma_start3A_83 = arith.constant 0 : i32
      %dma_start3A_84 = tpu.memref_slice %arg14[%dma_start3A_82, %dma_start3A_83] : memref<80x128xf32, #tpu.memory_space<vmem>> -> memref<65x128xf32, #tpu.memory_space<vmem>>
      %dma_start3A_85 = arith.constant 0 : i32
      %dma_start3A_86 = tpu.memref_slice %arg15[%add3A_71, %dma_start3A_85] : memref<10000x128xf32, #tpu.memory_space<vmem_shared>> -> memref<65x128xf32, #tpu.memory_space<vmem_shared>>
      %dma_start3A_87 = arith.constant 0 : i32
      %dma_start3A_88 = tpu.memref_slice %arg15[%add3A_71, %dma_start3A_87] : memref<10000x128xf32, #tpu.memory_space<vmem_shared>> -> memref<65x128xf32, #tpu.memory_space<vmem_shared>>
      %dma_start3A_89 = arith.constant 0 : i32
      %dma_start3A_90 = arith.constant 0 : i32
      %dma_start3A_91 = tpu.memref_slice %arg14[%dma_start3A_89, %dma_start3A_90] : memref<80x128xf32, #tpu.memory_space<vmem>> -> memref<65x128xf32, #tpu.memory_space<vmem>>
      tpu.enqueue_dma source(%dma_start3A_91 : memref<65x128xf32, #tpu.memory_space<vmem>>) target(%dma_start3A_88 : memref<65x128xf32, #tpu.memory_space<vmem_shared>>) target_semaphore(%run_scoped3A_81 : memref<!tpu.dma_semaphore, #tpu.memory_space<semaphore_mem>>)
      %dma_wait3A_92 = arith.constant 0 : i32
      %dma_wait3A_93 = arith.constant 0 : i32
      %dma_wait3A_94 = tpu.memref_slice %arg14[%dma_wait3A_92, %dma_wait3A_93] : memref<80x128xf32, #tpu.memory_space<vmem>> -> memref<65x128xf32, #tpu.memory_space<vmem>>
      %dma_wait3A_95 = arith.constant 0 : i32
      %dma_wait3A_96 = tpu.memref_slice %arg15[%add3A_71, %dma_wait3A_95] : memref<10000x128xf32, #tpu.memory_space<vmem_shared>> -> memref<65x128xf32, #tpu.memory_space<vmem_shared>>
      %dma_wait3A_97 = arith.constant 0 : i32
      %dma_wait3A_98 = tpu.memref_slice %arg15[%add3A_71, %dma_wait3A_97] : memref<10000x128xf32, #tpu.memory_space<vmem_shared>> -> memref<65x128xf32, #tpu.memory_space<vmem_shared>>
      %dma_wait3A_99 = arith.constant 0 : i32
      %dma_wait3A_100 = arith.constant 0 : i32
      %dma_wait3A_101 = tpu.memref_slice %arg14[%dma_wait3A_99, %dma_wait3A_100] : memref<80x128xf32, #tpu.memory_space<vmem>> -> memref<65x128xf32, #tpu.memory_space<vmem>>
      tpu.wait_dma2 semaphore(%run_scoped3A_81 : memref<!tpu.dma_semaphore, #tpu.memory_space<semaphore_mem>>) src(%dma_wait3A_101 : memref<65x128xf32, #tpu.memory_space<vmem>>) dst(%dma_wait3A_98 : memref<65x128xf32, #tpu.memory_space<vmem_shared>>)
      tpu.yield
    }) : () -> ()
    %barrier3A = arith.constant 0 : index
    tpu.barrier barrier_id(%barrier3A)
    %scan3A_72 = arith.constant 0 : i32
    %scan3A_73 = arith.constant 0 : i32
    %scan3A_74 = arith.constant 31 : i32
    %scan3A_75 = arith.addi %scan3A_73, %scan3A_74 : i32
    %scan3A_76 = arith.constant 1 : i32
    scf.for %scan3A_81 = %scan3A_73 to %scan3A_75 step %scan3A_76  : i32 {
      %mul3A_82 = arith.constant 4 : i32
      %mul3A_83 = arith.muli %mul3A_82, %scan3A_81 : i32
      %add3A_84 = arith.constant 1 : i32
      %add3A_85 = arith.addi %mul3A_83, %add3A_84 : i32
      %mul3A_86 = arith.constant 80 : i32
      %mul3A_87 = arith.muli %add3A_85, %mul3A_86 : i32
      %add3A_88 = arith.addi %mul3A_2, %mul3A_87 : i32
      %dma_wait3A_89 = arith.constant 0 : i32
      %dma_wait3A_90 = tpu.memref_slice %arg3[%dma_wait3A_89, %add3A_88] : memref<2x320000xi32, #tpu.memory_space<hbm>> -> memref<1x80xi32, #tpu.memory_space<hbm>>
      %dma_wait3A_91 = tpu.memref_squeeze %dma_wait3A_90 : memref<1x80xi32, #tpu.memory_space<hbm>> -> memref<80xi32, #tpu.memory_space<hbm>>
      %dma_wait3A_92 = tpu.memref_slice %arg3[%dma_wait3A_89, %add3A_88] : memref<2x320000xi32, #tpu.memory_space<hbm>> -> memref<1x80xi32, #tpu.memory_space<hbm>>
      %dma_wait3A_93 = tpu.memref_squeeze %dma_wait3A_92 : memref<1x80xi32, #tpu.memory_space<hbm>> -> memref<80xi32, #tpu.memory_space<hbm>>
      tpu.wait_dma2 semaphore(%arg17 : memref<!tpu.dma_semaphore, #tpu.memory_space<semaphore_mem>>) src(%dma_wait3A_93 : memref<80xi32, #tpu.memory_space<hbm>>) dst(%arg6 : memref<80xi32, #tpu.memory_space<vmem>>)
      %mul3A_94 = arith.constant 80 : i32
      %mul3A_95 = arith.muli %add3A_85, %mul3A_94 : i32
      %add3A_96 = arith.addi %mul3A_2, %mul3A_95 : i32
      %dma_wait3A_97 = arith.constant 1 : i32
      %dma_wait3A_98 = tpu.memref_slice %arg3[%dma_wait3A_97, %add3A_96] : memref<2x320000xi32, #tpu.memory_space<hbm>> -> memref<1x80xi32, #tpu.memory_space<hbm>>
      %dma_wait3A_99 = tpu.memref_squeeze %dma_wait3A_98 : memref<1x80xi32, #tpu.memory_space<hbm>> -> memref<80xi32, #tpu.memory_space<hbm>>
      %dma_wait3A_100 = tpu.memref_slice %arg3[%dma_wait3A_97, %add3A_96] : memref<2x320000xi32, #tpu.memory_space<hbm>> -> memref<1x80xi32, #tpu.memory_space<hbm>>
      %dma_wait3A_101 = tpu.memref_squeeze %dma_wait3A_100 : memref<1x80xi32, #tpu.memory_space<hbm>> -> memref<80xi32, #tpu.memory_space<hbm>>
      tpu.wait_dma2 semaphore(%arg17 : memref<!tpu.dma_semaphore, #tpu.memory_space<semaphore_mem>>) src(%dma_wait3A_101 : memref<80xi32, #tpu.memory_space<hbm>>) dst(%arg10 : memref<80xi32, #tpu.memory_space<vmem>>)
      %dma_start3A_102 = arith.constant 0 : i32
      %dma_start3A_103 = arith.constant 0 : i32
      %dma_start3A_104 = tpu.memref_slice %arg2[%dma_start3A_102, %dma_start3A_103] : memref<10000x128xf32, #tpu.memory_space<hbm>> -> memref<10000x128xf32, #tpu.memory_space<hbm>>
      tpu.enqueue_indirect_dma source(%dma_start3A_104 : memref<10000x128xf32, #tpu.memory_space<hbm>>) target(%arg14 : memref<80x128xf32, #tpu.memory_space<vmem>>) offsets(%arg6 : memref<80xi32, #tpu.memory_space<vmem>>) semaphore(%arg21 : memref<!tpu.dma_semaphore, #tpu.memory_space<semaphore_mem>>)
      %dma_wait3A_105 = arith.constant 0 : i32
      %dma_wait3A_106 = arith.constant 0 : i32
      %dma_wait3A_107 = tpu.memref_slice %arg2[%dma_wait3A_105, %dma_wait3A_106] : memref<10000x128xf32, #tpu.memory_space<hbm>> -> memref<10000x128xf32, #tpu.memory_space<hbm>>
      tpu.wait_indirect_dma semaphore(%arg20 : memref<!tpu.dma_semaphore, #tpu.memory_space<semaphore_mem>>) src(%dma_wait3A_107 : memref<10000x128xf32, #tpu.memory_space<hbm>>) dst(%arg13 : memref<80x128xf32, #tpu.memory_space<vmem>>)
      "tpu.region"() ({
        %run_scoped3A_216 = tpu.sem_alloc : memref<!tpu.dma_semaphore, #tpu.memory_space<semaphore_mem>>
        %dma_start3A_217 = arith.constant 0 : i32
        %dma_start3A_218 = arith.constant 0 : i32
        %dma_start3A_219 = tpu.memref_slice %arg15[%dma_start3A_217, %dma_start3A_218] : memref<10000x128xf32, #tpu.memory_space<vmem_shared>> -> memref<10000x128xf32, #tpu.memory_space<vmem_shared>>
        tpu.enqueue_indirect_dma source(%arg13 : memref<80x128xf32, #tpu.memory_space<vmem>>) target(%dma_start3A_219 : memref<10000x128xf32, #tpu.memory_space<vmem_shared>>) offsets(%arg9 : memref<80xi32, #tpu.memory_space<vmem>>) semaphore(%run_scoped3A_216 : memref<!tpu.dma_semaphore, #tpu.memory_space<semaphore_mem>>) {add = true}
        %dma_wait3A_220 = arith.constant 0 : i32
        %dma_wait3A_221 = arith.constant 0 : i32
        %dma_wait3A_222 = tpu.memref_slice %arg15[%dma_wait3A_220, %dma_wait3A_221] : memref<10000x128xf32, #tpu.memory_space<vmem_shared>> -> memref<10000x128xf32, #tpu.memory_space<vmem_shared>>
        tpu.wait_indirect_dma semaphore(%run_scoped3A_216 : memref<!tpu.dma_semaphore, #tpu.memory_space<semaphore_mem>>) src(%arg13 : memref<80x128xf32, #tpu.memory_space<vmem>>) dst(%dma_wait3A_222 : memref<10000x128xf32, #tpu.memory_space<vmem_shared>>)
        tpu.yield
      }) : () -> ()
      %add3A_108 = arith.constant 4 : i32
      %add3A_109 = arith.addi %mul3A_83, %add3A_108 : i32
      %mul3A_110 = arith.constant 80 : i32
      %mul3A_111 = arith.muli %add3A_109, %mul3A_110 : i32
      %add3A_112 = arith.addi %mul3A_2, %mul3A_111 : i32
      %dma_start3A_113 = arith.constant 0 : i32
      %dma_start3A_114 = tpu.memref_slice %arg3[%dma_start3A_113, %add3A_112] : memref<2x320000xi32, #tpu.memory_space<hbm>> -> memref<1x80xi32, #tpu.memory_space<hbm>>
      %dma_start3A_115 = tpu.memref_squeeze %dma_start3A_114 : memref<1x80xi32, #tpu.memory_space<hbm>> -> memref<80xi32, #tpu.memory_space<hbm>>
      %dma_start3A_116 = tpu.memref_slice %arg3[%dma_start3A_113, %add3A_112] : memref<2x320000xi32, #tpu.memory_space<hbm>> -> memref<1x80xi32, #tpu.memory_space<hbm>>
      %dma_start3A_117 = tpu.memref_squeeze %dma_start3A_116 : memref<1x80xi32, #tpu.memory_space<hbm>> -> memref<80xi32, #tpu.memory_space<hbm>>
      tpu.enqueue_dma source(%dma_start3A_117 : memref<80xi32, #tpu.memory_space<hbm>>) target(%arg5 : memref<80xi32, #tpu.memory_space<vmem>>) target_semaphore(%arg16 : memref<!tpu.dma_semaphore, #tpu.memory_space<semaphore_mem>>)
      %mul3A_118 = arith.constant 80 : i32
      %mul3A_119 = arith.muli %add3A_109, %mul3A_118 : i32
      %add3A_120 = arith.addi %mul3A_2, %mul3A_119 : i32
      %dma_start3A_121 = arith.constant 1 : i32
      %dma_start3A_122 = tpu.memref_slice %arg3[%dma_start3A_121, %add3A_120] : memref<2x320000xi32, #tpu.memory_space<hbm>> -> memref<1x80xi32, #tpu.memory_space<hbm>>
      %dma_start3A_123 = tpu.memref_squeeze %dma_start3A_122 : memref<1x80xi32, #tpu.memory_space<hbm>> -> memref<80xi32, #tpu.memory_space<hbm>>
      %dma_start3A_124 = tpu.memref_slice %arg3[%dma_start3A_121, %add3A_120] : memref<2x320000xi32, #tpu.memory_space<hbm>> -> memref<1x80xi32, #tpu.memory_space<hbm>>
      %dma_start3A_125 = tpu.memref_squeeze %dma_start3A_124 : memref<1x80xi32, #tpu.memory_space<hbm>> -> memref<80xi32, #tpu.memory_space<hbm>>
      tpu.enqueue_dma source(%dma_start3A_125 : memref<80xi32, #tpu.memory_space<hbm>>) target(%arg9 : memref<80xi32, #tpu.memory_space<vmem>>) target_semaphore(%arg16 : memref<!tpu.dma_semaphore, #tpu.memory_space<semaphore_mem>>)
      %add3A_126 = arith.constant 2 : i32
      %add3A_127 = arith.addi %mul3A_83, %add3A_126 : i32
      %mul3A_128 = arith.constant 80 : i32
      %mul3A_129 = arith.muli %add3A_127, %mul3A_128 : i32
      %add3A_130 = arith.addi %mul3A_2, %mul3A_129 : i32
      %dma_wait3A_131 = arith.constant 0 : i32
      %dma_wait3A_132 = tpu.memref_slice %arg3[%dma_wait3A_131, %add3A_130] : memref<2x320000xi32, #tpu.memory_space<hbm>> -> memref<1x80xi32, #tpu.memory_space<hbm>>
      %dma_wait3A_133 = tpu.memref_squeeze %dma_wait3A_132 : memref<1x80xi32, #tpu.memory_space<hbm>> -> memref<80xi32, #tpu.memory_space<hbm>>
      %dma_wait3A_134 = tpu.memref_slice %arg3[%dma_wait3A_131, %add3A_130] : memref<2x320000xi32, #tpu.memory_space<hbm>> -> memref<1x80xi32, #tpu.memory_space<hbm>>
      %dma_wait3A_135 = tpu.memref_squeeze %dma_wait3A_134 : memref<1x80xi32, #tpu.memory_space<hbm>> -> memref<80xi32, #tpu.memory_space<hbm>>
      tpu.wait_dma2 semaphore(%arg18 : memref<!tpu.dma_semaphore, #tpu.memory_space<semaphore_mem>>) src(%dma_wait3A_135 : memref<80xi32, #tpu.memory_space<hbm>>) dst(%arg7 : memref<80xi32, #tpu.memory_space<vmem>>)
      %mul3A_136 = arith.constant 80 : i32
      %mul3A_137 = arith.muli %add3A_127, %mul3A_136 : i32
      %add3A_138 = arith.addi %mul3A_2, %mul3A_137 : i32
      %dma_wait3A_139 = arith.constant 1 : i32
      %dma_wait3A_140 = tpu.memref_slice %arg3[%dma_wait3A_139, %add3A_138] : memref<2x320000xi32, #tpu.memory_space<hbm>> -> memref<1x80xi32, #tpu.memory_space<hbm>>
      %dma_wait3A_141 = tpu.memref_squeeze %dma_wait3A_140 : memref<1x80xi32, #tpu.memory_space<hbm>> -> memref<80xi32, #tpu.memory_space<hbm>>
      %dma_wait3A_142 = tpu.memref_slice %arg3[%dma_wait3A_139, %add3A_138] : memref<2x320000xi32, #tpu.memory_space<hbm>> -> memref<1x80xi32, #tpu.memory_space<hbm>>
      %dma_wait3A_143 = tpu.memref_squeeze %dma_wait3A_142 : memref<1x80xi32, #tpu.memory_space<hbm>> -> memref<80xi32, #tpu.memory_space<hbm>>
      tpu.wait_dma2 semaphore(%arg18 : memref<!tpu.dma_semaphore, #tpu.memory_space<semaphore_mem>>) src(%dma_wait3A_143 : memref<80xi32, #tpu.memory_space<hbm>>) dst(%arg11 : memref<80xi32, #tpu.memory_space<vmem>>)
      %dma_start3A_144 = arith.constant 0 : i32
      %dma_start3A_145 = arith.constant 0 : i32
      %dma_start3A_146 = tpu.memref_slice %arg2[%dma_start3A_144, %dma_start3A_145] : memref<10000x128xf32, #tpu.memory_space<hbm>> -> memref<10000x128xf32, #tpu.memory_space<hbm>>
      tpu.enqueue_indirect_dma source(%dma_start3A_146 : memref<10000x128xf32, #tpu.memory_space<hbm>>) target(%arg13 : memref<80x128xf32, #tpu.memory_space<vmem>>) offsets(%arg7 : memref<80xi32, #tpu.memory_space<vmem>>) semaphore(%arg20 : memref<!tpu.dma_semaphore, #tpu.memory_space<semaphore_mem>>)
      %dma_wait3A_147 = arith.constant 0 : i32
      %dma_wait3A_148 = arith.constant 0 : i32
      %dma_wait3A_149 = tpu.memref_slice %arg2[%dma_wait3A_147, %dma_wait3A_148] : memref<10000x128xf32, #tpu.memory_space<hbm>> -> memref<10000x128xf32, #tpu.memory_space<hbm>>
      tpu.wait_indirect_dma semaphore(%arg21 : memref<!tpu.dma_semaphore, #tpu.memory_space<semaphore_mem>>) src(%dma_wait3A_149 : memref<10000x128xf32, #tpu.memory_space<hbm>>) dst(%arg14 : memref<80x128xf32, #tpu.memory_space<vmem>>)
      "tpu.region"() ({
        %run_scoped3A_216 = tpu.sem_alloc : memref<!tpu.dma_semaphore, #tpu.memory_space<semaphore_mem>>
        %dma_start3A_217 = arith.constant 0 : i32
        %dma_start3A_218 = arith.constant 0 : i32
        %dma_start3A_219 = tpu.memref_slice %arg15[%dma_start3A_217, %dma_start3A_218] : memref<10000x128xf32, #tpu.memory_space<vmem_shared>> -> memref<10000x128xf32, #tpu.memory_space<vmem_shared>>
        tpu.enqueue_indirect_dma source(%arg14 : memref<80x128xf32, #tpu.memory_space<vmem>>) target(%dma_start3A_219 : memref<10000x128xf32, #tpu.memory_space<vmem_shared>>) offsets(%arg10 : memref<80xi32, #tpu.memory_space<vmem>>) semaphore(%run_scoped3A_216 : memref<!tpu.dma_semaphore, #tpu.memory_space<semaphore_mem>>) {add = true}
        %dma_wait3A_220 = arith.constant 0 : i32
        %dma_wait3A_221 = arith.constant 0 : i32
        %dma_wait3A_222 = tpu.memref_slice %arg15[%dma_wait3A_220, %dma_wait3A_221] : memref<10000x128xf32, #tpu.memory_space<vmem_shared>> -> memref<10000x128xf32, #tpu.memory_space<vmem_shared>>
        tpu.wait_indirect_dma semaphore(%run_scoped3A_216 : memref<!tpu.dma_semaphore, #tpu.memory_space<semaphore_mem>>) src(%arg14 : memref<80x128xf32, #tpu.memory_space<vmem>>) dst(%dma_wait3A_222 : memref<10000x128xf32, #tpu.memory_space<vmem_shared>>)
        tpu.yield
      }) : () -> ()
      %add3A_150 = arith.constant 5 : i32
      %add3A_151 = arith.addi %mul3A_83, %add3A_150 : i32
      %lt3A = arith.constant 125 : i32
      %lt3A_152 = arith.cmpi slt, %add3A_151, %lt3A : i32
      %convert_element_type3A = arith.extui %lt3A_152 : i1 to i32
      %cond3A = arith.constant 0 : i32
      %cond3A_153 = arith.cmpi ne, %convert_element_type3A, %cond3A : i32
      scf.if %cond3A_153 {
        %add3A_216 = arith.constant 5 : i32
        %add3A_217 = arith.addi %mul3A_83, %add3A_216 : i32
        %mul3A_218 = arith.constant 80 : i32
        %mul3A_219 = arith.muli %add3A_217, %mul3A_218 : i32
        %add3A_220 = arith.addi %mul3A_2, %mul3A_219 : i32
        %dma_start3A_221 = arith.constant 0 : i32
        %dma_start3A_222 = tpu.memref_slice %arg3[%dma_start3A_221, %add3A_220] : memref<2x320000xi32, #tpu.memory_space<hbm>> -> memref<1x80xi32, #tpu.memory_space<hbm>>
        %dma_start3A_223 = tpu.memref_squeeze %dma_start3A_222 : memref<1x80xi32, #tpu.memory_space<hbm>> -> memref<80xi32, #tpu.memory_space<hbm>>
        %dma_start3A_224 = tpu.memref_slice %arg3[%dma_start3A_221, %add3A_220] : memref<2x320000xi32, #tpu.memory_space<hbm>> -> memref<1x80xi32, #tpu.memory_space<hbm>>
        %dma_start3A_225 = tpu.memref_squeeze %dma_start3A_224 : memref<1x80xi32, #tpu.memory_space<hbm>> -> memref<80xi32, #tpu.memory_space<hbm>>
        tpu.enqueue_dma source(%dma_start3A_225 : memref<80xi32, #tpu.memory_space<hbm>>) target(%arg6 : memref<80xi32, #tpu.memory_space<vmem>>) target_semaphore(%arg17 : memref<!tpu.dma_semaphore, #tpu.memory_space<semaphore_mem>>)
        %mul3A_226 = arith.constant 80 : i32
        %mul3A_227 = arith.muli %add3A_217, %mul3A_226 : i32
        %add3A_228 = arith.addi %mul3A_2, %mul3A_227 : i32
        %dma_start3A_229 = arith.constant 1 : i32
        %dma_start3A_230 = tpu.memref_slice %arg3[%dma_start3A_229, %add3A_228] : memref<2x320000xi32, #tpu.memory_space<hbm>> -> memref<1x80xi32, #tpu.memory_space<hbm>>
        %dma_start3A_231 = tpu.memref_squeeze %dma_start3A_230 : memref<1x80xi32, #tpu.memory_space<hbm>> -> memref<80xi32, #tpu.memory_space<hbm>>
        %dma_start3A_232 = tpu.memref_slice %arg3[%dma_start3A_229, %add3A_228] : memref<2x320000xi32, #tpu.memory_space<hbm>> -> memref<1x80xi32, #tpu.memory_space<hbm>>
        %dma_start3A_233 = tpu.memref_squeeze %dma_start3A_232 : memref<1x80xi32, #tpu.memory_space<hbm>> -> memref<80xi32, #tpu.memory_space<hbm>>
        tpu.enqueue_dma source(%dma_start3A_233 : memref<80xi32, #tpu.memory_space<hbm>>) target(%arg10 : memref<80xi32, #tpu.memory_space<vmem>>) target_semaphore(%arg17 : memref<!tpu.dma_semaphore, #tpu.memory_space<semaphore_mem>>)
      } else {
      }
      %add3A_154 = arith.constant 3 : i32
      %add3A_155 = arith.addi %mul3A_83, %add3A_154 : i32
      %mul3A_156 = arith.constant 80 : i32
      %mul3A_157 = arith.muli %add3A_155, %mul3A_156 : i32
      %add3A_158 = arith.addi %mul3A_2, %mul3A_157 : i32
      %dma_wait3A_159 = arith.constant 0 : i32
      %dma_wait3A_160 = tpu.memref_slice %arg3[%dma_wait3A_159, %add3A_158] : memref<2x320000xi32, #tpu.memory_space<hbm>> -> memref<1x80xi32, #tpu.memory_space<hbm>>
      %dma_wait3A_161 = tpu.memref_squeeze %dma_wait3A_160 : memref<1x80xi32, #tpu.memory_space<hbm>> -> memref<80xi32, #tpu.memory_space<hbm>>
      %dma_wait3A_162 = tpu.memref_slice %arg3[%dma_wait3A_159, %add3A_158] : memref<2x320000xi32, #tpu.memory_space<hbm>> -> memref<1x80xi32, #tpu.memory_space<hbm>>
      %dma_wait3A_163 = tpu.memref_squeeze %dma_wait3A_162 : memref<1x80xi32, #tpu.memory_space<hbm>> -> memref<80xi32, #tpu.memory_space<hbm>>
      tpu.wait_dma2 semaphore(%arg19 : memref<!tpu.dma_semaphore, #tpu.memory_space<semaphore_mem>>) src(%dma_wait3A_163 : memref<80xi32, #tpu.memory_space<hbm>>) dst(%arg8 : memref<80xi32, #tpu.memory_space<vmem>>)
      %mul3A_164 = arith.constant 80 : i32
      %mul3A_165 = arith.muli %add3A_155, %mul3A_164 : i32
      %add3A_166 = arith.addi %mul3A_2, %mul3A_165 : i32
      %dma_wait3A_167 = arith.constant 1 : i32
      %dma_wait3A_168 = tpu.memref_slice %arg3[%dma_wait3A_167, %add3A_166] : memref<2x320000xi32, #tpu.memory_space<hbm>> -> memref<1x80xi32, #tpu.memory_space<hbm>>
      %dma_wait3A_169 = tpu.memref_squeeze %dma_wait3A_168 : memref<1x80xi32, #tpu.memory_space<hbm>> -> memref<80xi32, #tpu.memory_space<hbm>>
      %dma_wait3A_170 = tpu.memref_slice %arg3[%dma_wait3A_167, %add3A_166] : memref<2x320000xi32, #tpu.memory_space<hbm>> -> memref<1x80xi32, #tpu.memory_space<hbm>>
      %dma_wait3A_171 = tpu.memref_squeeze %dma_wait3A_170 : memref<1x80xi32, #tpu.memory_space<hbm>> -> memref<80xi32, #tpu.memory_space<hbm>>
      tpu.wait_dma2 semaphore(%arg19 : memref<!tpu.dma_semaphore, #tpu.memory_space<semaphore_mem>>) src(%dma_wait3A_171 : memref<80xi32, #tpu.memory_space<hbm>>) dst(%arg12 : memref<80xi32, #tpu.memory_space<vmem>>)
      %dma_start3A_172 = arith.constant 0 : i32
      %dma_start3A_173 = arith.constant 0 : i32
      %dma_start3A_174 = tpu.memref_slice %arg2[%dma_start3A_172, %dma_start3A_173] : memref<10000x128xf32, #tpu.memory_space<hbm>> -> memref<10000x128xf32, #tpu.memory_space<hbm>>
      tpu.enqueue_indirect_dma source(%dma_start3A_174 : memref<10000x128xf32, #tpu.memory_space<hbm>>) target(%arg14 : memref<80x128xf32, #tpu.memory_space<vmem>>) offsets(%arg8 : memref<80xi32, #tpu.memory_space<vmem>>) semaphore(%arg21 : memref<!tpu.dma_semaphore, #tpu.memory_space<semaphore_mem>>)
      %dma_wait3A_175 = arith.constant 0 : i32
      %dma_wait3A_176 = arith.constant 0 : i32
      %dma_wait3A_177 = tpu.memref_slice %arg2[%dma_wait3A_175, %dma_wait3A_176] : memref<10000x128xf32, #tpu.memory_space<hbm>> -> memref<10000x128xf32, #tpu.memory_space<hbm>>
      tpu.wait_indirect_dma semaphore(%arg20 : memref<!tpu.dma_semaphore, #tpu.memory_space<semaphore_mem>>) src(%dma_wait3A_177 : memref<10000x128xf32, #tpu.memory_space<hbm>>) dst(%arg13 : memref<80x128xf32, #tpu.memory_space<vmem>>)
      "tpu.region"() ({
        %run_scoped3A_216 = tpu.sem_alloc : memref<!tpu.dma_semaphore, #tpu.memory_space<semaphore_mem>>
        %dma_start3A_217 = arith.constant 0 : i32
        %dma_start3A_218 = arith.constant 0 : i32
        %dma_start3A_219 = tpu.memref_slice %arg15[%dma_start3A_217, %dma_start3A_218] : memref<10000x128xf32, #tpu.memory_space<vmem_shared>> -> memref<10000x128xf32, #tpu.memory_space<vmem_shared>>
        tpu.enqueue_indirect_dma source(%arg13 : memref<80x128xf32, #tpu.memory_space<vmem>>) target(%dma_start3A_219 : memref<10000x128xf32, #tpu.memory_space<vmem_shared>>) offsets(%arg11 : memref<80xi32, #tpu.memory_space<vmem>>) semaphore(%run_scoped3A_216 : memref<!tpu.dma_semaphore, #tpu.memory_space<semaphore_mem>>) {add = true}
        %dma_wait3A_220 = arith.constant 0 : i32
        %dma_wait3A_221 = arith.constant 0 : i32
        %dma_wait3A_222 = tpu.memref_slice %arg15[%dma_wait3A_220, %dma_wait3A_221] : memref<10000x128xf32, #tpu.memory_space<vmem_shared>> -> memref<10000x128xf32, #tpu.memory_space<vmem_shared>>
        tpu.wait_indirect_dma semaphore(%run_scoped3A_216 : memref<!tpu.dma_semaphore, #tpu.memory_space<semaphore_mem>>) src(%arg13 : memref<80x128xf32, #tpu.memory_space<vmem>>) dst(%dma_wait3A_222 : memref<10000x128xf32, #tpu.memory_space<vmem_shared>>)
        tpu.yield
      }) : () -> ()
      %add3A_178 = arith.constant 6 : i32
      %add3A_179 = arith.addi %mul3A_83, %add3A_178 : i32
      %lt3A_180 = arith.constant 125 : i32
      %lt3A_181 = arith.cmpi slt, %add3A_179, %lt3A_180 : i32
      %convert_element_type3A_182 = arith.extui %lt3A_181 : i1 to i32
      %cond3A_183 = arith.constant 0 : i32
      %cond3A_184 = arith.cmpi ne, %convert_element_type3A_182, %cond3A_183 : i32
      scf.if %cond3A_184 {
        %add3A_216 = arith.constant 6 : i32
        %add3A_217 = arith.addi %mul3A_83, %add3A_216 : i32
        %mul3A_218 = arith.constant 80 : i32
        %mul3A_219 = arith.muli %add3A_217, %mul3A_218 : i32
        %add3A_220 = arith.addi %mul3A_2, %mul3A_219 : i32
        %dma_start3A_221 = arith.constant 0 : i32
        %dma_start3A_222 = tpu.memref_slice %arg3[%dma_start3A_221, %add3A_220] : memref<2x320000xi32, #tpu.memory_space<hbm>> -> memref<1x80xi32, #tpu.memory_space<hbm>>
        %dma_start3A_223 = tpu.memref_squeeze %dma_start3A_222 : memref<1x80xi32, #tpu.memory_space<hbm>> -> memref<80xi32, #tpu.memory_space<hbm>>
        %dma_start3A_224 = tpu.memref_slice %arg3[%dma_start3A_221, %add3A_220] : memref<2x320000xi32, #tpu.memory_space<hbm>> -> memref<1x80xi32, #tpu.memory_space<hbm>>
        %dma_start3A_225 = tpu.memref_squeeze %dma_start3A_224 : memref<1x80xi32, #tpu.memory_space<hbm>> -> memref<80xi32, #tpu.memory_space<hbm>>
        tpu.enqueue_dma source(%dma_start3A_225 : memref<80xi32, #tpu.memory_space<hbm>>) target(%arg7 : memref<80xi32, #tpu.memory_space<vmem>>) target_semaphore(%arg18 : memref<!tpu.dma_semaphore, #tpu.memory_space<semaphore_mem>>)
        %mul3A_226 = arith.constant 80 : i32
        %mul3A_227 = arith.muli %add3A_217, %mul3A_226 : i32
        %add3A_228 = arith.addi %mul3A_2, %mul3A_227 : i32
        %dma_start3A_229 = arith.constant 1 : i32
        %dma_start3A_230 = tpu.memref_slice %arg3[%dma_start3A_229, %add3A_228] : memref<2x320000xi32, #tpu.memory_space<hbm>> -> memref<1x80xi32, #tpu.memory_space<hbm>>
        %dma_start3A_231 = tpu.memref_squeeze %dma_start3A_230 : memref<1x80xi32, #tpu.memory_space<hbm>> -> memref<80xi32, #tpu.memory_space<hbm>>
        %dma_start3A_232 = tpu.memref_slice %arg3[%dma_start3A_229, %add3A_228] : memref<2x320000xi32, #tpu.memory_space<hbm>> -> memref<1x80xi32, #tpu.memory_space<hbm>>
        %dma_start3A_233 = tpu.memref_squeeze %dma_start3A_232 : memref<1x80xi32, #tpu.memory_space<hbm>> -> memref<80xi32, #tpu.memory_space<hbm>>
        tpu.enqueue_dma source(%dma_start3A_233 : memref<80xi32, #tpu.memory_space<hbm>>) target(%arg11 : memref<80xi32, #tpu.memory_space<vmem>>) target_semaphore(%arg18 : memref<!tpu.dma_semaphore, #tpu.memory_space<semaphore_mem>>)
      } else {
      }
      %add3A_185 = arith.constant 4 : i32
      %add3A_186 = arith.addi %mul3A_83, %add3A_185 : i32
      %mul3A_187 = arith.constant 80 : i32
      %mul3A_188 = arith.muli %add3A_186, %mul3A_187 : i32
      %add3A_189 = arith.addi %mul3A_2, %mul3A_188 : i32
      %dma_wait3A_190 = arith.constant 0 : i32
      %dma_wait3A_191 = tpu.memref_slice %arg3[%dma_wait3A_190, %add3A_189] : memref<2x320000xi32, #tpu.memory_space<hbm>> -> memref<1x80xi32, #tpu.memory_space<hbm>>
      %dma_wait3A_192 = tpu.memref_squeeze %dma_wait3A_191 : memref<1x80xi32, #tpu.memory_space<hbm>> -> memref<80xi32, #tpu.memory_space<hbm>>
      %dma_wait3A_193 = tpu.memref_slice %arg3[%dma_wait3A_190, %add3A_189] : memref<2x320000xi32, #tpu.memory_space<hbm>> -> memref<1x80xi32, #tpu.memory_space<hbm>>
      %dma_wait3A_194 = tpu.memref_squeeze %dma_wait3A_193 : memref<1x80xi32, #tpu.memory_space<hbm>> -> memref<80xi32, #tpu.memory_space<hbm>>
      tpu.wait_dma2 semaphore(%arg16 : memref<!tpu.dma_semaphore, #tpu.memory_space<semaphore_mem>>) src(%dma_wait3A_194 : memref<80xi32, #tpu.memory_space<hbm>>) dst(%arg5 : memref<80xi32, #tpu.memory_space<vmem>>)
      %mul3A_195 = arith.constant 80 : i32
      %mul3A_196 = arith.muli %add3A_186, %mul3A_195 : i32
      %add3A_197 = arith.addi %mul3A_2, %mul3A_196 : i32
      %dma_wait3A_198 = arith.constant 1 : i32
      %dma_wait3A_199 = tpu.memref_slice %arg3[%dma_wait3A_198, %add3A_197] : memref<2x320000xi32, #tpu.memory_space<hbm>> -> memref<1x80xi32, #tpu.memory_space<hbm>>
      %dma_wait3A_200 = tpu.memref_squeeze %dma_wait3A_199 : memref<1x80xi32, #tpu.memory_space<hbm>> -> memref<80xi32, #tpu.memory_space<hbm>>
      %dma_wait3A_201 = tpu.memref_slice %arg3[%dma_wait3A_198, %add3A_197] : memref<2x320000xi32, #tpu.memory_space<hbm>> -> memref<1x80xi32, #tpu.memory_space<hbm>>
      %dma_wait3A_202 = tpu.memref_squeeze %dma_wait3A_201 : memref<1x80xi32, #tpu.memory_space<hbm>> -> memref<80xi32, #tpu.memory_space<hbm>>
      tpu.wait_dma2 semaphore(%arg16 : memref<!tpu.dma_semaphore, #tpu.memory_space<semaphore_mem>>) src(%dma_wait3A_202 : memref<80xi32, #tpu.memory_space<hbm>>) dst(%arg9 : memref<80xi32, #tpu.memory_space<vmem>>)
      %dma_start3A_203 = arith.constant 0 : i32
      %dma_start3A_204 = arith.constant 0 : i32
      %dma_start3A_205 = tpu.memref_slice %arg2[%dma_start3A_203, %dma_start3A_204] : memref<10000x128xf32, #tpu.memory_space<hbm>> -> memref<10000x128xf32, #tpu.memory_space<hbm>>
      tpu.enqueue_indirect_dma source(%dma_start3A_205 : memref<10000x128xf32, #tpu.memory_space<hbm>>) target(%arg13 : memref<80x128xf32, #tpu.memory_space<vmem>>) offsets(%arg5 : memref<80xi32, #tpu.memory_space<vmem>>) semaphore(%arg20 : memref<!tpu.dma_semaphore, #tpu.memory_space<semaphore_mem>>)
      %dma_wait3A_206 = arith.constant 0 : i32
      %dma_wait3A_207 = arith.constant 0 : i32
      %dma_wait3A_208 = tpu.memref_slice %arg2[%dma_wait3A_206, %dma_wait3A_207] : memref<10000x128xf32, #tpu.memory_space<hbm>> -> memref<10000x128xf32, #tpu.memory_space<hbm>>
      tpu.wait_indirect_dma semaphore(%arg21 : memref<!tpu.dma_semaphore, #tpu.memory_space<semaphore_mem>>) src(%dma_wait3A_208 : memref<10000x128xf32, #tpu.memory_space<hbm>>) dst(%arg14 : memref<80x128xf32, #tpu.memory_space<vmem>>)
      "tpu.region"() ({
        %run_scoped3A_216 = tpu.sem_alloc : memref<!tpu.dma_semaphore, #tpu.memory_space<semaphore_mem>>
        %dma_start3A_217 = arith.constant 0 : i32
        %dma_start3A_218 = arith.constant 0 : i32
        %dma_start3A_219 = tpu.memref_slice %arg15[%dma_start3A_217, %dma_start3A_218] : memref<10000x128xf32, #tpu.memory_space<vmem_shared>> -> memref<10000x128xf32, #tpu.memory_space<vmem_shared>>
        tpu.enqueue_indirect_dma source(%arg14 : memref<80x128xf32, #tpu.memory_space<vmem>>) target(%dma_start3A_219 : memref<10000x128xf32, #tpu.memory_space<vmem_shared>>) offsets(%arg12 : memref<80xi32, #tpu.memory_space<vmem>>) semaphore(%run_scoped3A_216 : memref<!tpu.dma_semaphore, #tpu.memory_space<semaphore_mem>>) {add = true}
        %dma_wait3A_220 = arith.constant 0 : i32
        %dma_wait3A_221 = arith.constant 0 : i32
        %dma_wait3A_222 = tpu.memref_slice %arg15[%dma_wait3A_220, %dma_wait3A_221] : memref<10000x128xf32, #tpu.memory_space<vmem_shared>> -> memref<10000x128xf32, #tpu.memory_space<vmem_shared>>
        tpu.wait_indirect_dma semaphore(%run_scoped3A_216 : memref<!tpu.dma_semaphore, #tpu.memory_space<semaphore_mem>>) src(%arg14 : memref<80x128xf32, #tpu.memory_space<vmem>>) dst(%dma_wait3A_222 : memref<10000x128xf32, #tpu.memory_space<vmem_shared>>)
        tpu.yield
      }) : () -> ()
      %add3A_209 = arith.constant 7 : i32
      %add3A_210 = arith.addi %mul3A_83, %add3A_209 : i32
      %lt3A_211 = arith.constant 125 : i32
      %lt3A_212 = arith.cmpi slt, %add3A_210, %lt3A_211 : i32
      %convert_element_type3A_213 = arith.extui %lt3A_212 : i1 to i32
      %cond3A_214 = arith.constant 0 : i32
      %cond3A_215 = arith.cmpi ne, %convert_element_type3A_213, %cond3A_214 : i32
      scf.if %cond3A_215 {
        %add3A_216 = arith.constant 7 : i32
        %add3A_217 = arith.addi %mul3A_83, %add3A_216 : i32
        %mul3A_218 = arith.constant 80 : i32
        %mul3A_219 = arith.muli %add3A_217, %mul3A_218 : i32
        %add3A_220 = arith.addi %mul3A_2, %mul3A_219 : i32
        %dma_start3A_221 = arith.constant 0 : i32
        %dma_start3A_222 = tpu.memref_slice %arg3[%dma_start3A_221, %add3A_220] : memref<2x320000xi32, #tpu.memory_space<hbm>> -> memref<1x80xi32, #tpu.memory_space<hbm>>
        %dma_start3A_223 = tpu.memref_squeeze %dma_start3A_222 : memref<1x80xi32, #tpu.memory_space<hbm>> -> memref<80xi32, #tpu.memory_space<hbm>>
        %dma_start3A_224 = tpu.memref_slice %arg3[%dma_start3A_221, %add3A_220] : memref<2x320000xi32, #tpu.memory_space<hbm>> -> memref<1x80xi32, #tpu.memory_space<hbm>>
        %dma_start3A_225 = tpu.memref_squeeze %dma_start3A_224 : memref<1x80xi32, #tpu.memory_space<hbm>> -> memref<80xi32, #tpu.memory_space<hbm>>
        tpu.enqueue_dma source(%dma_start3A_225 : memref<80xi32, #tpu.memory_space<hbm>>) target(%arg8 : memref<80xi32, #tpu.memory_space<vmem>>) target_semaphore(%arg19 : memref<!tpu.dma_semaphore, #tpu.memory_space<semaphore_mem>>)
        %mul3A_226 = arith.constant 80 : i32
        %mul3A_227 = arith.muli %add3A_217, %mul3A_226 : i32
        %add3A_228 = arith.addi %mul3A_2, %mul3A_227 : i32
        %dma_start3A_229 = arith.constant 1 : i32
        %dma_start3A_230 = tpu.memref_slice %arg3[%dma_start3A_229, %add3A_228] : memref<2x320000xi32, #tpu.memory_space<hbm>> -> memref<1x80xi32, #tpu.memory_space<hbm>>
        %dma_start3A_231 = tpu.memref_squeeze %dma_start3A_230 : memref<1x80xi32, #tpu.memory_space<hbm>> -> memref<80xi32, #tpu.memory_space<hbm>>
        %dma_start3A_232 = tpu.memref_slice %arg3[%dma_start3A_229, %add3A_228] : memref<2x320000xi32, #tpu.memory_space<hbm>> -> memref<1x80xi32, #tpu.memory_space<hbm>>
        %dma_start3A_233 = tpu.memref_squeeze %dma_start3A_232 : memref<1x80xi32, #tpu.memory_space<hbm>> -> memref<80xi32, #tpu.memory_space<hbm>>
        tpu.enqueue_dma source(%dma_start3A_233 : memref<80xi32, #tpu.memory_space<hbm>>) target(%arg12 : memref<80xi32, #tpu.memory_space<vmem>>) target_semaphore(%arg19 : memref<!tpu.dma_semaphore, #tpu.memory_space<semaphore_mem>>)
      } else {
      }
    }
    %scan3A_77 = arith.constant 31 : i32
    %dma_wait3A = arith.constant 0 : i32
    %dma_wait3A_78 = arith.constant 0 : i32
    %dma_wait3A_79 = tpu.memref_slice %arg2[%dma_wait3A, %dma_wait3A_78] : memref<10000x128xf32, #tpu.memory_space<hbm>> -> memref<10000x128xf32, #tpu.memory_space<hbm>>
    tpu.wait_indirect_dma semaphore(%arg20 : memref<!tpu.dma_semaphore, #tpu.memory_space<semaphore_mem>>) src(%dma_wait3A_79 : memref<10000x128xf32, #tpu.memory_space<hbm>>) dst(%arg13 : memref<80x128xf32, #tpu.memory_space<vmem>>)
    "tpu.region"() ({
      %run_scoped3A_81 = tpu.sem_alloc : memref<!tpu.dma_semaphore, #tpu.memory_space<semaphore_mem>>
      %dma_start3A_82 = arith.constant 0 : i32
      %dma_start3A_83 = arith.constant 0 : i32
      %dma_start3A_84 = tpu.memref_slice %arg15[%dma_start3A_82, %dma_start3A_83] : memref<10000x128xf32, #tpu.memory_space<vmem_shared>> -> memref<10000x128xf32, #tpu.memory_space<vmem_shared>>
      tpu.enqueue_indirect_dma source(%arg13 : memref<80x128xf32, #tpu.memory_space<vmem>>) target(%dma_start3A_84 : memref<10000x128xf32, #tpu.memory_space<vmem_shared>>) offsets(%arg9 : memref<80xi32, #tpu.memory_space<vmem>>) semaphore(%run_scoped3A_81 : memref<!tpu.dma_semaphore, #tpu.memory_space<semaphore_mem>>) {add = true}
      %dma_wait3A_85 = arith.constant 0 : i32
      %dma_wait3A_86 = arith.constant 0 : i32
      %dma_wait3A_87 = tpu.memref_slice %arg15[%dma_wait3A_85, %dma_wait3A_86] : memref<10000x128xf32, #tpu.memory_space<vmem_shared>> -> memref<10000x128xf32, #tpu.memory_space<vmem_shared>>
      tpu.wait_indirect_dma semaphore(%run_scoped3A_81 : memref<!tpu.dma_semaphore, #tpu.memory_space<semaphore_mem>>) src(%arg13 : memref<80x128xf32, #tpu.memory_space<vmem>>) dst(%dma_wait3A_87 : memref<10000x128xf32, #tpu.memory_space<vmem_shared>>)
      tpu.yield
    }) : () -> ()
    %barrier3A_80 = arith.constant 0 : index
    tpu.barrier barrier_id(%barrier3A_80)
    "tpu.region"() ({
      %run_scoped3A_81 = tpu.sem_alloc : memref<!tpu.dma_semaphore, #tpu.memory_space<semaphore_mem>>
      %dma_start3A_82 = arith.constant 0 : i32
      %dma_start3A_83 = tpu.memref_slice %arg4[%arg0, %mul3A_4, %dma_start3A_82] : memref<2x10000x128xf32, #tpu.memory_space<hbm>> -> memref<1x625x128xf32, #tpu.memory_space<hbm>>
      %dma_start3A_84 = tpu.memref_squeeze %dma_start3A_83 : memref<1x625x128xf32, #tpu.memory_space<hbm>> -> memref<625x128xf32, #tpu.memory_space<hbm>>
      %dma_start3A_85 = arith.constant 0 : i32
      %dma_start3A_86 = tpu.memref_slice %arg15[%mul3A_4, %dma_start3A_85] : memref<10000x128xf32, #tpu.memory_space<vmem_shared>> -> memref<625x128xf32, #tpu.memory_space<vmem_shared>>
      tpu.enqueue_dma source(%dma_start3A_86 : memref<625x128xf32, #tpu.memory_space<vmem_shared>>) target(%dma_start3A_84 : memref<625x128xf32, #tpu.memory_space<hbm>>) target_semaphore(%run_scoped3A_81 : memref<!tpu.dma_semaphore, #tpu.memory_space<semaphore_mem>>)
      %dma_wait3A_87 = arith.constant 0 : i32
      %dma_wait3A_88 = tpu.memref_slice %arg4[%arg0, %mul3A_4, %dma_wait3A_87] : memref<2x10000x128xf32, #tpu.memory_space<hbm>> -> memref<1x625x128xf32, #tpu.memory_space<hbm>>
      %dma_wait3A_89 = tpu.memref_squeeze %dma_wait3A_88 : memref<1x625x128xf32, #tpu.memory_space<hbm>> -> memref<625x128xf32, #tpu.memory_space<hbm>>
      %dma_wait3A_90 = arith.constant 0 : i32
      %dma_wait3A_91 = tpu.memref_slice %arg15[%mul3A_4, %dma_wait3A_90] : memref<10000x128xf32, #tpu.memory_space<vmem_shared>> -> memref<625x128xf32, #tpu.memory_space<vmem_shared>>
      tpu.wait_dma2 semaphore(%run_scoped3A_81 : memref<!tpu.dma_semaphore, #tpu.memory_space<semaphore_mem>>) src(%dma_wait3A_91 : memref<625x128xf32, #tpu.memory_space<vmem_shared>>) dst(%dma_wait3A_89 : memref<625x128xf32, #tpu.memory_space<hbm>>)
      tpu.yield
    }) : () -> ()
    return
  }
}

#map = affine_map<(d0, d1) -> (0, 0)>
#map1 = affine_map<(d0, d1) -> (0, 0, 0)>
module attributes {stable_mosaic.version = 14 : i64} {
  func.func @body(%arg0: i32, %arg1: i32, %arg2: memref<10000x128xf32, #tpu.memory_space<hbm>>, %arg3: memref<2x320000xi32, #tpu.memory_space<hbm>>, %arg4: memref<2x10000x128xf32, #tpu.memory_space<hbm>>, %arg5: memref<2x10000x16xf32, #tpu.memory_space<hbm>>, %arg6: memref<80xi32, #tpu.memory_space<vmem>>, %arg7: memref<80xi32, #tpu.memory_space<vmem>>, %arg8: memref<80xi32, #tpu.memory_space<vmem>>, %arg9: memref<80xi32, #tpu.memory_space<vmem>>, %arg10: memref<80xi32, #tpu.memory_space<vmem>>, %arg11: memref<80xi32, #tpu.memory_space<vmem>>, %arg12: memref<80xi32, #tpu.memory_space<vmem>>, %arg13: memref<80xi32, #tpu.memory_space<vmem>>, %arg14: memref<80x128xf32, #tpu.memory_space<vmem>>, %arg15: memref<80x128xf32, #tpu.memory_space<vmem>>, %arg16: memref<10000x128xf32, #tpu.memory_space<vmem_shared>>, %arg17: memref<!tpu.dma_semaphore, #tpu.memory_space<semaphore_mem>>, %arg18: memref<!tpu.dma_semaphore, #tpu.memory_space<semaphore_mem>>, %arg19: memref<!tpu.dma_semaphore, #tpu.memory_space<semaphore_mem>>, %arg20: memref<!tpu.dma_semaphore, #tpu.memory_space<semaphore_mem>>, %arg21: memref<!tpu.dma_semaphore, #tpu.memory_space<semaphore_mem>>, %arg22: memref<!tpu.dma_semaphore, #tpu.memory_space<semaphore_mem>>, %arg23: memref<80x16xf32, #tpu.memory_space<vmem>>, %arg24: memref<80x16xf32, #tpu.memory_space<vmem>>, %arg25: memref<10000x16xf32, #tpu.memory_space<vmem_shared>>) attributes {dimension_semantics = [#tpu.dimension_semantics<core_parallel>, #tpu.dimension_semantics<subcore_parallel>], iteration_bounds = array<i64: 2, 16>, scalar_prefetch = 0 : i64, scratch_operands = 20 : i64, tpu.core_type = #tpu.core_type<sc_vector_subcore>, window_params = [{transform_indices = #map}, {transform_indices = #map}, {transform_indices = #map1}, {transform_indices = #map1}]} {
    %mul3A = arith.constant 2 : i32
    %mul3A_0 = arith.muli %arg1, %mul3A : i32
    %add3A = arith.addi %mul3A_0, %arg0 : i32
    %mul3A_1 = arith.constant 10000 : i32
    %mul3A_2 = arith.muli %add3A, %mul3A_1 : i32
    %mul3A_3 = arith.constant 625 : i32
    %mul3A_4 = arith.muli %arg1, %mul3A_3 : i32
    %broadcast_in_dim3A = arith.constant 0.000000e+00 : f32
    %broadcast_in_dim3A_5 = vector.broadcast %broadcast_in_dim3A : f32 to vector<16xf32>
    %scan3A = arith.constant 0 : i32
    %scan3A_6 = arith.constant 0 : i32
    %scan3A_7 = arith.constant 80 : i32
    %scan3A_8 = arith.addi %scan3A_6, %scan3A_7 : i32
    %scan3A_9 = arith.constant 1 : i32
    scf.for %scan3A_97 = %scan3A_6 to %scan3A_8 step %scan3A_9  : i32 {
      %swap3A = arith.index_cast %scan3A_97 : i32 to index
      %swap3A_98 = arith.constant 0 : index
      %swap3A_99 = tpu.vector_load %arg15[%swap3A, %swap3A_98] {strides = array<i32>} : memref<80x128xf32, #tpu.memory_space<vmem>>, vector<1x16xf32>,
      %swap3A_100 = vector.shape_cast %swap3A_99 : vector<1x16xf32> to vector<16xf32>
      %swap3A_101 = vector.shape_cast %broadcast_in_dim3A_5 : vector<16xf32> to vector<1x16xf32>
      tpu.vector_store %arg15[%swap3A, %swap3A_98], %swap3A_101 {strides = array<i32>} : memref<80x128xf32, #tpu.memory_space<vmem>>, vector<1x16xf32>,
      %swap3A_102 = arith.index_cast %scan3A_97 : i32 to index
      %swap3A_103 = arith.constant 16 : index
      %swap3A_104 = tpu.vector_load %arg15[%swap3A_102, %swap3A_103] {strides = array<i32>} : memref<80x128xf32, #tpu.memory_space<vmem>>, vector<1x16xf32>,
      %swap3A_105 = vector.shape_cast %swap3A_104 : vector<1x16xf32> to vector<16xf32>
      %swap3A_106 = vector.shape_cast %broadcast_in_dim3A_5 : vector<16xf32> to vector<1x16xf32>
      tpu.vector_store %arg15[%swap3A_102, %swap3A_103], %swap3A_106 {strides = array<i32>} : memref<80x128xf32, #tpu.memory_space<vmem>>, vector<1x16xf32>,
      %swap3A_107 = arith.index_cast %scan3A_97 : i32 to index
      %swap3A_108 = arith.constant 32 : index
      %swap3A_109 = tpu.vector_load %arg15[%swap3A_107, %swap3A_108] {strides = array<i32>} : memref<80x128xf32, #tpu.memory_space<vmem>>, vector<1x16xf32>,
      %swap3A_110 = vector.shape_cast %swap3A_109 : vector<1x16xf32> to vector<16xf32>
      %swap3A_111 = vector.shape_cast %broadcast_in_dim3A_5 : vector<16xf32> to vector<1x16xf32>
      tpu.vector_store %arg15[%swap3A_107, %swap3A_108], %swap3A_111 {strides = array<i32>} : memref<80x128xf32, #tpu.memory_space<vmem>>, vector<1x16xf32>,
      %swap3A_112 = arith.index_cast %scan3A_97 : i32 to index
      %swap3A_113 = arith.constant 48 : index
      %swap3A_114 = tpu.vector_load %arg15[%swap3A_112, %swap3A_113] {strides = array<i32>} : memref<80x128xf32, #tpu.memory_space<vmem>>, vector<1x16xf32>,
      %swap3A_115 = vector.shape_cast %swap3A_114 : vector<1x16xf32> to vector<16xf32>
      %swap3A_116 = vector.shape_cast %broadcast_in_dim3A_5 : vector<16xf32> to vector<1x16xf32>
      tpu.vector_store %arg15[%swap3A_112, %swap3A_113], %swap3A_116 {strides = array<i32>} : memref<80x128xf32, #tpu.memory_space<vmem>>, vector<1x16xf32>,
      %swap3A_117 = arith.index_cast %scan3A_97 : i32 to index
      %swap3A_118 = arith.constant 64 : index
      %swap3A_119 = tpu.vector_load %arg15[%swap3A_117, %swap3A_118] {strides = array<i32>} : memref<80x128xf32, #tpu.memory_space<vmem>>, vector<1x16xf32>,
      %swap3A_120 = vector.shape_cast %swap3A_119 : vector<1x16xf32> to vector<16xf32>
      %swap3A_121 = vector.shape_cast %broadcast_in_dim3A_5 : vector<16xf32> to vector<1x16xf32>
      tpu.vector_store %arg15[%swap3A_117, %swap3A_118], %swap3A_121 {strides = array<i32>} : memref<80x128xf32, #tpu.memory_space<vmem>>, vector<1x16xf32>,
      %swap3A_122 = arith.index_cast %scan3A_97 : i32 to index
      %swap3A_123 = arith.constant 80 : index
      %swap3A_124 = tpu.vector_load %arg15[%swap3A_122, %swap3A_123] {strides = array<i32>} : memref<80x128xf32, #tpu.memory_space<vmem>>, vector<1x16xf32>,
      %swap3A_125 = vector.shape_cast %swap3A_124 : vector<1x16xf32> to vector<16xf32>
      %swap3A_126 = vector.shape_cast %broadcast_in_dim3A_5 : vector<16xf32> to vector<1x16xf32>
      tpu.vector_store %arg15[%swap3A_122, %swap3A_123], %swap3A_126 {strides = array<i32>} : memref<80x128xf32, #tpu.memory_space<vmem>>, vector<1x16xf32>,
      %swap3A_127 = arith.index_cast %scan3A_97 : i32 to index
      %swap3A_128 = arith.constant 96 : index
      %swap3A_129 = tpu.vector_load %arg15[%swap3A_127, %swap3A_128] {strides = array<i32>} : memref<80x128xf32, #tpu.memory_space<vmem>>, vector<1x16xf32>,
      %swap3A_130 = vector.shape_cast %swap3A_129 : vector<1x16xf32> to vector<16xf32>
      %swap3A_131 = vector.shape_cast %broadcast_in_dim3A_5 : vector<16xf32> to vector<1x16xf32>
      tpu.vector_store %arg15[%swap3A_127, %swap3A_128], %swap3A_131 {strides = array<i32>} : memref<80x128xf32, #tpu.memory_space<vmem>>, vector<1x16xf32>,
      %swap3A_132 = arith.index_cast %scan3A_97 : i32 to index
      %swap3A_133 = arith.constant 112 : index
      %swap3A_134 = tpu.vector_load %arg15[%swap3A_132, %swap3A_133] {strides = array<i32>} : memref<80x128xf32, #tpu.memory_space<vmem>>, vector<1x16xf32>,
      %swap3A_135 = vector.shape_cast %swap3A_134 : vector<1x16xf32> to vector<16xf32>
      %swap3A_136 = vector.shape_cast %broadcast_in_dim3A_5 : vector<16xf32> to vector<1x16xf32>
      tpu.vector_store %arg15[%swap3A_132, %swap3A_133], %swap3A_136 {strides = array<i32>} : memref<80x128xf32, #tpu.memory_space<vmem>>, vector<1x16xf32>,
      %broadcast_in_dim3A_137 = arith.constant 1.000000e+00 : f32
      %broadcast_in_dim3A_138 = vector.broadcast %broadcast_in_dim3A_137 : f32 to vector<16xf32>
      %swap3A_139 = arith.index_cast %scan3A_97 : i32 to index
      %swap3A_140 = arith.constant 0 : index
      %swap3A_141 = tpu.vector_load %arg23[%swap3A_139, %swap3A_140] {strides = array<i32>} : memref<80x16xf32, #tpu.memory_space<vmem>>, vector<1x16xf32>,
      %swap3A_142 = vector.shape_cast %swap3A_141 : vector<1x16xf32> to vector<16xf32>
      %swap3A_143 = vector.shape_cast %broadcast_in_dim3A_138 : vector<16xf32> to vector<1x16xf32>
      tpu.vector_store %arg23[%swap3A_139, %swap3A_140], %swap3A_143 {strides = array<i32>} : memref<80x16xf32, #tpu.memory_space<vmem>>, vector<1x16xf32>,
      %swap3A_144 = arith.index_cast %scan3A_97 : i32 to index
      %swap3A_145 = arith.constant 0 : index
      %swap3A_146 = tpu.vector_load %arg24[%swap3A_144, %swap3A_145] {strides = array<i32>} : memref<80x16xf32, #tpu.memory_space<vmem>>, vector<1x16xf32>,
      %swap3A_147 = vector.shape_cast %swap3A_146 : vector<1x16xf32> to vector<16xf32>
      %swap3A_148 = vector.shape_cast %broadcast_in_dim3A_5 : vector<16xf32> to vector<1x16xf32>
      tpu.vector_store %arg24[%swap3A_144, %swap3A_145], %swap3A_148 {strides = array<i32>} : memref<80x16xf32, #tpu.memory_space<vmem>>, vector<1x16xf32>,
    }
    %scan3A_10 = arith.constant 80 : i32
    %run_scoped3A = arith.constant 0 : i32
    "tpu.region"() ({
      %run_scoped3A_97 = tpu.sem_alloc : memref<!tpu.dma_semaphore, #tpu.memory_space<semaphore_mem>>
      %dma_start3A_98 = tpu.memref_slice %arg3[%run_scoped3A, %mul3A_2] : memref<2x320000xi32, #tpu.memory_space<hbm>> -> memref<1x80xi32, #tpu.memory_space<hbm>>
      %dma_start3A_99 = tpu.memref_squeeze %dma_start3A_98 : memref<1x80xi32, #tpu.memory_space<hbm>> -> memref<80xi32, #tpu.memory_space<hbm>>
      %dma_start3A_100 = tpu.memref_slice %arg3[%run_scoped3A, %mul3A_2] : memref<2x320000xi32, #tpu.memory_space<hbm>> -> memref<1x80xi32, #tpu.memory_space<hbm>>
      %dma_start3A_101 = tpu.memref_squeeze %dma_start3A_100 : memref<1x80xi32, #tpu.memory_space<hbm>> -> memref<80xi32, #tpu.memory_space<hbm>>
      tpu.enqueue_dma source(%dma_start3A_101 : memref<80xi32, #tpu.memory_space<hbm>>) target(%arg6 : memref<80xi32, #tpu.memory_space<vmem>>) target_semaphore(%run_scoped3A_97 : memref<!tpu.dma_semaphore, #tpu.memory_space<semaphore_mem>>)
      %dma_wait3A_102 = tpu.memref_slice %arg3[%run_scoped3A, %mul3A_2] : memref<2x320000xi32, #tpu.memory_space<hbm>> -> memref<1x80xi32, #tpu.memory_space<hbm>>
      %dma_wait3A_103 = tpu.memref_squeeze %dma_wait3A_102 : memref<1x80xi32, #tpu.memory_space<hbm>> -> memref<80xi32, #tpu.memory_space<hbm>>
      %dma_wait3A_104 = tpu.memref_slice %arg3[%run_scoped3A, %mul3A_2] : memref<2x320000xi32, #tpu.memory_space<hbm>> -> memref<1x80xi32, #tpu.memory_space<hbm>>
      %dma_wait3A_105 = tpu.memref_squeeze %dma_wait3A_104 : memref<1x80xi32, #tpu.memory_space<hbm>> -> memref<80xi32, #tpu.memory_space<hbm>>
      tpu.wait_dma2 semaphore(%run_scoped3A_97 : memref<!tpu.dma_semaphore, #tpu.memory_space<semaphore_mem>>) src(%dma_wait3A_105 : memref<80xi32, #tpu.memory_space<hbm>>) dst(%arg6 : memref<80xi32, #tpu.memory_space<vmem>>)
      tpu.yield
    }) : () -> ()
    %run_scoped3A_11 = arith.constant 1 : i32
    "tpu.region"() ({
      %run_scoped3A_97 = tpu.sem_alloc : memref<!tpu.dma_semaphore, #tpu.memory_space<semaphore_mem>>
      %dma_start3A_98 = tpu.memref_slice %arg3[%run_scoped3A_11, %mul3A_2] : memref<2x320000xi32, #tpu.memory_space<hbm>> -> memref<1x80xi32, #tpu.memory_space<hbm>>
      %dma_start3A_99 = tpu.memref_squeeze %dma_start3A_98 : memref<1x80xi32, #tpu.memory_space<hbm>> -> memref<80xi32, #tpu.memory_space<hbm>>
      %dma_start3A_100 = tpu.memref_slice %arg3[%run_scoped3A_11, %mul3A_2] : memref<2x320000xi32, #tpu.memory_space<hbm>> -> memref<1x80xi32, #tpu.memory_space<hbm>>
      %dma_start3A_101 = tpu.memref_squeeze %dma_start3A_100 : memref<1x80xi32, #tpu.memory_space<hbm>> -> memref<80xi32, #tpu.memory_space<hbm>>
      tpu.enqueue_dma source(%dma_start3A_101 : memref<80xi32, #tpu.memory_space<hbm>>) target(%arg10 : memref<80xi32, #tpu.memory_space<vmem>>) target_semaphore(%run_scoped3A_97 : memref<!tpu.dma_semaphore, #tpu.memory_space<semaphore_mem>>)
      %dma_wait3A_102 = tpu.memref_slice %arg3[%run_scoped3A_11, %mul3A_2] : memref<2x320000xi32, #tpu.memory_space<hbm>> -> memref<1x80xi32, #tpu.memory_space<hbm>>
      %dma_wait3A_103 = tpu.memref_squeeze %dma_wait3A_102 : memref<1x80xi32, #tpu.memory_space<hbm>> -> memref<80xi32, #tpu.memory_space<hbm>>
      %dma_wait3A_104 = tpu.memref_slice %arg3[%run_scoped3A_11, %mul3A_2] : memref<2x320000xi32, #tpu.memory_space<hbm>> -> memref<1x80xi32, #tpu.memory_space<hbm>>
      %dma_wait3A_105 = tpu.memref_squeeze %dma_wait3A_104 : memref<1x80xi32, #tpu.memory_space<hbm>> -> memref<80xi32, #tpu.memory_space<hbm>>
      tpu.wait_dma2 semaphore(%run_scoped3A_97 : memref<!tpu.dma_semaphore, #tpu.memory_space<semaphore_mem>>) src(%dma_wait3A_105 : memref<80xi32, #tpu.memory_space<hbm>>) dst(%arg10 : memref<80xi32, #tpu.memory_space<vmem>>)
      tpu.yield
    }) : () -> ()
    %dma_start3A = arith.constant 0 : i32
    %dma_start3A_12 = arith.constant 0 : i32
    %dma_start3A_13 = tpu.memref_slice %arg2[%dma_start3A, %dma_start3A_12] : memref<10000x128xf32, #tpu.memory_space<hbm>> -> memref<10000x128xf32, #tpu.memory_space<hbm>>
    tpu.enqueue_indirect_dma source(%dma_start3A_13 : memref<10000x128xf32, #tpu.memory_space<hbm>>) target(%arg14 : memref<80x128xf32, #tpu.memory_space<vmem>>) offsets(%arg6 : memref<80xi32, #tpu.memory_space<vmem>>) semaphore(%arg21 : memref<!tpu.dma_semaphore, #tpu.memory_space<semaphore_mem>>)
    %add3A_14 = arith.constant 80 : i32
    %add3A_15 = arith.addi %mul3A_2, %add3A_14 : i32
    %dma_start3A_16 = arith.constant 0 : i32
    %dma_start3A_17 = tpu.memref_slice %arg3[%dma_start3A_16, %add3A_15] : memref<2x320000xi32, #tpu.memory_space<hbm>> -> memref<1x80xi32, #tpu.memory_space<hbm>>
    %dma_start3A_18 = tpu.memref_squeeze %dma_start3A_17 : memref<1x80xi32, #tpu.memory_space<hbm>> -> memref<80xi32, #tpu.memory_space<hbm>>
    %dma_start3A_19 = tpu.memref_slice %arg3[%dma_start3A_16, %add3A_15] : memref<2x320000xi32, #tpu.memory_space<hbm>> -> memref<1x80xi32, #tpu.memory_space<hbm>>
    %dma_start3A_20 = tpu.memref_squeeze %dma_start3A_19 : memref<1x80xi32, #tpu.memory_space<hbm>> -> memref<80xi32, #tpu.memory_space<hbm>>
    tpu.enqueue_dma source(%dma_start3A_20 : memref<80xi32, #tpu.memory_space<hbm>>) target(%arg7 : memref<80xi32, #tpu.memory_space<vmem>>) target_semaphore(%arg18 : memref<!tpu.dma_semaphore, #tpu.memory_space<semaphore_mem>>)
    %add3A_21 = arith.constant 80 : i32
    %add3A_22 = arith.addi %mul3A_2, %add3A_21 : i32
    %dma_start3A_23 = arith.constant 1 : i32
    %dma_start3A_24 = tpu.memref_slice %arg3[%dma_start3A_23, %add3A_22] : memref<2x320000xi32, #tpu.memory_space<hbm>> -> memref<1x80xi32, #tpu.memory_space<hbm>>
    %dma_start3A_25 = tpu.memref_squeeze %dma_start3A_24 : memref<1x80xi32, #tpu.memory_space<hbm>> -> memref<80xi32, #tpu.memory_space<hbm>>
    %dma_start3A_26 = tpu.memref_slice %arg3[%dma_start3A_23, %add3A_22] : memref<2x320000xi32, #tpu.memory_space<hbm>> -> memref<1x80xi32, #tpu.memory_space<hbm>>
    %dma_start3A_27 = tpu.memref_squeeze %dma_start3A_26 : memref<1x80xi32, #tpu.memory_space<hbm>> -> memref<80xi32, #tpu.memory_space<hbm>>
    tpu.enqueue_dma source(%dma_start3A_27 : memref<80xi32, #tpu.memory_space<hbm>>) target(%arg11 : memref<80xi32, #tpu.memory_space<vmem>>) target_semaphore(%arg18 : memref<!tpu.dma_semaphore, #tpu.memory_space<semaphore_mem>>)
    %add3A_28 = arith.constant 160 : i32
    %add3A_29 = arith.addi %mul3A_2, %add3A_28 : i32
    %dma_start3A_30 = arith.constant 0 : i32
    %dma_start3A_31 = tpu.memref_slice %arg3[%dma_start3A_30, %add3A_29] : memref<2x320000xi32, #tpu.memory_space<hbm>> -> memref<1x80xi32, #tpu.memory_space<hbm>>
    %dma_start3A_32 = tpu.memref_squeeze %dma_start3A_31 : memref<1x80xi32, #tpu.memory_space<hbm>> -> memref<80xi32, #tpu.memory_space<hbm>>
    %dma_start3A_33 = tpu.memref_slice %arg3[%dma_start3A_30, %add3A_29] : memref<2x320000xi32, #tpu.memory_space<hbm>> -> memref<1x80xi32, #tpu.memory_space<hbm>>
    %dma_start3A_34 = tpu.memref_squeeze %dma_start3A_33 : memref<1x80xi32, #tpu.memory_space<hbm>> -> memref<80xi32, #tpu.memory_space<hbm>>
    tpu.enqueue_dma source(%dma_start3A_34 : memref<80xi32, #tpu.memory_space<hbm>>) target(%arg8 : memref<80xi32, #tpu.memory_space<vmem>>) target_semaphore(%arg19 : memref<!tpu.dma_semaphore, #tpu.memory_space<semaphore_mem>>)
    %add3A_35 = arith.constant 160 : i32
    %add3A_36 = arith.addi %mul3A_2, %add3A_35 : i32
    %dma_start3A_37 = arith.constant 1 : i32
    %dma_start3A_38 = tpu.memref_slice %arg3[%dma_start3A_37, %add3A_36] : memref<2x320000xi32, #tpu.memory_space<hbm>> -> memref<1x80xi32, #tpu.memory_space<hbm>>
    %dma_start3A_39 = tpu.memref_squeeze %dma_start3A_38 : memref<1x80xi32, #tpu.memory_space<hbm>> -> memref<80xi32, #tpu.memory_space<hbm>>
    %dma_start3A_40 = tpu.memref_slice %arg3[%dma_start3A_37, %add3A_36] : memref<2x320000xi32, #tpu.memory_space<hbm>> -> memref<1x80xi32, #tpu.memory_space<hbm>>
    %dma_start3A_41 = tpu.memref_squeeze %dma_start3A_40 : memref<1x80xi32, #tpu.memory_space<hbm>> -> memref<80xi32, #tpu.memory_space<hbm>>
    tpu.enqueue_dma source(%dma_start3A_41 : memref<80xi32, #tpu.memory_space<hbm>>) target(%arg12 : memref<80xi32, #tpu.memory_space<vmem>>) target_semaphore(%arg19 : memref<!tpu.dma_semaphore, #tpu.memory_space<semaphore_mem>>)
    %add3A_42 = arith.constant 240 : i32
    %add3A_43 = arith.addi %mul3A_2, %add3A_42 : i32
    %dma_start3A_44 = arith.constant 0 : i32
    %dma_start3A_45 = tpu.memref_slice %arg3[%dma_start3A_44, %add3A_43] : memref<2x320000xi32, #tpu.memory_space<hbm>> -> memref<1x80xi32, #tpu.memory_space<hbm>>
    %dma_start3A_46 = tpu.memref_squeeze %dma_start3A_45 : memref<1x80xi32, #tpu.memory_space<hbm>> -> memref<80xi32, #tpu.memory_space<hbm>>
    %dma_start3A_47 = tpu.memref_slice %arg3[%dma_start3A_44, %add3A_43] : memref<2x320000xi32, #tpu.memory_space<hbm>> -> memref<1x80xi32, #tpu.memory_space<hbm>>
    %dma_start3A_48 = tpu.memref_squeeze %dma_start3A_47 : memref<1x80xi32, #tpu.memory_space<hbm>> -> memref<80xi32, #tpu.memory_space<hbm>>
    tpu.enqueue_dma source(%dma_start3A_48 : memref<80xi32, #tpu.memory_space<hbm>>) target(%arg9 : memref<80xi32, #tpu.memory_space<vmem>>) target_semaphore(%arg20 : memref<!tpu.dma_semaphore, #tpu.memory_space<semaphore_mem>>)
    %add3A_49 = arith.constant 240 : i32
    %add3A_50 = arith.addi %mul3A_2, %add3A_49 : i32
    %dma_start3A_51 = arith.constant 1 : i32
    %dma_start3A_52 = tpu.memref_slice %arg3[%dma_start3A_51, %add3A_50] : memref<2x320000xi32, #tpu.memory_space<hbm>> -> memref<1x80xi32, #tpu.memory_space<hbm>>
    %dma_start3A_53 = tpu.memref_squeeze %dma_start3A_52 : memref<1x80xi32, #tpu.memory_space<hbm>> -> memref<80xi32, #tpu.memory_space<hbm>>
    %dma_start3A_54 = tpu.memref_slice %arg3[%dma_start3A_51, %add3A_50] : memref<2x320000xi32, #tpu.memory_space<hbm>> -> memref<1x80xi32, #tpu.memory_space<hbm>>
    %dma_start3A_55 = tpu.memref_squeeze %dma_start3A_54 : memref<1x80xi32, #tpu.memory_space<hbm>> -> memref<80xi32, #tpu.memory_space<hbm>>
    tpu.enqueue_dma source(%dma_start3A_55 : memref<80xi32, #tpu.memory_space<hbm>>) target(%arg13 : memref<80xi32, #tpu.memory_space<vmem>>) target_semaphore(%arg20 : memref<!tpu.dma_semaphore, #tpu.memory_space<semaphore_mem>>)
    %add3A_56 = arith.constant 0 : i32
    %add3A_57 = arith.addi %mul3A_4, %add3A_56 : i32
    "tpu.region"() ({
      %run_scoped3A_97 = tpu.sem_alloc : memref<!tpu.dma_semaphore, #tpu.memory_space<semaphore_mem>>
      %dma_start3A_98 = arith.constant 0 : i32
      %dma_start3A_99 = tpu.memref_slice %arg16[%add3A_57, %dma_start3A_98] : memref<10000x128xf32, #tpu.memory_space<vmem_shared>> -> memref<80x128xf32, #tpu.memory_space<vmem_shared>>
      %dma_start3A_100 = arith.constant 0 : i32
      %dma_start3A_101 = tpu.memref_slice %arg16[%add3A_57, %dma_start3A_100] : memref<10000x128xf32, #tpu.memory_space<vmem_shared>> -> memref<80x128xf32, #tpu.memory_space<vmem_shared>>
      tpu.enqueue_dma source(%arg15 : memref<80x128xf32, #tpu.memory_space<vmem>>) target(%dma_start3A_101 : memref<80x128xf32, #tpu.memory_space<vmem_shared>>) target_semaphore(%run_scoped3A_97 : memref<!tpu.dma_semaphore, #tpu.memory_space<semaphore_mem>>)
      %dma_wait3A_102 = arith.constant 0 : i32
      %dma_wait3A_103 = tpu.memref_slice %arg16[%add3A_57, %dma_wait3A_102] : memref<10000x128xf32, #tpu.memory_space<vmem_shared>> -> memref<80x128xf32, #tpu.memory_space<vmem_shared>>
      %dma_wait3A_104 = arith.constant 0 : i32
      %dma_wait3A_105 = tpu.memref_slice %arg16[%add3A_57, %dma_wait3A_104] : memref<10000x128xf32, #tpu.memory_space<vmem_shared>> -> memref<80x128xf32, #tpu.memory_space<vmem_shared>>
      tpu.wait_dma2 semaphore(%run_scoped3A_97 : memref<!tpu.dma_semaphore, #tpu.memory_space<semaphore_mem>>) src(%arg15 : memref<80x128xf32, #tpu.memory_space<vmem>>) dst(%dma_wait3A_105 : memref<80x128xf32, #tpu.memory_space<vmem_shared>>)
      tpu.yield
    }) : () -> ()
    %add3A_58 = arith.constant 0 : i32
    %add3A_59 = arith.addi %mul3A_4, %add3A_58 : i32
    "tpu.region"() ({
      %run_scoped3A_97 = tpu.sem_alloc : memref<!tpu.dma_semaphore, #tpu.memory_space<semaphore_mem>>
      %dma_start3A_98 = arith.constant 0 : i32
      %dma_start3A_99 = tpu.memref_slice %arg25[%add3A_59, %dma_start3A_98] : memref<10000x16xf32, #tpu.memory_space<vmem_shared>> -> memref<80x16xf32, #tpu.memory_space<vmem_shared>>
      %dma_start3A_100 = arith.constant 0 : i32
      %dma_start3A_101 = tpu.memref_slice %arg25[%add3A_59, %dma_start3A_100] : memref<10000x16xf32, #tpu.memory_space<vmem_shared>> -> memref<80x16xf32, #tpu.memory_space<vmem_shared>>
      tpu.enqueue_dma source(%arg24 : memref<80x16xf32, #tpu.memory_space<vmem>>) target(%dma_start3A_101 : memref<80x16xf32, #tpu.memory_space<vmem_shared>>) target_semaphore(%run_scoped3A_97 : memref<!tpu.dma_semaphore, #tpu.memory_space<semaphore_mem>>)
      %dma_wait3A_102 = arith.constant 0 : i32
      %dma_wait3A_103 = tpu.memref_slice %arg25[%add3A_59, %dma_wait3A_102] : memref<10000x16xf32, #tpu.memory_space<vmem_shared>> -> memref<80x16xf32, #tpu.memory_space<vmem_shared>>
      %dma_wait3A_104 = arith.constant 0 : i32
      %dma_wait3A_105 = tpu.memref_slice %arg25[%add3A_59, %dma_wait3A_104] : memref<10000x16xf32, #tpu.memory_space<vmem_shared>> -> memref<80x16xf32, #tpu.memory_space<vmem_shared>>
      tpu.wait_dma2 semaphore(%run_scoped3A_97 : memref<!tpu.dma_semaphore, #tpu.memory_space<semaphore_mem>>) src(%arg24 : memref<80x16xf32, #tpu.memory_space<vmem>>) dst(%dma_wait3A_105 : memref<80x16xf32, #tpu.memory_space<vmem_shared>>)
      tpu.yield
    }) : () -> ()
    %add3A_60 = arith.constant 80 : i32
    %add3A_61 = arith.addi %mul3A_4, %add3A_60 : i32
    "tpu.region"() ({
      %run_scoped3A_97 = tpu.sem_alloc : memref<!tpu.dma_semaphore, #tpu.memory_space<semaphore_mem>>
      %dma_start3A_98 = arith.constant 0 : i32
      %dma_start3A_99 = tpu.memref_slice %arg16[%add3A_61, %dma_start3A_98] : memref<10000x128xf32, #tpu.memory_space<vmem_shared>> -> memref<80x128xf32, #tpu.memory_space<vmem_shared>>
      %dma_start3A_100 = arith.constant 0 : i32
      %dma_start3A_101 = tpu.memref_slice %arg16[%add3A_61, %dma_start3A_100] : memref<10000x128xf32, #tpu.memory_space<vmem_shared>> -> memref<80x128xf32, #tpu.memory_space<vmem_shared>>
      tpu.enqueue_dma source(%arg15 : memref<80x128xf32, #tpu.memory_space<vmem>>) target(%dma_start3A_101 : memref<80x128xf32, #tpu.memory_space<vmem_shared>>) target_semaphore(%run_scoped3A_97 : memref<!tpu.dma_semaphore, #tpu.memory_space<semaphore_mem>>)
      %dma_wait3A_102 = arith.constant 0 : i32
      %dma_wait3A_103 = tpu.memref_slice %arg16[%add3A_61, %dma_wait3A_102] : memref<10000x128xf32, #tpu.memory_space<vmem_shared>> -> memref<80x128xf32, #tpu.memory_space<vmem_shared>>
      %dma_wait3A_104 = arith.constant 0 : i32
      %dma_wait3A_105 = tpu.memref_slice %arg16[%add3A_61, %dma_wait3A_104] : memref<10000x128xf32, #tpu.memory_space<vmem_shared>> -> memref<80x128xf32, #tpu.memory_space<vmem_shared>>
      tpu.wait_dma2 semaphore(%run_scoped3A_97 : memref<!tpu.dma_semaphore, #tpu.memory_space<semaphore_mem>>) src(%arg15 : memref<80x128xf32, #tpu.memory_space<vmem>>) dst(%dma_wait3A_105 : memref<80x128xf32, #tpu.memory_space<vmem_shared>>)
      tpu.yield
    }) : () -> ()
    %add3A_62 = arith.constant 80 : i32
    %add3A_63 = arith.addi %mul3A_4, %add3A_62 : i32
    "tpu.region"() ({
      %run_scoped3A_97 = tpu.sem_alloc : memref<!tpu.dma_semaphore, #tpu.memory_space<semaphore_mem>>
      %dma_start3A_98 = arith.constant 0 : i32
      %dma_start3A_99 = tpu.memref_slice %arg25[%add3A_63, %dma_start3A_98] : memref<10000x16xf32, #tpu.memory_space<vmem_shared>> -> memref<80x16xf32, #tpu.memory_space<vmem_shared>>
      %dma_start3A_100 = arith.constant 0 : i32
      %dma_start3A_101 = tpu.memref_slice %arg25[%add3A_63, %dma_start3A_100] : memref<10000x16xf32, #tpu.memory_space<vmem_shared>> -> memref<80x16xf32, #tpu.memory_space<vmem_shared>>
      tpu.enqueue_dma source(%arg24 : memref<80x16xf32, #tpu.memory_space<vmem>>) target(%dma_start3A_101 : memref<80x16xf32, #tpu.memory_space<vmem_shared>>) target_semaphore(%run_scoped3A_97 : memref<!tpu.dma_semaphore, #tpu.memory_space<semaphore_mem>>)
      %dma_wait3A_102 = arith.constant 0 : i32
      %dma_wait3A_103 = tpu.memref_slice %arg25[%add3A_63, %dma_wait3A_102] : memref<10000x16xf32, #tpu.memory_space<vmem_shared>> -> memref<80x16xf32, #tpu.memory_space<vmem_shared>>
      %dma_wait3A_104 = arith.constant 0 : i32
      %dma_wait3A_105 = tpu.memref_slice %arg25[%add3A_63, %dma_wait3A_104] : memref<10000x16xf32, #tpu.memory_space<vmem_shared>> -> memref<80x16xf32, #tpu.memory_space<vmem_shared>>
      tpu.wait_dma2 semaphore(%run_scoped3A_97 : memref<!tpu.dma_semaphore, #tpu.memory_space<semaphore_mem>>) src(%arg24 : memref<80x16xf32, #tpu.memory_space<vmem>>) dst(%dma_wait3A_105 : memref<80x16xf32, #tpu.memory_space<vmem_shared>>)
      tpu.yield
    }) : () -> ()
    %add3A_64 = arith.constant 160 : i32
    %add3A_65 = arith.addi %mul3A_4, %add3A_64 : i32
    "tpu.region"() ({
      %run_scoped3A_97 = tpu.sem_alloc : memref<!tpu.dma_semaphore, #tpu.memory_space<semaphore_mem>>
      %dma_start3A_98 = arith.constant 0 : i32
      %dma_start3A_99 = tpu.memref_slice %arg16[%add3A_65, %dma_start3A_98] : memref<10000x128xf32, #tpu.memory_space<vmem_shared>> -> memref<80x128xf32, #tpu.memory_space<vmem_shared>>
      %dma_start3A_100 = arith.constant 0 : i32
      %dma_start3A_101 = tpu.memref_slice %arg16[%add3A_65, %dma_start3A_100] : memref<10000x128xf32, #tpu.memory_space<vmem_shared>> -> memref<80x128xf32, #tpu.memory_space<vmem_shared>>
      tpu.enqueue_dma source(%arg15 : memref<80x128xf32, #tpu.memory_space<vmem>>) target(%dma_start3A_101 : memref<80x128xf32, #tpu.memory_space<vmem_shared>>) target_semaphore(%run_scoped3A_97 : memref<!tpu.dma_semaphore, #tpu.memory_space<semaphore_mem>>)
      %dma_wait3A_102 = arith.constant 0 : i32
      %dma_wait3A_103 = tpu.memref_slice %arg16[%add3A_65, %dma_wait3A_102] : memref<10000x128xf32, #tpu.memory_space<vmem_shared>> -> memref<80x128xf32, #tpu.memory_space<vmem_shared>>
      %dma_wait3A_104 = arith.constant 0 : i32
      %dma_wait3A_105 = tpu.memref_slice %arg16[%add3A_65, %dma_wait3A_104] : memref<10000x128xf32, #tpu.memory_space<vmem_shared>> -> memref<80x128xf32, #tpu.memory_space<vmem_shared>>
      tpu.wait_dma2 semaphore(%run_scoped3A_97 : memref<!tpu.dma_semaphore, #tpu.memory_space<semaphore_mem>>) src(%arg15 : memref<80x128xf32, #tpu.memory_space<vmem>>) dst(%dma_wait3A_105 : memref<80x128xf32, #tpu.memory_space<vmem_shared>>)
      tpu.yield
    }) : () -> ()
    %add3A_66 = arith.constant 160 : i32
    %add3A_67 = arith.addi %mul3A_4, %add3A_66 : i32
    "tpu.region"() ({
      %run_scoped3A_97 = tpu.sem_alloc : memref<!tpu.dma_semaphore, #tpu.memory_space<semaphore_mem>>
      %dma_start3A_98 = arith.constant 0 : i32
      %dma_start3A_99 = tpu.memref_slice %arg25[%add3A_67, %dma_start3A_98] : memref<10000x16xf32, #tpu.memory_space<vmem_shared>> -> memref<80x16xf32, #tpu.memory_space<vmem_shared>>
      %dma_start3A_100 = arith.constant 0 : i32
      %dma_start3A_101 = tpu.memref_slice %arg25[%add3A_67, %dma_start3A_100] : memref<10000x16xf32, #tpu.memory_space<vmem_shared>> -> memref<80x16xf32, #tpu.memory_space<vmem_shared>>
      tpu.enqueue_dma source(%arg24 : memref<80x16xf32, #tpu.memory_space<vmem>>) target(%dma_start3A_101 : memref<80x16xf32, #tpu.memory_space<vmem_shared>>) target_semaphore(%run_scoped3A_97 : memref<!tpu.dma_semaphore, #tpu.memory_space<semaphore_mem>>)
      %dma_wait3A_102 = arith.constant 0 : i32
      %dma_wait3A_103 = tpu.memref_slice %arg25[%add3A_67, %dma_wait3A_102] : memref<10000x16xf32, #tpu.memory_space<vmem_shared>> -> memref<80x16xf32, #tpu.memory_space<vmem_shared>>
      %dma_wait3A_104 = arith.constant 0 : i32
      %dma_wait3A_105 = tpu.memref_slice %arg25[%add3A_67, %dma_wait3A_104] : memref<10000x16xf32, #tpu.memory_space<vmem_shared>> -> memref<80x16xf32, #tpu.memory_space<vmem_shared>>
      tpu.wait_dma2 semaphore(%run_scoped3A_97 : memref<!tpu.dma_semaphore, #tpu.memory_space<semaphore_mem>>) src(%arg24 : memref<80x16xf32, #tpu.memory_space<vmem>>) dst(%dma_wait3A_105 : memref<80x16xf32, #tpu.memory_space<vmem_shared>>)
      tpu.yield
    }) : () -> ()
    %add3A_68 = arith.constant 240 : i32
    %add3A_69 = arith.addi %mul3A_4, %add3A_68 : i32
    "tpu.region"() ({
      %run_scoped3A_97 = tpu.sem_alloc : memref<!tpu.dma_semaphore, #tpu.memory_space<semaphore_mem>>
      %dma_start3A_98 = arith.constant 0 : i32
      %dma_start3A_99 = tpu.memref_slice %arg16[%add3A_69, %dma_start3A_98] : memref<10000x128xf32, #tpu.memory_space<vmem_shared>> -> memref<80x128xf32, #tpu.memory_space<vmem_shared>>
      %dma_start3A_100 = arith.constant 0 : i32
      %dma_start3A_101 = tpu.memref_slice %arg16[%add3A_69, %dma_start3A_100] : memref<10000x128xf32, #tpu.memory_space<vmem_shared>> -> memref<80x128xf32, #tpu.memory_space<vmem_shared>>
      tpu.enqueue_dma source(%arg15 : memref<80x128xf32, #tpu.memory_space<vmem>>) target(%dma_start3A_101 : memref<80x128xf32, #tpu.memory_space<vmem_shared>>) target_semaphore(%run_scoped3A_97 : memref<!tpu.dma_semaphore, #tpu.memory_space<semaphore_mem>>)
      %dma_wait3A_102 = arith.constant 0 : i32
      %dma_wait3A_103 = tpu.memref_slice %arg16[%add3A_69, %dma_wait3A_102] : memref<10000x128xf32, #tpu.memory_space<vmem_shared>> -> memref<80x128xf32, #tpu.memory_space<vmem_shared>>
      %dma_wait3A_104 = arith.constant 0 : i32
      %dma_wait3A_105 = tpu.memref_slice %arg16[%add3A_69, %dma_wait3A_104] : memref<10000x128xf32, #tpu.memory_space<vmem_shared>> -> memref<80x128xf32, #tpu.memory_space<vmem_shared>>
      tpu.wait_dma2 semaphore(%run_scoped3A_97 : memref<!tpu.dma_semaphore, #tpu.memory_space<semaphore_mem>>) src(%arg15 : memref<80x128xf32, #tpu.memory_space<vmem>>) dst(%dma_wait3A_105 : memref<80x128xf32, #tpu.memory_space<vmem_shared>>)
      tpu.yield
    }) : () -> ()
    %add3A_70 = arith.constant 240 : i32
    %add3A_71 = arith.addi %mul3A_4, %add3A_70 : i32
    "tpu.region"() ({
      %run_scoped3A_97 = tpu.sem_alloc : memref<!tpu.dma_semaphore, #tpu.memory_space<semaphore_mem>>
      %dma_start3A_98 = arith.constant 0 : i32
      %dma_start3A_99 = tpu.memref_slice %arg25[%add3A_71, %dma_start3A_98] : memref<10000x16xf32, #tpu.memory_space<vmem_shared>> -> memref<80x16xf32, #tpu.memory_space<vmem_shared>>
      %dma_start3A_100 = arith.constant 0 : i32
      %dma_start3A_101 = tpu.memref_slice %arg25[%add3A_71, %dma_start3A_100] : memref<10000x16xf32, #tpu.memory_space<vmem_shared>> -> memref<80x16xf32, #tpu.memory_space<vmem_shared>>
      tpu.enqueue_dma source(%arg24 : memref<80x16xf32, #tpu.memory_space<vmem>>) target(%dma_start3A_101 : memref<80x16xf32, #tpu.memory_space<vmem_shared>>) target_semaphore(%run_scoped3A_97 : memref<!tpu.dma_semaphore, #tpu.memory_space<semaphore_mem>>)
      %dma_wait3A_102 = arith.constant 0 : i32
      %dma_wait3A_103 = tpu.memref_slice %arg25[%add3A_71, %dma_wait3A_102] : memref<10000x16xf32, #tpu.memory_space<vmem_shared>> -> memref<80x16xf32, #tpu.memory_space<vmem_shared>>
      %dma_wait3A_104 = arith.constant 0 : i32
      %dma_wait3A_105 = tpu.memref_slice %arg25[%add3A_71, %dma_wait3A_104] : memref<10000x16xf32, #tpu.memory_space<vmem_shared>> -> memref<80x16xf32, #tpu.memory_space<vmem_shared>>
      tpu.wait_dma2 semaphore(%run_scoped3A_97 : memref<!tpu.dma_semaphore, #tpu.memory_space<semaphore_mem>>) src(%arg24 : memref<80x16xf32, #tpu.memory_space<vmem>>) dst(%dma_wait3A_105 : memref<80x16xf32, #tpu.memory_space<vmem_shared>>)
      tpu.yield
    }) : () -> ()
    %add3A_72 = arith.constant 320 : i32
    %add3A_73 = arith.addi %mul3A_4, %add3A_72 : i32
    "tpu.region"() ({
      %run_scoped3A_97 = tpu.sem_alloc : memref<!tpu.dma_semaphore, #tpu.memory_space<semaphore_mem>>
      %dma_start3A_98 = arith.constant 0 : i32
      %dma_start3A_99 = tpu.memref_slice %arg16[%add3A_73, %dma_start3A_98] : memref<10000x128xf32, #tpu.memory_space<vmem_shared>> -> memref<80x128xf32, #tpu.memory_space<vmem_shared>>
      %dma_start3A_100 = arith.constant 0 : i32
      %dma_start3A_101 = tpu.memref_slice %arg16[%add3A_73, %dma_start3A_100] : memref<10000x128xf32, #tpu.memory_space<vmem_shared>> -> memref<80x128xf32, #tpu.memory_space<vmem_shared>>
      tpu.enqueue_dma source(%arg15 : memref<80x128xf32, #tpu.memory_space<vmem>>) target(%dma_start3A_101 : memref<80x128xf32, #tpu.memory_space<vmem_shared>>) target_semaphore(%run_scoped3A_97 : memref<!tpu.dma_semaphore, #tpu.memory_space<semaphore_mem>>)
      %dma_wait3A_102 = arith.constant 0 : i32
      %dma_wait3A_103 = tpu.memref_slice %arg16[%add3A_73, %dma_wait3A_102] : memref<10000x128xf32, #tpu.memory_space<vmem_shared>> -> memref<80x128xf32, #tpu.memory_space<vmem_shared>>
      %dma_wait3A_104 = arith.constant 0 : i32
      %dma_wait3A_105 = tpu.memref_slice %arg16[%add3A_73, %dma_wait3A_104] : memref<10000x128xf32, #tpu.memory_space<vmem_shared>> -> memref<80x128xf32, #tpu.memory_space<vmem_shared>>
      tpu.wait_dma2 semaphore(%run_scoped3A_97 : memref<!tpu.dma_semaphore, #tpu.memory_space<semaphore_mem>>) src(%arg15 : memref<80x128xf32, #tpu.memory_space<vmem>>) dst(%dma_wait3A_105 : memref<80x128xf32, #tpu.memory_space<vmem_shared>>)
      tpu.yield
    }) : () -> ()
    %add3A_74 = arith.constant 320 : i32
    %add3A_75 = arith.addi %mul3A_4, %add3A_74 : i32
    "tpu.region"() ({
      %run_scoped3A_97 = tpu.sem_alloc : memref<!tpu.dma_semaphore, #tpu.memory_space<semaphore_mem>>
      %dma_start3A_98 = arith.constant 0 : i32
      %dma_start3A_99 = tpu.memref_slice %arg25[%add3A_75, %dma_start3A_98] : memref<10000x16xf32, #tpu.memory_space<vmem_shared>> -> memref<80x16xf32, #tpu.memory_space<vmem_shared>>
      %dma_start3A_100 = arith.constant 0 : i32
      %dma_start3A_101 = tpu.memref_slice %arg25[%add3A_75, %dma_start3A_100] : memref<10000x16xf32, #tpu.memory_space<vmem_shared>> -> memref<80x16xf32, #tpu.memory_space<vmem_shared>>
      tpu.enqueue_dma source(%arg24 : memref<80x16xf32, #tpu.memory_space<vmem>>) target(%dma_start3A_101 : memref<80x16xf32, #tpu.memory_space<vmem_shared>>) target_semaphore(%run_scoped3A_97 : memref<!tpu.dma_semaphore, #tpu.memory_space<semaphore_mem>>)
      %dma_wait3A_102 = arith.constant 0 : i32
      %dma_wait3A_103 = tpu.memref_slice %arg25[%add3A_75, %dma_wait3A_102] : memref<10000x16xf32, #tpu.memory_space<vmem_shared>> -> memref<80x16xf32, #tpu.memory_space<vmem_shared>>
      %dma_wait3A_104 = arith.constant 0 : i32
      %dma_wait3A_105 = tpu.memref_slice %arg25[%add3A_75, %dma_wait3A_104] : memref<10000x16xf32, #tpu.memory_space<vmem_shared>> -> memref<80x16xf32, #tpu.memory_space<vmem_shared>>
      tpu.wait_dma2 semaphore(%run_scoped3A_97 : memref<!tpu.dma_semaphore, #tpu.memory_space<semaphore_mem>>) src(%arg24 : memref<80x16xf32, #tpu.memory_space<vmem>>) dst(%dma_wait3A_105 : memref<80x16xf32, #tpu.memory_space<vmem_shared>>)
      tpu.yield
    }) : () -> ()
    %add3A_76 = arith.constant 400 : i32
    %add3A_77 = arith.addi %mul3A_4, %add3A_76 : i32
    "tpu.region"() ({
      %run_scoped3A_97 = tpu.sem_alloc : memref<!tpu.dma_semaphore, #tpu.memory_space<semaphore_mem>>
      %dma_start3A_98 = arith.constant 0 : i32
      %dma_start3A_99 = tpu.memref_slice %arg16[%add3A_77, %dma_start3A_98] : memref<10000x128xf32, #tpu.memory_space<vmem_shared>> -> memref<80x128xf32, #tpu.memory_space<vmem_shared>>
      %dma_start3A_100 = arith.constant 0 : i32
      %dma_start3A_101 = tpu.memref_slice %arg16[%add3A_77, %dma_start3A_100] : memref<10000x128xf32, #tpu.memory_space<vmem_shared>> -> memref<80x128xf32, #tpu.memory_space<vmem_shared>>
      tpu.enqueue_dma source(%arg15 : memref<80x128xf32, #tpu.memory_space<vmem>>) target(%dma_start3A_101 : memref<80x128xf32, #tpu.memory_space<vmem_shared>>) target_semaphore(%run_scoped3A_97 : memref<!tpu.dma_semaphore, #tpu.memory_space<semaphore_mem>>)
      %dma_wait3A_102 = arith.constant 0 : i32
      %dma_wait3A_103 = tpu.memref_slice %arg16[%add3A_77, %dma_wait3A_102] : memref<10000x128xf32, #tpu.memory_space<vmem_shared>> -> memref<80x128xf32, #tpu.memory_space<vmem_shared>>
      %dma_wait3A_104 = arith.constant 0 : i32
      %dma_wait3A_105 = tpu.memref_slice %arg16[%add3A_77, %dma_wait3A_104] : memref<10000x128xf32, #tpu.memory_space<vmem_shared>> -> memref<80x128xf32, #tpu.memory_space<vmem_shared>>
      tpu.wait_dma2 semaphore(%run_scoped3A_97 : memref<!tpu.dma_semaphore, #tpu.memory_space<semaphore_mem>>) src(%arg15 : memref<80x128xf32, #tpu.memory_space<vmem>>) dst(%dma_wait3A_105 : memref<80x128xf32, #tpu.memory_space<vmem_shared>>)
      tpu.yield
    }) : () -> ()
    %add3A_78 = arith.constant 400 : i32
    %add3A_79 = arith.addi %mul3A_4, %add3A_78 : i32
    "tpu.region"() ({
      %run_scoped3A_97 = tpu.sem_alloc : memref<!tpu.dma_semaphore, #tpu.memory_space<semaphore_mem>>
      %dma_start3A_98 = arith.constant 0 : i32
      %dma_start3A_99 = tpu.memref_slice %arg25[%add3A_79, %dma_start3A_98] : memref<10000x16xf32, #tpu.memory_space<vmem_shared>> -> memref<80x16xf32, #tpu.memory_space<vmem_shared>>
      %dma_start3A_100 = arith.constant 0 : i32
      %dma_start3A_101 = tpu.memref_slice %arg25[%add3A_79, %dma_start3A_100] : memref<10000x16xf32, #tpu.memory_space<vmem_shared>> -> memref<80x16xf32, #tpu.memory_space<vmem_shared>>
      tpu.enqueue_dma source(%arg24 : memref<80x16xf32, #tpu.memory_space<vmem>>) target(%dma_start3A_101 : memref<80x16xf32, #tpu.memory_space<vmem_shared>>) target_semaphore(%run_scoped3A_97 : memref<!tpu.dma_semaphore, #tpu.memory_space<semaphore_mem>>)
      %dma_wait3A_102 = arith.constant 0 : i32
      %dma_wait3A_103 = tpu.memref_slice %arg25[%add3A_79, %dma_wait3A_102] : memref<10000x16xf32, #tpu.memory_space<vmem_shared>> -> memref<80x16xf32, #tpu.memory_space<vmem_shared>>
      %dma_wait3A_104 = arith.constant 0 : i32
      %dma_wait3A_105 = tpu.memref_slice %arg25[%add3A_79, %dma_wait3A_104] : memref<10000x16xf32, #tpu.memory_space<vmem_shared>> -> memref<80x16xf32, #tpu.memory_space<vmem_shared>>
      tpu.wait_dma2 semaphore(%run_scoped3A_97 : memref<!tpu.dma_semaphore, #tpu.memory_space<semaphore_mem>>) src(%arg24 : memref<80x16xf32, #tpu.memory_space<vmem>>) dst(%dma_wait3A_105 : memref<80x16xf32, #tpu.memory_space<vmem_shared>>)
      tpu.yield
    }) : () -> ()
    %add3A_80 = arith.constant 480 : i32
    %add3A_81 = arith.addi %mul3A_4, %add3A_80 : i32
    "tpu.region"() ({
      %run_scoped3A_97 = tpu.sem_alloc : memref<!tpu.dma_semaphore, #tpu.memory_space<semaphore_mem>>
      %dma_start3A_98 = arith.constant 0 : i32
      %dma_start3A_99 = tpu.memref_slice %arg16[%add3A_81, %dma_start3A_98] : memref<10000x128xf32, #tpu.memory_space<vmem_shared>> -> memref<80x128xf32, #tpu.memory_space<vmem_shared>>
      %dma_start3A_100 = arith.constant 0 : i32
      %dma_start3A_101 = tpu.memref_slice %arg16[%add3A_81, %dma_start3A_100] : memref<10000x128xf32, #tpu.memory_space<vmem_shared>> -> memref<80x128xf32, #tpu.memory_space<vmem_shared>>
      tpu.enqueue_dma source(%arg15 : memref<80x128xf32, #tpu.memory_space<vmem>>) target(%dma_start3A_101 : memref<80x128xf32, #tpu.memory_space<vmem_shared>>) target_semaphore(%run_scoped3A_97 : memref<!tpu.dma_semaphore, #tpu.memory_space<semaphore_mem>>)
      %dma_wait3A_102 = arith.constant 0 : i32
      %dma_wait3A_103 = tpu.memref_slice %arg16[%add3A_81, %dma_wait3A_102] : memref<10000x128xf32, #tpu.memory_space<vmem_shared>> -> memref<80x128xf32, #tpu.memory_space<vmem_shared>>
      %dma_wait3A_104 = arith.constant 0 : i32
      %dma_wait3A_105 = tpu.memref_slice %arg16[%add3A_81, %dma_wait3A_104] : memref<10000x128xf32, #tpu.memory_space<vmem_shared>> -> memref<80x128xf32, #tpu.memory_space<vmem_shared>>
      tpu.wait_dma2 semaphore(%run_scoped3A_97 : memref<!tpu.dma_semaphore, #tpu.memory_space<semaphore_mem>>) src(%arg15 : memref<80x128xf32, #tpu.memory_space<vmem>>) dst(%dma_wait3A_105 : memref<80x128xf32, #tpu.memory_space<vmem_shared>>)
      tpu.yield
    }) : () -> ()
    %add3A_82 = arith.constant 480 : i32
    %add3A_83 = arith.addi %mul3A_4, %add3A_82 : i32
    "tpu.region"() ({
      %run_scoped3A_97 = tpu.sem_alloc : memref<!tpu.dma_semaphore, #tpu.memory_space<semaphore_mem>>
      %dma_start3A_98 = arith.constant 0 : i32
      %dma_start3A_99 = tpu.memref_slice %arg25[%add3A_83, %dma_start3A_98] : memref<10000x16xf32, #tpu.memory_space<vmem_shared>> -> memref<80x16xf32, #tpu.memory_space<vmem_shared>>
      %dma_start3A_100 = arith.constant 0 : i32
      %dma_start3A_101 = tpu.memref_slice %arg25[%add3A_83, %dma_start3A_100] : memref<10000x16xf32, #tpu.memory_space<vmem_shared>> -> memref<80x16xf32, #tpu.memory_space<vmem_shared>>
      tpu.enqueue_dma source(%arg24 : memref<80x16xf32, #tpu.memory_space<vmem>>) target(%dma_start3A_101 : memref<80x16xf32, #tpu.memory_space<vmem_shared>>) target_semaphore(%run_scoped3A_97 : memref<!tpu.dma_semaphore, #tpu.memory_space<semaphore_mem>>)
      %dma_wait3A_102 = arith.constant 0 : i32
      %dma_wait3A_103 = tpu.memref_slice %arg25[%add3A_83, %dma_wait3A_102] : memref<10000x16xf32, #tpu.memory_space<vmem_shared>> -> memref<80x16xf32, #tpu.memory_space<vmem_shared>>
      %dma_wait3A_104 = arith.constant 0 : i32
      %dma_wait3A_105 = tpu.memref_slice %arg25[%add3A_83, %dma_wait3A_104] : memref<10000x16xf32, #tpu.memory_space<vmem_shared>> -> memref<80x16xf32, #tpu.memory_space<vmem_shared>>
      tpu.wait_dma2 semaphore(%run_scoped3A_97 : memref<!tpu.dma_semaphore, #tpu.memory_space<semaphore_mem>>) src(%arg24 : memref<80x16xf32, #tpu.memory_space<vmem>>) dst(%dma_wait3A_105 : memref<80x16xf32, #tpu.memory_space<vmem_shared>>)
      tpu.yield
    }) : () -> ()
    %add3A_84 = arith.constant 560 : i32
    %add3A_85 = arith.addi %mul3A_4, %add3A_84 : i32
    "tpu.region"() ({
      %run_scoped3A_97 = tpu.sem_alloc : memref<!tpu.dma_semaphore, #tpu.memory_space<semaphore_mem>>
      %dma_start3A_98 = arith.constant 0 : i32
      %dma_start3A_99 = arith.constant 0 : i32
      %dma_start3A_100 = tpu.memref_slice %arg15[%dma_start3A_98, %dma_start3A_99] : memref<80x128xf32, #tpu.memory_space<vmem>> -> memref<65x128xf32, #tpu.memory_space<vmem>>
      %dma_start3A_101 = arith.constant 0 : i32
      %dma_start3A_102 = tpu.memref_slice %arg16[%add3A_85, %dma_start3A_101] : memref<10000x128xf32, #tpu.memory_space<vmem_shared>> -> memref<65x128xf32, #tpu.memory_space<vmem_shared>>
      %dma_start3A_103 = arith.constant 0 : i32
      %dma_start3A_104 = tpu.memref_slice %arg16[%add3A_85, %dma_start3A_103] : memref<10000x128xf32, #tpu.memory_space<vmem_shared>> -> memref<65x128xf32, #tpu.memory_space<vmem_shared>>
      %dma_start3A_105 = arith.constant 0 : i32
      %dma_start3A_106 = arith.constant 0 : i32
      %dma_start3A_107 = tpu.memref_slice %arg15[%dma_start3A_105, %dma_start3A_106] : memref<80x128xf32, #tpu.memory_space<vmem>> -> memref<65x128xf32, #tpu.memory_space<vmem>>
      tpu.enqueue_dma source(%dma_start3A_107 : memref<65x128xf32, #tpu.memory_space<vmem>>) target(%dma_start3A_104 : memref<65x128xf32, #tpu.memory_space<vmem_shared>>) target_semaphore(%run_scoped3A_97 : memref<!tpu.dma_semaphore, #tpu.memory_space<semaphore_mem>>)
      %dma_wait3A_108 = arith.constant 0 : i32
      %dma_wait3A_109 = arith.constant 0 : i32
      %dma_wait3A_110 = tpu.memref_slice %arg15[%dma_wait3A_108, %dma_wait3A_109] : memref<80x128xf32, #tpu.memory_space<vmem>> -> memref<65x128xf32, #tpu.memory_space<vmem>>
      %dma_wait3A_111 = arith.constant 0 : i32
      %dma_wait3A_112 = tpu.memref_slice %arg16[%add3A_85, %dma_wait3A_111] : memref<10000x128xf32, #tpu.memory_space<vmem_shared>> -> memref<65x128xf32, #tpu.memory_space<vmem_shared>>
      %dma_wait3A_113 = arith.constant 0 : i32
      %dma_wait3A_114 = tpu.memref_slice %arg16[%add3A_85, %dma_wait3A_113] : memref<10000x128xf32, #tpu.memory_space<vmem_shared>> -> memref<65x128xf32, #tpu.memory_space<vmem_shared>>
      %dma_wait3A_115 = arith.constant 0 : i32
      %dma_wait3A_116 = arith.constant 0 : i32
      %dma_wait3A_117 = tpu.memref_slice %arg15[%dma_wait3A_115, %dma_wait3A_116] : memref<80x128xf32, #tpu.memory_space<vmem>> -> memref<65x128xf32, #tpu.memory_space<vmem>>
      tpu.wait_dma2 semaphore(%run_scoped3A_97 : memref<!tpu.dma_semaphore, #tpu.memory_space<semaphore_mem>>) src(%dma_wait3A_117 : memref<65x128xf32, #tpu.memory_space<vmem>>) dst(%dma_wait3A_114 : memref<65x128xf32, #tpu.memory_space<vmem_shared>>)
      tpu.yield
    }) : () -> ()
    %add3A_86 = arith.constant 560 : i32
    %add3A_87 = arith.addi %mul3A_4, %add3A_86 : i32
    "tpu.region"() ({
      %run_scoped3A_97 = tpu.sem_alloc : memref<!tpu.dma_semaphore, #tpu.memory_space<semaphore_mem>>
      %dma_start3A_98 = arith.constant 0 : i32
      %dma_start3A_99 = arith.constant 0 : i32
      %dma_start3A_100 = tpu.memref_slice %arg24[%dma_start3A_98, %dma_start3A_99] : memref<80x16xf32, #tpu.memory_space<vmem>> -> memref<65x16xf32, #tpu.memory_space<vmem>>
      %dma_start3A_101 = arith.constant 0 : i32
      %dma_start3A_102 = tpu.memref_slice %arg25[%add3A_87, %dma_start3A_101] : memref<10000x16xf32, #tpu.memory_space<vmem_shared>> -> memref<65x16xf32, #tpu.memory_space<vmem_shared>>
      %dma_start3A_103 = arith.constant 0 : i32
      %dma_start3A_104 = tpu.memref_slice %arg25[%add3A_87, %dma_start3A_103] : memref<10000x16xf32, #tpu.memory_space<vmem_shared>> -> memref<65x16xf32, #tpu.memory_space<vmem_shared>>
      %dma_start3A_105 = arith.constant 0 : i32
      %dma_start3A_106 = arith.constant 0 : i32
      %dma_start3A_107 = tpu.memref_slice %arg24[%dma_start3A_105, %dma_start3A_106] : memref<80x16xf32, #tpu.memory_space<vmem>> -> memref<65x16xf32, #tpu.memory_space<vmem>>
      tpu.enqueue_dma source(%dma_start3A_107 : memref<65x16xf32, #tpu.memory_space<vmem>>) target(%dma_start3A_104 : memref<65x16xf32, #tpu.memory_space<vmem_shared>>) target_semaphore(%run_scoped3A_97 : memref<!tpu.dma_semaphore, #tpu.memory_space<semaphore_mem>>)
      %dma_wait3A_108 = arith.constant 0 : i32
      %dma_wait3A_109 = arith.constant 0 : i32
      %dma_wait3A_110 = tpu.memref_slice %arg24[%dma_wait3A_108, %dma_wait3A_109] : memref<80x16xf32, #tpu.memory_space<vmem>> -> memref<65x16xf32, #tpu.memory_space<vmem>>
      %dma_wait3A_111 = arith.constant 0 : i32
      %dma_wait3A_112 = tpu.memref_slice %arg25[%add3A_87, %dma_wait3A_111] : memref<10000x16xf32, #tpu.memory_space<vmem_shared>> -> memref<65x16xf32, #tpu.memory_space<vmem_shared>>
      %dma_wait3A_113 = arith.constant 0 : i32
      %dma_wait3A_114 = tpu.memref_slice %arg25[%add3A_87, %dma_wait3A_113] : memref<10000x16xf32, #tpu.memory_space<vmem_shared>> -> memref<65x16xf32, #tpu.memory_space<vmem_shared>>
      %dma_wait3A_115 = arith.constant 0 : i32
      %dma_wait3A_116 = arith.constant 0 : i32
      %dma_wait3A_117 = tpu.memref_slice %arg24[%dma_wait3A_115, %dma_wait3A_116] : memref<80x16xf32, #tpu.memory_space<vmem>> -> memref<65x16xf32, #tpu.memory_space<vmem>>
      tpu.wait_dma2 semaphore(%run_scoped3A_97 : memref<!tpu.dma_semaphore, #tpu.memory_space<semaphore_mem>>) src(%dma_wait3A_117 : memref<65x16xf32, #tpu.memory_space<vmem>>) dst(%dma_wait3A_114 : memref<65x16xf32, #tpu.memory_space<vmem_shared>>)
      tpu.yield
    }) : () -> ()
    %barrier3A = arith.constant 0 : index
    tpu.barrier barrier_id(%barrier3A)
    %scan3A_88 = arith.constant 0 : i32
    %scan3A_89 = arith.constant 0 : i32
    %scan3A_90 = arith.constant 31 : i32
    %scan3A_91 = arith.addi %scan3A_89, %scan3A_90 : i32
    %scan3A_92 = arith.constant 1 : i32
    scf.for %scan3A_97 = %scan3A_89 to %scan3A_91 step %scan3A_92  : i32 {
      %mul3A_98 = arith.constant 4 : i32
      %mul3A_99 = arith.muli %mul3A_98, %scan3A_97 : i32
      %add3A_100 = arith.constant 1 : i32
      %add3A_101 = arith.addi %mul3A_99, %add3A_100 : i32
      %mul3A_102 = arith.constant 80 : i32
      %mul3A_103 = arith.muli %add3A_101, %mul3A_102 : i32
      %add3A_104 = arith.addi %mul3A_2, %mul3A_103 : i32
      %dma_wait3A_105 = arith.constant 0 : i32
      %dma_wait3A_106 = tpu.memref_slice %arg3[%dma_wait3A_105, %add3A_104] : memref<2x320000xi32, #tpu.memory_space<hbm>> -> memref<1x80xi32, #tpu.memory_space<hbm>>
      %dma_wait3A_107 = tpu.memref_squeeze %dma_wait3A_106 : memref<1x80xi32, #tpu.memory_space<hbm>> -> memref<80xi32, #tpu.memory_space<hbm>>
      %dma_wait3A_108 = tpu.memref_slice %arg3[%dma_wait3A_105, %add3A_104] : memref<2x320000xi32, #tpu.memory_space<hbm>> -> memref<1x80xi32, #tpu.memory_space<hbm>>
      %dma_wait3A_109 = tpu.memref_squeeze %dma_wait3A_108 : memref<1x80xi32, #tpu.memory_space<hbm>> -> memref<80xi32, #tpu.memory_space<hbm>>
      tpu.wait_dma2 semaphore(%arg18 : memref<!tpu.dma_semaphore, #tpu.memory_space<semaphore_mem>>) src(%dma_wait3A_109 : memref<80xi32, #tpu.memory_space<hbm>>) dst(%arg7 : memref<80xi32, #tpu.memory_space<vmem>>)
      %mul3A_110 = arith.constant 80 : i32
      %mul3A_111 = arith.muli %add3A_101, %mul3A_110 : i32
      %add3A_112 = arith.addi %mul3A_2, %mul3A_111 : i32
      %dma_wait3A_113 = arith.constant 1 : i32
      %dma_wait3A_114 = tpu.memref_slice %arg3[%dma_wait3A_113, %add3A_112] : memref<2x320000xi32, #tpu.memory_space<hbm>> -> memref<1x80xi32, #tpu.memory_space<hbm>>
      %dma_wait3A_115 = tpu.memref_squeeze %dma_wait3A_114 : memref<1x80xi32, #tpu.memory_space<hbm>> -> memref<80xi32, #tpu.memory_space<hbm>>
      %dma_wait3A_116 = tpu.memref_slice %arg3[%dma_wait3A_113, %add3A_112] : memref<2x320000xi32, #tpu.memory_space<hbm>> -> memref<1x80xi32, #tpu.memory_space<hbm>>
      %dma_wait3A_117 = tpu.memref_squeeze %dma_wait3A_116 : memref<1x80xi32, #tpu.memory_space<hbm>> -> memref<80xi32, #tpu.memory_space<hbm>>
      tpu.wait_dma2 semaphore(%arg18 : memref<!tpu.dma_semaphore, #tpu.memory_space<semaphore_mem>>) src(%dma_wait3A_117 : memref<80xi32, #tpu.memory_space<hbm>>) dst(%arg11 : memref<80xi32, #tpu.memory_space<vmem>>)
      %dma_start3A_118 = arith.constant 0 : i32
      %dma_start3A_119 = arith.constant 0 : i32
      %dma_start3A_120 = tpu.memref_slice %arg2[%dma_start3A_118, %dma_start3A_119] : memref<10000x128xf32, #tpu.memory_space<hbm>> -> memref<10000x128xf32, #tpu.memory_space<hbm>>
      tpu.enqueue_indirect_dma source(%dma_start3A_120 : memref<10000x128xf32, #tpu.memory_space<hbm>>) target(%arg15 : memref<80x128xf32, #tpu.memory_space<vmem>>) offsets(%arg7 : memref<80xi32, #tpu.memory_space<vmem>>) semaphore(%arg22 : memref<!tpu.dma_semaphore, #tpu.memory_space<semaphore_mem>>)
      %dma_wait3A_121 = arith.constant 0 : i32
      %dma_wait3A_122 = arith.constant 0 : i32
      %dma_wait3A_123 = tpu.memref_slice %arg2[%dma_wait3A_121, %dma_wait3A_122] : memref<10000x128xf32, #tpu.memory_space<hbm>> -> memref<10000x128xf32, #tpu.memory_space<hbm>>
      tpu.wait_indirect_dma semaphore(%arg21 : memref<!tpu.dma_semaphore, #tpu.memory_space<semaphore_mem>>) src(%dma_wait3A_123 : memref<10000x128xf32, #tpu.memory_space<hbm>>) dst(%arg14 : memref<80x128xf32, #tpu.memory_space<vmem>>)
      "tpu.region"() ({
        %run_scoped3A_232 = tpu.sem_alloc : memref<!tpu.dma_semaphore, #tpu.memory_space<semaphore_mem>>
        %dma_start3A_233 = arith.constant 0 : i32
        %dma_start3A_234 = arith.constant 0 : i32
        %dma_start3A_235 = tpu.memref_slice %arg16[%dma_start3A_233, %dma_start3A_234] : memref<10000x128xf32, #tpu.memory_space<vmem_shared>> -> memref<10000x128xf32, #tpu.memory_space<vmem_shared>>
        tpu.enqueue_indirect_dma source(%arg14 : memref<80x128xf32, #tpu.memory_space<vmem>>) target(%dma_start3A_235 : memref<10000x128xf32, #tpu.memory_space<vmem_shared>>) offsets(%arg10 : memref<80xi32, #tpu.memory_space<vmem>>) semaphore(%run_scoped3A_232 : memref<!tpu.dma_semaphore, #tpu.memory_space<semaphore_mem>>) {add = true}
        %dma_wait3A_236 = arith.constant 0 : i32
        %dma_wait3A_237 = arith.constant 0 : i32
        %dma_wait3A_238 = tpu.memref_slice %arg16[%dma_wait3A_236, %dma_wait3A_237] : memref<10000x128xf32, #tpu.memory_space<vmem_shared>> -> memref<10000x128xf32, #tpu.memory_space<vmem_shared>>
        tpu.wait_indirect_dma semaphore(%run_scoped3A_232 : memref<!tpu.dma_semaphore, #tpu.memory_space<semaphore_mem>>) src(%arg14 : memref<80x128xf32, #tpu.memory_space<vmem>>) dst(%dma_wait3A_238 : memref<10000x128xf32, #tpu.memory_space<vmem_shared>>)
        tpu.yield
      }) : () -> ()
      "tpu.region"() ({
        %run_scoped3A_232 = tpu.sem_alloc : memref<!tpu.dma_semaphore, #tpu.memory_space<semaphore_mem>>
        %dma_start3A_233 = arith.constant 0 : i32
        %dma_start3A_234 = arith.constant 0 : i32
        %dma_start3A_235 = tpu.memref_slice %arg25[%dma_start3A_233, %dma_start3A_234] : memref<10000x16xf32, #tpu.memory_space<vmem_shared>> -> memref<10000x16xf32, #tpu.memory_space<vmem_shared>>
        tpu.enqueue_indirect_dma source(%arg23 : memref<80x16xf32, #tpu.memory_space<vmem>>) target(%dma_start3A_235 : memref<10000x16xf32, #tpu.memory_space<vmem_shared>>) offsets(%arg10 : memref<80xi32, #tpu.memory_space<vmem>>) semaphore(%run_scoped3A_232 : memref<!tpu.dma_semaphore, #tpu.memory_space<semaphore_mem>>) {add = true}
        %dma_wait3A_236 = arith.constant 0 : i32
        %dma_wait3A_237 = arith.constant 0 : i32
        %dma_wait3A_238 = tpu.memref_slice %arg25[%dma_wait3A_236, %dma_wait3A_237] : memref<10000x16xf32, #tpu.memory_space<vmem_shared>> -> memref<10000x16xf32, #tpu.memory_space<vmem_shared>>
        tpu.wait_indirect_dma semaphore(%run_scoped3A_232 : memref<!tpu.dma_semaphore, #tpu.memory_space<semaphore_mem>>) src(%arg23 : memref<80x16xf32, #tpu.memory_space<vmem>>) dst(%dma_wait3A_238 : memref<10000x16xf32, #tpu.memory_space<vmem_shared>>)
        tpu.yield
      }) : () -> ()
      %add3A_124 = arith.constant 4 : i32
      %add3A_125 = arith.addi %mul3A_99, %add3A_124 : i32
      %mul3A_126 = arith.constant 80 : i32
      %mul3A_127 = arith.muli %add3A_125, %mul3A_126 : i32
      %add3A_128 = arith.addi %mul3A_2, %mul3A_127 : i32
      %dma_start3A_129 = arith.constant 0 : i32
      %dma_start3A_130 = tpu.memref_slice %arg3[%dma_start3A_129, %add3A_128] : memref<2x320000xi32, #tpu.memory_space<hbm>> -> memref<1x80xi32, #tpu.memory_space<hbm>>
      %dma_start3A_131 = tpu.memref_squeeze %dma_start3A_130 : memref<1x80xi32, #tpu.memory_space<hbm>> -> memref<80xi32, #tpu.memory_space<hbm>>
      %dma_start3A_132 = tpu.memref_slice %arg3[%dma_start3A_129, %add3A_128] : memref<2x320000xi32, #tpu.memory_space<hbm>> -> memref<1x80xi32, #tpu.memory_space<hbm>>
      %dma_start3A_133 = tpu.memref_squeeze %dma_start3A_132 : memref<1x80xi32, #tpu.memory_space<hbm>> -> memref<80xi32, #tpu.memory_space<hbm>>
      tpu.enqueue_dma source(%dma_start3A_133 : memref<80xi32, #tpu.memory_space<hbm>>) target(%arg6 : memref<80xi32, #tpu.memory_space<vmem>>) target_semaphore(%arg17 : memref<!tpu.dma_semaphore, #tpu.memory_space<semaphore_mem>>)
      %mul3A_134 = arith.constant 80 : i32
      %mul3A_135 = arith.muli %add3A_125, %mul3A_134 : i32
      %add3A_136 = arith.addi %mul3A_2, %mul3A_135 : i32
      %dma_start3A_137 = arith.constant 1 : i32
      %dma_start3A_138 = tpu.memref_slice %arg3[%dma_start3A_137, %add3A_136] : memref<2x320000xi32, #tpu.memory_space<hbm>> -> memref<1x80xi32, #tpu.memory_space<hbm>>
      %dma_start3A_139 = tpu.memref_squeeze %dma_start3A_138 : memref<1x80xi32, #tpu.memory_space<hbm>> -> memref<80xi32, #tpu.memory_space<hbm>>
      %dma_start3A_140 = tpu.memref_slice %arg3[%dma_start3A_137, %add3A_136] : memref<2x320000xi32, #tpu.memory_space<hbm>> -> memref<1x80xi32, #tpu.memory_space<hbm>>
      %dma_start3A_141 = tpu.memref_squeeze %dma_start3A_140 : memref<1x80xi32, #tpu.memory_space<hbm>> -> memref<80xi32, #tpu.memory_space<hbm>>
      tpu.enqueue_dma source(%dma_start3A_141 : memref<80xi32, #tpu.memory_space<hbm>>) target(%arg10 : memref<80xi32, #tpu.memory_space<vmem>>) target_semaphore(%arg17 : memref<!tpu.dma_semaphore, #tpu.memory_space<semaphore_mem>>)
      %add3A_142 = arith.constant 2 : i32
      %add3A_143 = arith.addi %mul3A_99, %add3A_142 : i32
      %mul3A_144 = arith.constant 80 : i32
      %mul3A_145 = arith.muli %add3A_143, %mul3A_144 : i32
      %add3A_146 = arith.addi %mul3A_2, %mul3A_145 : i32
      %dma_wait3A_147 = arith.constant 0 : i32
      %dma_wait3A_148 = tpu.memref_slice %arg3[%dma_wait3A_147, %add3A_146] : memref<2x320000xi32, #tpu.memory_space<hbm>> -> memref<1x80xi32, #tpu.memory_space<hbm>>
      %dma_wait3A_149 = tpu.memref_squeeze %dma_wait3A_148 : memref<1x80xi32, #tpu.memory_space<hbm>> -> memref<80xi32, #tpu.memory_space<hbm>>
      %dma_wait3A_150 = tpu.memref_slice %arg3[%dma_wait3A_147, %add3A_146] : memref<2x320000xi32, #tpu.memory_space<hbm>> -> memref<1x80xi32, #tpu.memory_space<hbm>>
      %dma_wait3A_151 = tpu.memref_squeeze %dma_wait3A_150 : memref<1x80xi32, #tpu.memory_space<hbm>> -> memref<80xi32, #tpu.memory_space<hbm>>
      tpu.wait_dma2 semaphore(%arg19 : memref<!tpu.dma_semaphore, #tpu.memory_space<semaphore_mem>>) src(%dma_wait3A_151 : memref<80xi32, #tpu.memory_space<hbm>>) dst(%arg8 : memref<80xi32, #tpu.memory_space<vmem>>)
      %mul3A_152 = arith.constant 80 : i32
      %mul3A_153 = arith.muli %add3A_143, %mul3A_152 : i32
      %add3A_154 = arith.addi %mul3A_2, %mul3A_153 : i32
      %dma_wait3A_155 = arith.constant 1 : i32
      %dma_wait3A_156 = tpu.memref_slice %arg3[%dma_wait3A_155, %add3A_154] : memref<2x320000xi32, #tpu.memory_space<hbm>> -> memref<1x80xi32, #tpu.memory_space<hbm>>
      %dma_wait3A_157 = tpu.memref_squeeze %dma_wait3A_156 : memref<1x80xi32, #tpu.memory_space<hbm>> -> memref<80xi32, #tpu.memory_space<hbm>>
      %dma_wait3A_158 = tpu.memref_slice %arg3[%dma_wait3A_155, %add3A_154] : memref<2x320000xi32, #tpu.memory_space<hbm>> -> memref<1x80xi32, #tpu.memory_space<hbm>>
      %dma_wait3A_159 = tpu.memref_squeeze %dma_wait3A_158 : memref<1x80xi32, #tpu.memory_space<hbm>> -> memref<80xi32, #tpu.memory_space<hbm>>
      tpu.wait_dma2 semaphore(%arg19 : memref<!tpu.dma_semaphore, #tpu.memory_space<semaphore_mem>>) src(%dma_wait3A_159 : memref<80xi32, #tpu.memory_space<hbm>>) dst(%arg12 : memref<80xi32, #tpu.memory_space<vmem>>)
      %dma_start3A_160 = arith.constant 0 : i32
      %dma_start3A_161 = arith.constant 0 : i32
      %dma_start3A_162 = tpu.memref_slice %arg2[%dma_start3A_160, %dma_start3A_161] : memref<10000x128xf32, #tpu.memory_space<hbm>> -> memref<10000x128xf32, #tpu.memory_space<hbm>>
      tpu.enqueue_indirect_dma source(%dma_start3A_162 : memref<10000x128xf32, #tpu.memory_space<hbm>>) target(%arg14 : memref<80x128xf32, #tpu.memory_space<vmem>>) offsets(%arg8 : memref<80xi32, #tpu.memory_space<vmem>>) semaphore(%arg21 : memref<!tpu.dma_semaphore, #tpu.memory_space<semaphore_mem>>)
      %dma_wait3A_163 = arith.constant 0 : i32
      %dma_wait3A_164 = arith.constant 0 : i32
      %dma_wait3A_165 = tpu.memref_slice %arg2[%dma_wait3A_163, %dma_wait3A_164] : memref<10000x128xf32, #tpu.memory_space<hbm>> -> memref<10000x128xf32, #tpu.memory_space<hbm>>
      tpu.wait_indirect_dma semaphore(%arg22 : memref<!tpu.dma_semaphore, #tpu.memory_space<semaphore_mem>>) src(%dma_wait3A_165 : memref<10000x128xf32, #tpu.memory_space<hbm>>) dst(%arg15 : memref<80x128xf32, #tpu.memory_space<vmem>>)
      "tpu.region"() ({
        %run_scoped3A_232 = tpu.sem_alloc : memref<!tpu.dma_semaphore, #tpu.memory_space<semaphore_mem>>
        %dma_start3A_233 = arith.constant 0 : i32
        %dma_start3A_234 = arith.constant 0 : i32
        %dma_start3A_235 = tpu.memref_slice %arg16[%dma_start3A_233, %dma_start3A_234] : memref<10000x128xf32, #tpu.memory_space<vmem_shared>> -> memref<10000x128xf32, #tpu.memory_space<vmem_shared>>
        tpu.enqueue_indirect_dma source(%arg15 : memref<80x128xf32, #tpu.memory_space<vmem>>) target(%dma_start3A_235 : memref<10000x128xf32, #tpu.memory_space<vmem_shared>>) offsets(%arg11 : memref<80xi32, #tpu.memory_space<vmem>>) semaphore(%run_scoped3A_232 : memref<!tpu.dma_semaphore, #tpu.memory_space<semaphore_mem>>) {add = true}
        %dma_wait3A_236 = arith.constant 0 : i32
        %dma_wait3A_237 = arith.constant 0 : i32
        %dma_wait3A_238 = tpu.memref_slice %arg16[%dma_wait3A_236, %dma_wait3A_237] : memref<10000x128xf32, #tpu.memory_space<vmem_shared>> -> memref<10000x128xf32, #tpu.memory_space<vmem_shared>>
        tpu.wait_indirect_dma semaphore(%run_scoped3A_232 : memref<!tpu.dma_semaphore, #tpu.memory_space<semaphore_mem>>) src(%arg15 : memref<80x128xf32, #tpu.memory_space<vmem>>) dst(%dma_wait3A_238 : memref<10000x128xf32, #tpu.memory_space<vmem_shared>>)
        tpu.yield
      }) : () -> ()
      "tpu.region"() ({
        %run_scoped3A_232 = tpu.sem_alloc : memref<!tpu.dma_semaphore, #tpu.memory_space<semaphore_mem>>
        %dma_start3A_233 = arith.constant 0 : i32
        %dma_start3A_234 = arith.constant 0 : i32
        %dma_start3A_235 = tpu.memref_slice %arg25[%dma_start3A_233, %dma_start3A_234] : memref<10000x16xf32, #tpu.memory_space<vmem_shared>> -> memref<10000x16xf32, #tpu.memory_space<vmem_shared>>
        tpu.enqueue_indirect_dma source(%arg23 : memref<80x16xf32, #tpu.memory_space<vmem>>) target(%dma_start3A_235 : memref<10000x16xf32, #tpu.memory_space<vmem_shared>>) offsets(%arg11 : memref<80xi32, #tpu.memory_space<vmem>>) semaphore(%run_scoped3A_232 : memref<!tpu.dma_semaphore, #tpu.memory_space<semaphore_mem>>) {add = true}
        %dma_wait3A_236 = arith.constant 0 : i32
        %dma_wait3A_237 = arith.constant 0 : i32
        %dma_wait3A_238 = tpu.memref_slice %arg25[%dma_wait3A_236, %dma_wait3A_237] : memref<10000x16xf32, #tpu.memory_space<vmem_shared>> -> memref<10000x16xf32, #tpu.memory_space<vmem_shared>>
        tpu.wait_indirect_dma semaphore(%run_scoped3A_232 : memref<!tpu.dma_semaphore, #tpu.memory_space<semaphore_mem>>) src(%arg23 : memref<80x16xf32, #tpu.memory_space<vmem>>) dst(%dma_wait3A_238 : memref<10000x16xf32, #tpu.memory_space<vmem_shared>>)
        tpu.yield
      }) : () -> ()
      %add3A_166 = arith.constant 5 : i32
      %add3A_167 = arith.addi %mul3A_99, %add3A_166 : i32
      %lt3A = arith.constant 125 : i32
      %lt3A_168 = arith.cmpi slt, %add3A_167, %lt3A : i32
      %convert_element_type3A = arith.extui %lt3A_168 : i1 to i32
      %cond3A = arith.constant 0 : i32
      %cond3A_169 = arith.cmpi ne, %convert_element_type3A, %cond3A : i32
      scf.if %cond3A_169 {
        %add3A_232 = arith.constant 5 : i32
        %add3A_233 = arith.addi %mul3A_99, %add3A_232 : i32
        %mul3A_234 = arith.constant 80 : i32
        %mul3A_235 = arith.muli %add3A_233, %mul3A_234 : i32
        %add3A_236 = arith.addi %mul3A_2, %mul3A_235 : i32
        %dma_start3A_237 = arith.constant 0 : i32
        %dma_start3A_238 = tpu.memref_slice %arg3[%dma_start3A_237, %add3A_236] : memref<2x320000xi32, #tpu.memory_space<hbm>> -> memref<1x80xi32, #tpu.memory_space<hbm>>
        %dma_start3A_239 = tpu.memref_squeeze %dma_start3A_238 : memref<1x80xi32, #tpu.memory_space<hbm>> -> memref<80xi32, #tpu.memory_space<hbm>>
        %dma_start3A_240 = tpu.memref_slice %arg3[%dma_start3A_237, %add3A_236] : memref<2x320000xi32, #tpu.memory_space<hbm>> -> memref<1x80xi32, #tpu.memory_space<hbm>>
        %dma_start3A_241 = tpu.memref_squeeze %dma_start3A_240 : memref<1x80xi32, #tpu.memory_space<hbm>> -> memref<80xi32, #tpu.memory_space<hbm>>
        tpu.enqueue_dma source(%dma_start3A_241 : memref<80xi32, #tpu.memory_space<hbm>>) target(%arg7 : memref<80xi32, #tpu.memory_space<vmem>>) target_semaphore(%arg18 : memref<!tpu.dma_semaphore, #tpu.memory_space<semaphore_mem>>)
        %mul3A_242 = arith.constant 80 : i32
        %mul3A_243 = arith.muli %add3A_233, %mul3A_242 : i32
        %add3A_244 = arith.addi %mul3A_2, %mul3A_243 : i32
        %dma_start3A_245 = arith.constant 1 : i32
        %dma_start3A_246 = tpu.memref_slice %arg3[%dma_start3A_245, %add3A_244] : memref<2x320000xi32, #tpu.memory_space<hbm>> -> memref<1x80xi32, #tpu.memory_space<hbm>>
        %dma_start3A_247 = tpu.memref_squeeze %dma_start3A_246 : memref<1x80xi32, #tpu.memory_space<hbm>> -> memref<80xi32, #tpu.memory_space<hbm>>
        %dma_start3A_248 = tpu.memref_slice %arg3[%dma_start3A_245, %add3A_244] : memref<2x320000xi32, #tpu.memory_space<hbm>> -> memref<1x80xi32, #tpu.memory_space<hbm>>
        %dma_start3A_249 = tpu.memref_squeeze %dma_start3A_248 : memref<1x80xi32, #tpu.memory_space<hbm>> -> memref<80xi32, #tpu.memory_space<hbm>>
        tpu.enqueue_dma source(%dma_start3A_249 : memref<80xi32, #tpu.memory_space<hbm>>) target(%arg11 : memref<80xi32, #tpu.memory_space<vmem>>) target_semaphore(%arg18 : memref<!tpu.dma_semaphore, #tpu.memory_space<semaphore_mem>>)
      } else {
      }
      %add3A_170 = arith.constant 3 : i32
      %add3A_171 = arith.addi %mul3A_99, %add3A_170 : i32
      %mul3A_172 = arith.constant 80 : i32
      %mul3A_173 = arith.muli %add3A_171, %mul3A_172 : i32
      %add3A_174 = arith.addi %mul3A_2, %mul3A_173 : i32
      %dma_wait3A_175 = arith.constant 0 : i32
      %dma_wait3A_176 = tpu.memref_slice %arg3[%dma_wait3A_175, %add3A_174] : memref<2x320000xi32, #tpu.memory_space<hbm>> -> memref<1x80xi32, #tpu.memory_space<hbm>>
      %dma_wait3A_177 = tpu.memref_squeeze %dma_wait3A_176 : memref<1x80xi32, #tpu.memory_space<hbm>> -> memref<80xi32, #tpu.memory_space<hbm>>
      %dma_wait3A_178 = tpu.memref_slice %arg3[%dma_wait3A_175, %add3A_174] : memref<2x320000xi32, #tpu.memory_space<hbm>> -> memref<1x80xi32, #tpu.memory_space<hbm>>
      %dma_wait3A_179 = tpu.memref_squeeze %dma_wait3A_178 : memref<1x80xi32, #tpu.memory_space<hbm>> -> memref<80xi32, #tpu.memory_space<hbm>>
      tpu.wait_dma2 semaphore(%arg20 : memref<!tpu.dma_semaphore, #tpu.memory_space<semaphore_mem>>) src(%dma_wait3A_179 : memref<80xi32, #tpu.memory_space<hbm>>) dst(%arg9 : memref<80xi32, #tpu.memory_space<vmem>>)
      %mul3A_180 = arith.constant 80 : i32
      %mul3A_181 = arith.muli %add3A_171, %mul3A_180 : i32
      %add3A_182 = arith.addi %mul3A_2, %mul3A_181 : i32
      %dma_wait3A_183 = arith.constant 1 : i32
      %dma_wait3A_184 = tpu.memref_slice %arg3[%dma_wait3A_183, %add3A_182] : memref<2x320000xi32, #tpu.memory_space<hbm>> -> memref<1x80xi32, #tpu.memory_space<hbm>>
      %dma_wait3A_185 = tpu.memref_squeeze %dma_wait3A_184 : memref<1x80xi32, #tpu.memory_space<hbm>> -> memref<80xi32, #tpu.memory_space<hbm>>
      %dma_wait3A_186 = tpu.memref_slice %arg3[%dma_wait3A_183, %add3A_182] : memref<2x320000xi32, #tpu.memory_space<hbm>> -> memref<1x80xi32, #tpu.memory_space<hbm>>
      %dma_wait3A_187 = tpu.memref_squeeze %dma_wait3A_186 : memref<1x80xi32, #tpu.memory_space<hbm>> -> memref<80xi32, #tpu.memory_space<hbm>>
      tpu.wait_dma2 semaphore(%arg20 : memref<!tpu.dma_semaphore, #tpu.memory_space<semaphore_mem>>) src(%dma_wait3A_187 : memref<80xi32, #tpu.memory_space<hbm>>) dst(%arg13 : memref<80xi32, #tpu.memory_space<vmem>>)
      %dma_start3A_188 = arith.constant 0 : i32
      %dma_start3A_189 = arith.constant 0 : i32
      %dma_start3A_190 = tpu.memref_slice %arg2[%dma_start3A_188, %dma_start3A_189] : memref<10000x128xf32, #tpu.memory_space<hbm>> -> memref<10000x128xf32, #tpu.memory_space<hbm>>
      tpu.enqueue_indirect_dma source(%dma_start3A_190 : memref<10000x128xf32, #tpu.memory_space<hbm>>) target(%arg15 : memref<80x128xf32, #tpu.memory_space<vmem>>) offsets(%arg9 : memref<80xi32, #tpu.memory_space<vmem>>) semaphore(%arg22 : memref<!tpu.dma_semaphore, #tpu.memory_space<semaphore_mem>>)
      %dma_wait3A_191 = arith.constant 0 : i32
      %dma_wait3A_192 = arith.constant 0 : i32
      %dma_wait3A_193 = tpu.memref_slice %arg2[%dma_wait3A_191, %dma_wait3A_192] : memref<10000x128xf32, #tpu.memory_space<hbm>> -> memref<10000x128xf32, #tpu.memory_space<hbm>>
      tpu.wait_indirect_dma semaphore(%arg21 : memref<!tpu.dma_semaphore, #tpu.memory_space<semaphore_mem>>) src(%dma_wait3A_193 : memref<10000x128xf32, #tpu.memory_space<hbm>>) dst(%arg14 : memref<80x128xf32, #tpu.memory_space<vmem>>)
      "tpu.region"() ({
        %run_scoped3A_232 = tpu.sem_alloc : memref<!tpu.dma_semaphore, #tpu.memory_space<semaphore_mem>>
        %dma_start3A_233 = arith.constant 0 : i32
        %dma_start3A_234 = arith.constant 0 : i32
        %dma_start3A_235 = tpu.memref_slice %arg16[%dma_start3A_233, %dma_start3A_234] : memref<10000x128xf32, #tpu.memory_space<vmem_shared>> -> memref<10000x128xf32, #tpu.memory_space<vmem_shared>>
        tpu.enqueue_indirect_dma source(%arg14 : memref<80x128xf32, #tpu.memory_space<vmem>>) target(%dma_start3A_235 : memref<10000x128xf32, #tpu.memory_space<vmem_shared>>) offsets(%arg12 : memref<80xi32, #tpu.memory_space<vmem>>) semaphore(%run_scoped3A_232 : memref<!tpu.dma_semaphore, #tpu.memory_space<semaphore_mem>>) {add = true}
        %dma_wait3A_236 = arith.constant 0 : i32
        %dma_wait3A_237 = arith.constant 0 : i32
        %dma_wait3A_238 = tpu.memref_slice %arg16[%dma_wait3A_236, %dma_wait3A_237] : memref<10000x128xf32, #tpu.memory_space<vmem_shared>> -> memref<10000x128xf32, #tpu.memory_space<vmem_shared>>
        tpu.wait_indirect_dma semaphore(%run_scoped3A_232 : memref<!tpu.dma_semaphore, #tpu.memory_space<semaphore_mem>>) src(%arg14 : memref<80x128xf32, #tpu.memory_space<vmem>>) dst(%dma_wait3A_238 : memref<10000x128xf32, #tpu.memory_space<vmem_shared>>)
        tpu.yield
      }) : () -> ()
      "tpu.region"() ({
        %run_scoped3A_232 = tpu.sem_alloc : memref<!tpu.dma_semaphore, #tpu.memory_space<semaphore_mem>>
        %dma_start3A_233 = arith.constant 0 : i32
        %dma_start3A_234 = arith.constant 0 : i32
        %dma_start3A_235 = tpu.memref_slice %arg25[%dma_start3A_233, %dma_start3A_234] : memref<10000x16xf32, #tpu.memory_space<vmem_shared>> -> memref<10000x16xf32, #tpu.memory_space<vmem_shared>>
        tpu.enqueue_indirect_dma source(%arg23 : memref<80x16xf32, #tpu.memory_space<vmem>>) target(%dma_start3A_235 : memref<10000x16xf32, #tpu.memory_space<vmem_shared>>) offsets(%arg12 : memref<80xi32, #tpu.memory_space<vmem>>) semaphore(%run_scoped3A_232 : memref<!tpu.dma_semaphore, #tpu.memory_space<semaphore_mem>>) {add = true}
        %dma_wait3A_236 = arith.constant 0 : i32
        %dma_wait3A_237 = arith.constant 0 : i32
        %dma_wait3A_238 = tpu.memref_slice %arg25[%dma_wait3A_236, %dma_wait3A_237] : memref<10000x16xf32, #tpu.memory_space<vmem_shared>> -> memref<10000x16xf32, #tpu.memory_space<vmem_shared>>
        tpu.wait_indirect_dma semaphore(%run_scoped3A_232 : memref<!tpu.dma_semaphore, #tpu.memory_space<semaphore_mem>>) src(%arg23 : memref<80x16xf32, #tpu.memory_space<vmem>>) dst(%dma_wait3A_238 : memref<10000x16xf32, #tpu.memory_space<vmem_shared>>)
        tpu.yield
      }) : () -> ()
      %add3A_194 = arith.constant 6 : i32
      %add3A_195 = arith.addi %mul3A_99, %add3A_194 : i32
      %lt3A_196 = arith.constant 125 : i32
      %lt3A_197 = arith.cmpi slt, %add3A_195, %lt3A_196 : i32
      %convert_element_type3A_198 = arith.extui %lt3A_197 : i1 to i32
      %cond3A_199 = arith.constant 0 : i32
      %cond3A_200 = arith.cmpi ne, %convert_element_type3A_198, %cond3A_199 : i32
      scf.if %cond3A_200 {
        %add3A_232 = arith.constant 6 : i32
        %add3A_233 = arith.addi %mul3A_99, %add3A_232 : i32
        %mul3A_234 = arith.constant 80 : i32
        %mul3A_235 = arith.muli %add3A_233, %mul3A_234 : i32
        %add3A_236 = arith.addi %mul3A_2, %mul3A_235 : i32
        %dma_start3A_237 = arith.constant 0 : i32
        %dma_start3A_238 = tpu.memref_slice %arg3[%dma_start3A_237, %add3A_236] : memref<2x320000xi32, #tpu.memory_space<hbm>> -> memref<1x80xi32, #tpu.memory_space<hbm>>
        %dma_start3A_239 = tpu.memref_squeeze %dma_start3A_238 : memref<1x80xi32, #tpu.memory_space<hbm>> -> memref<80xi32, #tpu.memory_space<hbm>>
        %dma_start3A_240 = tpu.memref_slice %arg3[%dma_start3A_237, %add3A_236] : memref<2x320000xi32, #tpu.memory_space<hbm>> -> memref<1x80xi32, #tpu.memory_space<hbm>>
        %dma_start3A_241 = tpu.memref_squeeze %dma_start3A_240 : memref<1x80xi32, #tpu.memory_space<hbm>> -> memref<80xi32, #tpu.memory_space<hbm>>
        tpu.enqueue_dma source(%dma_start3A_241 : memref<80xi32, #tpu.memory_space<hbm>>) target(%arg8 : memref<80xi32, #tpu.memory_space<vmem>>) target_semaphore(%arg19 : memref<!tpu.dma_semaphore, #tpu.memory_space<semaphore_mem>>)
        %mul3A_242 = arith.constant 80 : i32
        %mul3A_243 = arith.muli %add3A_233, %mul3A_242 : i32
        %add3A_244 = arith.addi %mul3A_2, %mul3A_243 : i32
        %dma_start3A_245 = arith.constant 1 : i32
        %dma_start3A_246 = tpu.memref_slice %arg3[%dma_start3A_245, %add3A_244] : memref<2x320000xi32, #tpu.memory_space<hbm>> -> memref<1x80xi32, #tpu.memory_space<hbm>>
        %dma_start3A_247 = tpu.memref_squeeze %dma_start3A_246 : memref<1x80xi32, #tpu.memory_space<hbm>> -> memref<80xi32, #tpu.memory_space<hbm>>
        %dma_start3A_248 = tpu.memref_slice %arg3[%dma_start3A_245, %add3A_244] : memref<2x320000xi32, #tpu.memory_space<hbm>> -> memref<1x80xi32, #tpu.memory_space<hbm>>
        %dma_start3A_249 = tpu.memref_squeeze %dma_start3A_248 : memref<1x80xi32, #tpu.memory_space<hbm>> -> memref<80xi32, #tpu.memory_space<hbm>>
        tpu.enqueue_dma source(%dma_start3A_249 : memref<80xi32, #tpu.memory_space<hbm>>) target(%arg12 : memref<80xi32, #tpu.memory_space<vmem>>) target_semaphore(%arg19 : memref<!tpu.dma_semaphore, #tpu.memory_space<semaphore_mem>>)
      } else {
      }
      %add3A_201 = arith.constant 4 : i32
      %add3A_202 = arith.addi %mul3A_99, %add3A_201 : i32
      %mul3A_203 = arith.constant 80 : i32
      %mul3A_204 = arith.muli %add3A_202, %mul3A_203 : i32
      %add3A_205 = arith.addi %mul3A_2, %mul3A_204 : i32
      %dma_wait3A_206 = arith.constant 0 : i32
      %dma_wait3A_207 = tpu.memref_slice %arg3[%dma_wait3A_206, %add3A_205] : memref<2x320000xi32, #tpu.memory_space<hbm>> -> memref<1x80xi32, #tpu.memory_space<hbm>>
      %dma_wait3A_208 = tpu.memref_squeeze %dma_wait3A_207 : memref<1x80xi32, #tpu.memory_space<hbm>> -> memref<80xi32, #tpu.memory_space<hbm>>
      %dma_wait3A_209 = tpu.memref_slice %arg3[%dma_wait3A_206, %add3A_205] : memref<2x320000xi32, #tpu.memory_space<hbm>> -> memref<1x80xi32, #tpu.memory_space<hbm>>
      %dma_wait3A_210 = tpu.memref_squeeze %dma_wait3A_209 : memref<1x80xi32, #tpu.memory_space<hbm>> -> memref<80xi32, #tpu.memory_space<hbm>>
      tpu.wait_dma2 semaphore(%arg17 : memref<!tpu.dma_semaphore, #tpu.memory_space<semaphore_mem>>) src(%dma_wait3A_210 : memref<80xi32, #tpu.memory_space<hbm>>) dst(%arg6 : memref<80xi32, #tpu.memory_space<vmem>>)
      %mul3A_211 = arith.constant 80 : i32
      %mul3A_212 = arith.muli %add3A_202, %mul3A_211 : i32
      %add3A_213 = arith.addi %mul3A_2, %mul3A_212 : i32
      %dma_wait3A_214 = arith.constant 1 : i32
      %dma_wait3A_215 = tpu.memref_slice %arg3[%dma_wait3A_214, %add3A_213] : memref<2x320000xi32, #tpu.memory_space<hbm>> -> memref<1x80xi32, #tpu.memory_space<hbm>>
      %dma_wait3A_216 = tpu.memref_squeeze %dma_wait3A_215 : memref<1x80xi32, #tpu.memory_space<hbm>> -> memref<80xi32, #tpu.memory_space<hbm>>
      %dma_wait3A_217 = tpu.memref_slice %arg3[%dma_wait3A_214, %add3A_213] : memref<2x320000xi32, #tpu.memory_space<hbm>> -> memref<1x80xi32, #tpu.memory_space<hbm>>
      %dma_wait3A_218 = tpu.memref_squeeze %dma_wait3A_217 : memref<1x80xi32, #tpu.memory_space<hbm>> -> memref<80xi32, #tpu.memory_space<hbm>>
      tpu.wait_dma2 semaphore(%arg17 : memref<!tpu.dma_semaphore, #tpu.memory_space<semaphore_mem>>) src(%dma_wait3A_218 : memref<80xi32, #tpu.memory_space<hbm>>) dst(%arg10 : memref<80xi32, #tpu.memory_space<vmem>>)
      %dma_start3A_219 = arith.constant 0 : i32
      %dma_start3A_220 = arith.constant 0 : i32
      %dma_start3A_221 = tpu.memref_slice %arg2[%dma_start3A_219, %dma_start3A_220] : memref<10000x128xf32, #tpu.memory_space<hbm>> -> memref<10000x128xf32, #tpu.memory_space<hbm>>
      tpu.enqueue_indirect_dma source(%dma_start3A_221 : memref<10000x128xf32, #tpu.memory_space<hbm>>) target(%arg14 : memref<80x128xf32, #tpu.memory_space<vmem>>) offsets(%arg6 : memref<80xi32, #tpu.memory_space<vmem>>) semaphore(%arg21 : memref<!tpu.dma_semaphore, #tpu.memory_space<semaphore_mem>>)
      %dma_wait3A_222 = arith.constant 0 : i32
      %dma_wait3A_223 = arith.constant 0 : i32
      %dma_wait3A_224 = tpu.memref_slice %arg2[%dma_wait3A_222, %dma_wait3A_223] : memref<10000x128xf32, #tpu.memory_space<hbm>> -> memref<10000x128xf32, #tpu.memory_space<hbm>>
      tpu.wait_indirect_dma semaphore(%arg22 : memref<!tpu.dma_semaphore, #tpu.memory_space<semaphore_mem>>) src(%dma_wait3A_224 : memref<10000x128xf32, #tpu.memory_space<hbm>>) dst(%arg15 : memref<80x128xf32, #tpu.memory_space<vmem>>)
      "tpu.region"() ({
        %run_scoped3A_232 = tpu.sem_alloc : memref<!tpu.dma_semaphore, #tpu.memory_space<semaphore_mem>>
        %dma_start3A_233 = arith.constant 0 : i32
        %dma_start3A_234 = arith.constant 0 : i32
        %dma_start3A_235 = tpu.memref_slice %arg16[%dma_start3A_233, %dma_start3A_234] : memref<10000x128xf32, #tpu.memory_space<vmem_shared>> -> memref<10000x128xf32, #tpu.memory_space<vmem_shared>>
        tpu.enqueue_indirect_dma source(%arg15 : memref<80x128xf32, #tpu.memory_space<vmem>>) target(%dma_start3A_235 : memref<10000x128xf32, #tpu.memory_space<vmem_shared>>) offsets(%arg13 : memref<80xi32, #tpu.memory_space<vmem>>) semaphore(%run_scoped3A_232 : memref<!tpu.dma_semaphore, #tpu.memory_space<semaphore_mem>>) {add = true}
        %dma_wait3A_236 = arith.constant 0 : i32
        %dma_wait3A_237 = arith.constant 0 : i32
        %dma_wait3A_238 = tpu.memref_slice %arg16[%dma_wait3A_236, %dma_wait3A_237] : memref<10000x128xf32, #tpu.memory_space<vmem_shared>> -> memref<10000x128xf32, #tpu.memory_space<vmem_shared>>
        tpu.wait_indirect_dma semaphore(%run_scoped3A_232 : memref<!tpu.dma_semaphore, #tpu.memory_space<semaphore_mem>>) src(%arg15 : memref<80x128xf32, #tpu.memory_space<vmem>>) dst(%dma_wait3A_238 : memref<10000x128xf32, #tpu.memory_space<vmem_shared>>)
        tpu.yield
      }) : () -> ()
      "tpu.region"() ({
        %run_scoped3A_232 = tpu.sem_alloc : memref<!tpu.dma_semaphore, #tpu.memory_space<semaphore_mem>>
        %dma_start3A_233 = arith.constant 0 : i32
        %dma_start3A_234 = arith.constant 0 : i32
        %dma_start3A_235 = tpu.memref_slice %arg25[%dma_start3A_233, %dma_start3A_234] : memref<10000x16xf32, #tpu.memory_space<vmem_shared>> -> memref<10000x16xf32, #tpu.memory_space<vmem_shared>>
        tpu.enqueue_indirect_dma source(%arg23 : memref<80x16xf32, #tpu.memory_space<vmem>>) target(%dma_start3A_235 : memref<10000x16xf32, #tpu.memory_space<vmem_shared>>) offsets(%arg13 : memref<80xi32, #tpu.memory_space<vmem>>) semaphore(%run_scoped3A_232 : memref<!tpu.dma_semaphore, #tpu.memory_space<semaphore_mem>>) {add = true}
        %dma_wait3A_236 = arith.constant 0 : i32
        %dma_wait3A_237 = arith.constant 0 : i32
        %dma_wait3A_238 = tpu.memref_slice %arg25[%dma_wait3A_236, %dma_wait3A_237] : memref<10000x16xf32, #tpu.memory_space<vmem_shared>> -> memref<10000x16xf32, #tpu.memory_space<vmem_shared>>
        tpu.wait_indirect_dma semaphore(%run_scoped3A_232 : memref<!tpu.dma_semaphore, #tpu.memory_space<semaphore_mem>>) src(%arg23 : memref<80x16xf32, #tpu.memory_space<vmem>>) dst(%dma_wait3A_238 : memref<10000x16xf32, #tpu.memory_space<vmem_shared>>)
        tpu.yield
      }) : () -> ()
      %add3A_225 = arith.constant 7 : i32
      %add3A_226 = arith.addi %mul3A_99, %add3A_225 : i32
      %lt3A_227 = arith.constant 125 : i32
      %lt3A_228 = arith.cmpi slt, %add3A_226, %lt3A_227 : i32
      %convert_element_type3A_229 = arith.extui %lt3A_228 : i1 to i32
      %cond3A_230 = arith.constant 0 : i32
      %cond3A_231 = arith.cmpi ne, %convert_element_type3A_229, %cond3A_230 : i32
      scf.if %cond3A_231 {
        %add3A_232 = arith.constant 7 : i32
        %add3A_233 = arith.addi %mul3A_99, %add3A_232 : i32
        %mul3A_234 = arith.constant 80 : i32
        %mul3A_235 = arith.muli %add3A_233, %mul3A_234 : i32
        %add3A_236 = arith.addi %mul3A_2, %mul3A_235 : i32
        %dma_start3A_237 = arith.constant 0 : i32
        %dma_start3A_238 = tpu.memref_slice %arg3[%dma_start3A_237, %add3A_236] : memref<2x320000xi32, #tpu.memory_space<hbm>> -> memref<1x80xi32, #tpu.memory_space<hbm>>
        %dma_start3A_239 = tpu.memref_squeeze %dma_start3A_238 : memref<1x80xi32, #tpu.memory_space<hbm>> -> memref<80xi32, #tpu.memory_space<hbm>>
        %dma_start3A_240 = tpu.memref_slice %arg3[%dma_start3A_237, %add3A_236] : memref<2x320000xi32, #tpu.memory_space<hbm>> -> memref<1x80xi32, #tpu.memory_space<hbm>>
        %dma_start3A_241 = tpu.memref_squeeze %dma_start3A_240 : memref<1x80xi32, #tpu.memory_space<hbm>> -> memref<80xi32, #tpu.memory_space<hbm>>
        tpu.enqueue_dma source(%dma_start3A_241 : memref<80xi32, #tpu.memory_space<hbm>>) target(%arg9 : memref<80xi32, #tpu.memory_space<vmem>>) target_semaphore(%arg20 : memref<!tpu.dma_semaphore, #tpu.memory_space<semaphore_mem>>)
        %mul3A_242 = arith.constant 80 : i32
        %mul3A_243 = arith.muli %add3A_233, %mul3A_242 : i32
        %add3A_244 = arith.addi %mul3A_2, %mul3A_243 : i32
        %dma_start3A_245 = arith.constant 1 : i32
        %dma_start3A_246 = tpu.memref_slice %arg3[%dma_start3A_245, %add3A_244] : memref<2x320000xi32, #tpu.memory_space<hbm>> -> memref<1x80xi32, #tpu.memory_space<hbm>>
        %dma_start3A_247 = tpu.memref_squeeze %dma_start3A_246 : memref<1x80xi32, #tpu.memory_space<hbm>> -> memref<80xi32, #tpu.memory_space<hbm>>
        %dma_start3A_248 = tpu.memref_slice %arg3[%dma_start3A_245, %add3A_244] : memref<2x320000xi32, #tpu.memory_space<hbm>> -> memref<1x80xi32, #tpu.memory_space<hbm>>
        %dma_start3A_249 = tpu.memref_squeeze %dma_start3A_248 : memref<1x80xi32, #tpu.memory_space<hbm>> -> memref<80xi32, #tpu.memory_space<hbm>>
        tpu.enqueue_dma source(%dma_start3A_249 : memref<80xi32, #tpu.memory_space<hbm>>) target(%arg13 : memref<80xi32, #tpu.memory_space<vmem>>) target_semaphore(%arg20 : memref<!tpu.dma_semaphore, #tpu.memory_space<semaphore_mem>>)
      } else {
      }
    }
    %scan3A_93 = arith.constant 31 : i32
    %dma_wait3A = arith.constant 0 : i32
    %dma_wait3A_94 = arith.constant 0 : i32
    %dma_wait3A_95 = tpu.memref_slice %arg2[%dma_wait3A, %dma_wait3A_94] : memref<10000x128xf32, #tpu.memory_space<hbm>> -> memref<10000x128xf32, #tpu.memory_space<hbm>>
    tpu.wait_indirect_dma semaphore(%arg21 : memref<!tpu.dma_semaphore, #tpu.memory_space<semaphore_mem>>) src(%dma_wait3A_95 : memref<10000x128xf32, #tpu.memory_space<hbm>>) dst(%arg14 : memref<80x128xf32, #tpu.memory_space<vmem>>)
    "tpu.region"() ({
      %run_scoped3A_97 = tpu.sem_alloc : memref<!tpu.dma_semaphore, #tpu.memory_space<semaphore_mem>>
      %dma_start3A_98 = arith.constant 0 : i32
      %dma_start3A_99 = arith.constant 0 : i32
      %dma_start3A_100 = tpu.memref_slice %arg16[%dma_start3A_98, %dma_start3A_99] : memref<10000x128xf32, #tpu.memory_space<vmem_shared>> -> memref<10000x128xf32, #tpu.memory_space<vmem_shared>>
      tpu.enqueue_indirect_dma source(%arg14 : memref<80x128xf32, #tpu.memory_space<vmem>>) target(%dma_start3A_100 : memref<10000x128xf32, #tpu.memory_space<vmem_shared>>) offsets(%arg10 : memref<80xi32, #tpu.memory_space<vmem>>) semaphore(%run_scoped3A_97 : memref<!tpu.dma_semaphore, #tpu.memory_space<semaphore_mem>>) {add = true}
      %dma_wait3A_101 = arith.constant 0 : i32
      %dma_wait3A_102 = arith.constant 0 : i32
      %dma_wait3A_103 = tpu.memref_slice %arg16[%dma_wait3A_101, %dma_wait3A_102] : memref<10000x128xf32, #tpu.memory_space<vmem_shared>> -> memref<10000x128xf32, #tpu.memory_space<vmem_shared>>
      tpu.wait_indirect_dma semaphore(%run_scoped3A_97 : memref<!tpu.dma_semaphore, #tpu.memory_space<semaphore_mem>>) src(%arg14 : memref<80x128xf32, #tpu.memory_space<vmem>>) dst(%dma_wait3A_103 : memref<10000x128xf32, #tpu.memory_space<vmem_shared>>)
      tpu.yield
    }) : () -> ()
    "tpu.region"() ({
      %run_scoped3A_97 = tpu.sem_alloc : memref<!tpu.dma_semaphore, #tpu.memory_space<semaphore_mem>>
      %dma_start3A_98 = arith.constant 0 : i32
      %dma_start3A_99 = arith.constant 0 : i32
      %dma_start3A_100 = tpu.memref_slice %arg25[%dma_start3A_98, %dma_start3A_99] : memref<10000x16xf32, #tpu.memory_space<vmem_shared>> -> memref<10000x16xf32, #tpu.memory_space<vmem_shared>>
      tpu.enqueue_indirect_dma source(%arg23 : memref<80x16xf32, #tpu.memory_space<vmem>>) target(%dma_start3A_100 : memref<10000x16xf32, #tpu.memory_space<vmem_shared>>) offsets(%arg10 : memref<80xi32, #tpu.memory_space<vmem>>) semaphore(%run_scoped3A_97 : memref<!tpu.dma_semaphore, #tpu.memory_space<semaphore_mem>>) {add = true}
      %dma_wait3A_101 = arith.constant 0 : i32
      %dma_wait3A_102 = arith.constant 0 : i32
      %dma_wait3A_103 = tpu.memref_slice %arg25[%dma_wait3A_101, %dma_wait3A_102] : memref<10000x16xf32, #tpu.memory_space<vmem_shared>> -> memref<10000x16xf32, #tpu.memory_space<vmem_shared>>
      tpu.wait_indirect_dma semaphore(%run_scoped3A_97 : memref<!tpu.dma_semaphore, #tpu.memory_space<semaphore_mem>>) src(%arg23 : memref<80x16xf32, #tpu.memory_space<vmem>>) dst(%dma_wait3A_103 : memref<10000x16xf32, #tpu.memory_space<vmem_shared>>)
      tpu.yield
    }) : () -> ()
    %barrier3A_96 = arith.constant 0 : index
    tpu.barrier barrier_id(%barrier3A_96)
    "tpu.region"() ({
      %run_scoped3A_97 = tpu.sem_alloc : memref<!tpu.dma_semaphore, #tpu.memory_space<semaphore_mem>>
      %dma_start3A_98 = arith.constant 0 : i32
      %dma_start3A_99 = tpu.memref_slice %arg4[%arg0, %mul3A_4, %dma_start3A_98] : memref<2x10000x128xf32, #tpu.memory_space<hbm>> -> memref<1x625x128xf32, #tpu.memory_space<hbm>>
      %dma_start3A_100 = tpu.memref_squeeze %dma_start3A_99 : memref<1x625x128xf32, #tpu.memory_space<hbm>> -> memref<625x128xf32, #tpu.memory_space<hbm>>
      %dma_start3A_101 = arith.constant 0 : i32
      %dma_start3A_102 = tpu.memref_slice %arg16[%mul3A_4, %dma_start3A_101] : memref<10000x128xf32, #tpu.memory_space<vmem_shared>> -> memref<625x128xf32, #tpu.memory_space<vmem_shared>>
      tpu.enqueue_dma source(%dma_start3A_102 : memref<625x128xf32, #tpu.memory_space<vmem_shared>>) target(%dma_start3A_100 : memref<625x128xf32, #tpu.memory_space<hbm>>) target_semaphore(%run_scoped3A_97 : memref<!tpu.dma_semaphore, #tpu.memory_space<semaphore_mem>>)
      %dma_wait3A_103 = arith.constant 0 : i32
      %dma_wait3A_104 = tpu.memref_slice %arg4[%arg0, %mul3A_4, %dma_wait3A_103] : memref<2x10000x128xf32, #tpu.memory_space<hbm>> -> memref<1x625x128xf32, #tpu.memory_space<hbm>>
      %dma_wait3A_105 = tpu.memref_squeeze %dma_wait3A_104 : memref<1x625x128xf32, #tpu.memory_space<hbm>> -> memref<625x128xf32, #tpu.memory_space<hbm>>
      %dma_wait3A_106 = arith.constant 0 : i32
      %dma_wait3A_107 = tpu.memref_slice %arg16[%mul3A_4, %dma_wait3A_106] : memref<10000x128xf32, #tpu.memory_space<vmem_shared>> -> memref<625x128xf32, #tpu.memory_space<vmem_shared>>
      tpu.wait_dma2 semaphore(%run_scoped3A_97 : memref<!tpu.dma_semaphore, #tpu.memory_space<semaphore_mem>>) src(%dma_wait3A_107 : memref<625x128xf32, #tpu.memory_space<vmem_shared>>) dst(%dma_wait3A_105 : memref<625x128xf32, #tpu.memory_space<hbm>>)
      tpu.yield
    }) : () -> ()
    "tpu.region"() ({
      %run_scoped3A_97 = tpu.sem_alloc : memref<!tpu.dma_semaphore, #tpu.memory_space<semaphore_mem>>
      %dma_start3A_98 = arith.constant 0 : i32
      %dma_start3A_99 = tpu.memref_slice %arg5[%arg0, %mul3A_4, %dma_start3A_98] : memref<2x10000x16xf32, #tpu.memory_space<hbm>> -> memref<1x625x16xf32, #tpu.memory_space<hbm>>
      %dma_start3A_100 = tpu.memref_squeeze %dma_start3A_99 : memref<1x625x16xf32, #tpu.memory_space<hbm>> -> memref<625x16xf32, #tpu.memory_space<hbm>>
      %dma_start3A_101 = arith.constant 0 : i32
      %dma_start3A_102 = tpu.memref_slice %arg25[%mul3A_4, %dma_start3A_101] : memref<10000x16xf32, #tpu.memory_space<vmem_shared>> -> memref<625x16xf32, #tpu.memory_space<vmem_shared>>
      tpu.enqueue_dma source(%dma_start3A_102 : memref<625x16xf32, #tpu.memory_space<vmem_shared>>) target(%dma_start3A_100 : memref<625x16xf32, #tpu.memory_space<hbm>>) target_semaphore(%run_scoped3A_97 : memref<!tpu.dma_semaphore, #tpu.memory_space<semaphore_mem>>)
      %dma_wait3A_103 = arith.constant 0 : i32
      %dma_wait3A_104 = tpu.memref_slice %arg5[%arg0, %mul3A_4, %dma_wait3A_103] : memref<2x10000x16xf32, #tpu.memory_space<hbm>> -> memref<1x625x16xf32, #tpu.memory_space<hbm>>
      %dma_wait3A_105 = tpu.memref_squeeze %dma_wait3A_104 : memref<1x625x16xf32, #tpu.memory_space<hbm>> -> memref<625x16xf32, #tpu.memory_space<hbm>>
      %dma_wait3A_106 = arith.constant 0 : i32
      %dma_wait3A_107 = tpu.memref_slice %arg25[%mul3A_4, %dma_wait3A_106] : memref<10000x16xf32, #tpu.memory_space<vmem_shared>> -> memref<625x16xf32, #tpu.memory_space<vmem_shared>>
      tpu.wait_dma2 semaphore(%run_scoped3A_97 : memref<!tpu.dma_semaphore, #tpu.memory_space<semaphore_mem>>) src(%dma_wait3A_107 : memref<625x16xf32, #tpu.memory_space<vmem_shared>>) dst(%dma_wait3A_105 : memref<625x16xf32, #tpu.memory_space<hbm>>)
      tpu.yield
    }) : () -> ()
    return
  }
}

module attributes {stable_mosaic.version = 14 : i64} {
  func.func @_k2_body(%arg0: i32, %arg1: memref<2x2000x128xf32, #tpu.memory_space<vmem>>, %arg2: memref<2x2000x16xf32, #tpu.memory_space<vmem>>, %arg3: memref<2000x128xf32, #tpu.memory_space<vmem>>, %arg4: memref<128x128xf32, #tpu.memory_space<vmem>>, %arg5: memref<128x128xf32, #tpu.memory_space<vmem>>, %arg6: memref<1x128xf32, #tpu.memory_space<vmem>>, %arg7: memref<2000x128xf32, #tpu.memory_space<vmem>>, %arg8: memref<2000x128xf32, #tpu.memory_space<vmem>>) attributes {dimension_semantics = [#tpu.dimension_semantics<arbitrary>], iteration_bounds = array<i64: 5>, scalar_prefetch = 0 : i64, scratch_operands = 0 : i64, tpu.core_type = #tpu.core_type<tc>, window_params = [{transform_indices = @transform_0, window_bounds = array<i64: 2, 2000, 128>}, {transform_indices = @transform_1, window_bounds = array<i64: 2, 2000, 16>}, {transform_indices = @transform_2, window_bounds = array<i64: 2000, 128>}, {pipeline_mode = #tpu.pipeline_mode<synchronous>, transform_indices = @transform_3, window_bounds = array<i64: 128, 128>}, {pipeline_mode = #tpu.pipeline_mode<synchronous>, transform_indices = @transform_4, window_bounds = array<i64: 128, 128>}, {pipeline_mode = #tpu.pipeline_mode<synchronous>, transform_indices = @transform_5, window_bounds = array<i64: 1, 128>}, {transform_indices = @transform_6, window_bounds = array<i64: 2000, 128>}, {transform_indices = @transform_7, window_bounds = array<i64: 2000, 128>}]} {
    %get3A = arith.constant 0 : index
    %get3A_0 = arith.constant 0 : index
    %get3A_1 = arith.constant 0 : index
    %get3A_2 = vector.load %arg1[%get3A, %get3A_0, %get3A_1] : memref<2x2000x128xf32, #tpu.memory_space<vmem>>, vector<1x2000x128xf32>
    %get3A_3 = vector.shape_cast %get3A_2 : vector<1x2000x128xf32> to vector<2000x128xf32>
    %get3A_4 = arith.constant 1 : index
    %get3A_5 = arith.constant 0 : index
    %get3A_6 = arith.constant 0 : index
    %get3A_7 = vector.load %arg1[%get3A_4, %get3A_5, %get3A_6] : memref<2x2000x128xf32, #tpu.memory_space<vmem>>, vector<1x2000x128xf32>
    %get3A_8 = vector.shape_cast %get3A_7 : vector<1x2000x128xf32> to vector<2000x128xf32>
    %add3A = arith.addf %get3A_3, %get3A_8 : vector<2000x128xf32>
    %get3A_9 = arith.constant 0 : index
    %get3A_10 = arith.constant 0 : index
    %get3A_11 = arith.constant 0 : index
    %get3A_12 = vector.load %arg2[%get3A_9, %get3A_10, %get3A_11] : memref<2x2000x16xf32, #tpu.memory_space<vmem>>, vector<1x2000x1xf32>
    %get3A_13 = vector.shape_cast %get3A_12 : vector<1x2000x1xf32> to vector<2000x1xf32>
    %get3A_14 = arith.constant 1 : index
    %get3A_15 = arith.constant 0 : index
    %get3A_16 = arith.constant 0 : index
    %get3A_17 = vector.load %arg2[%get3A_14, %get3A_15, %get3A_16] : memref<2x2000x16xf32, #tpu.memory_space<vmem>>, vector<1x2000x1xf32>
    %get3A_18 = vector.shape_cast %get3A_17 : vector<1x2000x1xf32> to vector<2000x1xf32>
    %add3A_19 = arith.addf %get3A_13, %get3A_18 : vector<2000x1xf32>
    %max3A = arith.constant 1.000000e+00 : f32
    %max3A_20 = vector.broadcast %max3A : f32 to vector<2000x1xf32>
    %max3A_21 = arith.maximumf %add3A_19, %max3A_20 : vector<2000x1xf32>
    %get3A_22 = arith.constant 0 : index
    %get3A_23 = arith.constant 0 : index
    %get3A_24 = vector.load %arg3[%get3A_22, %get3A_23] : memref<2000x128xf32, #tpu.memory_space<vmem>>, vector<2000x128xf32>
    %div3A = vector.broadcast %max3A_21 : vector<2000x1xf32> to vector<2000x128xf32>
    %div3A_25 = arith.divf %add3A, %div3A : vector<2000x128xf32>
    %add3A_26 = arith.addf %get3A_24, %div3A_25 : vector<2000x128xf32>
    %max3A_27 = arith.constant 0.000000e+00 : f32
    %max3A_28 = vector.broadcast %max3A_27 : f32 to vector<2000x128xf32>
    %max3A_29 = arith.maximumf %add3A_26, %max3A_28 : vector<2000x128xf32>
    %get3A_30 = arith.constant 0 : index
    %get3A_31 = arith.constant 0 : index
    %get3A_32 = vector.load %arg4[%get3A_30, %get3A_31] : memref<128x128xf32, #tpu.memory_space<vmem>>, vector<128x128xf32>
    %dot_general3A = arith.constant dense<0.000000e+00> : vector<2000x128xf32>
    %dot_general3A_33 = tpu.matmul %max3A_29, %get3A_32, %dot_general3A {dimension_numbers = #tpu.dot_dimension_numbers<[1], [0], [0], [1], [0, 0, 1, 1], [], []>, transpose_lhs_hint = false} : vector<2000x128xf32>, vector<128x128xf32>, vector<2000x128xf32> -> vector<2000x128xf32>
    %swap3A = arith.constant 0 : index
    %swap3A_34 = arith.constant 0 : index
    %swap3A_35 = vector.load %arg7[%swap3A, %swap3A_34] : memref<2000x128xf32, #tpu.memory_space<vmem>>, vector<2000x128xf32>
    tpu.vector_store %arg7[%swap3A, %swap3A_34], %dot_general3A_33 {strides = array<i32>} : memref<2000x128xf32, #tpu.memory_space<vmem>>, vector<2000x128xf32>,
    %get3A_36 = arith.constant 0 : index
    %get3A_37 = arith.constant 0 : index
    %get3A_38 = vector.load %arg5[%get3A_36, %get3A_37] : memref<128x128xf32, #tpu.memory_space<vmem>>, vector<128x128xf32>
    %dot_general3A_39 = arith.constant dense<0.000000e+00> : vector<2000x128xf32>
    %dot_general3A_40 = tpu.matmul %max3A_29, %get3A_38, %dot_general3A_39 {dimension_numbers = #tpu.dot_dimension_numbers<[1], [0], [0], [1], [0, 0, 1, 1], [], []>, transpose_lhs_hint = false} : vector<2000x128xf32>, vector<128x128xf32>, vector<2000x128xf32> -> vector<2000x128xf32>
    %get3A_41 = arith.constant 0 : index
    %get3A_42 = arith.constant 0 : index
    %get3A_43 = vector.load %arg6[%get3A_41, %get3A_42] : memref<1x128xf32, #tpu.memory_space<vmem>>, vector<1x128xf32>
    %add3A_44 = vector.broadcast %get3A_43 : vector<1x128xf32> to vector<2000x128xf32>
    %add3A_45 = arith.addf %dot_general3A_40, %add3A_44 : vector<2000x128xf32>
    %swap3A_46 = arith.constant 0 : index
    %swap3A_47 = arith.constant 0 : index
    %swap3A_48 = vector.load %arg8[%swap3A_46, %swap3A_47] : memref<2000x128xf32, #tpu.memory_space<vmem>>, vector<2000x128xf32>
    tpu.vector_store %arg8[%swap3A_46, %swap3A_47], %add3A_45 {strides = array<i32>} : memref<2000x128xf32, #tpu.memory_space<vmem>>, vector<2000x128xf32>,
    return
  }
  func.func @transform_0(%arg0: i32) -> (i32, i32, i32) {
    %c0_i32 = arith.constant 0 : i32
    %c0_i32_0 = arith.constant 0 : i32
    %c0_i32_1 = arith.constant 0 : i32
    return %c0_i32, %arg0, %c0_i32_0 : i32, i32, i32
  }
  func.func @transform_1(%arg0: i32) -> (i32, i32, i32) {
    %c0_i32 = arith.constant 0 : i32
    %c0_i32_0 = arith.constant 0 : i32
    %c0_i32_1 = arith.constant 0 : i32
    return %c0_i32, %arg0, %c0_i32_0 : i32, i32, i32
  }
  func.func @transform_2(%arg0: i32) -> (i32, i32) {
    %c0_i32 = arith.constant 0 : i32
    %c0_i32_0 = arith.constant 0 : i32
    return %arg0, %c0_i32 : i32, i32
  }
  func.func @transform_3(%arg0: i32) -> (i32, i32) {
    %c0_i32 = arith.constant 0 : i32
    %c0_i32_0 = arith.constant 0 : i32
    %c0_i32_1 = arith.constant 0 : i32
    return %c0_i32, %c0_i32_0 : i32, i32
  }
  func.func @transform_4(%arg0: i32) -> (i32, i32) {
    %c0_i32 = arith.constant 0 : i32
    %c0_i32_0 = arith.constant 0 : i32
    %c0_i32_1 = arith.constant 0 : i32
    return %c0_i32, %c0_i32_0 : i32, i32
  }
  func.func @transform_5(%arg0: i32) -> (i32, i32) {
    %c0_i32 = arith.constant 0 : i32
    %c0_i32_0 = arith.constant 0 : i32
    %c0_i32_1 = arith.constant 0 : i32
    return %c0_i32, %c0_i32_0 : i32, i32
  }
  func.func @transform_6(%arg0: i32) -> (i32, i32) {
    %c0_i32 = arith.constant 0 : i32
    %c0_i32_0 = arith.constant 0 : i32
    return %arg0, %c0_i32 : i32, i32
  }
  func.func @transform_7(%arg0: i32) -> (i32, i32) {
    %c0_i32 = arith.constant 0 : i32
    %c0_i32_0 = arith.constant 0 : i32
    return %arg0, %c0_i32 : i32, i32
  }
}

module attributes {stable_mosaic.version = 14 : i64} {
  func.func @_k1_body(%arg0: i32, %arg1: memref<2000x128xf32, #tpu.memory_space<vmem>>, %arg2: memref<128x128xf32, #tpu.memory_space<vmem>>, %arg3: memref<128x128xf32, #tpu.memory_space<vmem>>, %arg4: memref<1x128xf32, #tpu.memory_space<vmem>>, %arg5: memref<2000x128xf32, #tpu.memory_space<vmem>>, %arg6: memref<2000x128xf32, #tpu.memory_space<vmem>>) attributes {dimension_semantics = [#tpu.dimension_semantics<arbitrary>], iteration_bounds = array<i64: 5>, scalar_prefetch = 0 : i64, scratch_operands = 0 : i64, tpu.core_type = #tpu.core_type<tc>, window_params = [{transform_indices = @transform_0, window_bounds = array<i64: 2000, 128>}, {pipeline_mode = #tpu.pipeline_mode<synchronous>, transform_indices = @transform_1, window_bounds = array<i64: 128, 128>}, {pipeline_mode = #tpu.pipeline_mode<synchronous>, transform_indices = @transform_2, window_bounds = array<i64: 128, 128>}, {pipeline_mode = #tpu.pipeline_mode<synchronous>, transform_indices = @transform_3, window_bounds = array<i64: 1, 128>}, {transform_indices = @transform_4, window_bounds = array<i64: 2000, 128>}, {transform_indices = @transform_5, window_bounds = array<i64: 2000, 128>}]} {
    %get3A = arith.constant 0 : index
    %get3A_0 = arith.constant 0 : index
    %get3A_1 = vector.load %arg1[%get3A, %get3A_0] : memref<2000x128xf32, #tpu.memory_space<vmem>>, vector<2000x128xf32>
    %get3A_2 = arith.constant 0 : index
    %get3A_3 = arith.constant 0 : index
    %get3A_4 = vector.load %arg2[%get3A_2, %get3A_3] : memref<128x128xf32, #tpu.memory_space<vmem>>, vector<128x128xf32>
    %dot_general3A = arith.constant dense<0.000000e+00> : vector<2000x128xf32>
    %dot_general3A_5 = tpu.matmul %get3A_1, %get3A_4, %dot_general3A {dimension_numbers = #tpu.dot_dimension_numbers<[1], [0], [0], [1], [0, 0, 1, 1], [], []>, transpose_lhs_hint = false} : vector<2000x128xf32>, vector<128x128xf32>, vector<2000x128xf32> -> vector<2000x128xf32>
    %swap3A = arith.constant 0 : index
    %swap3A_6 = arith.constant 0 : index
    %swap3A_7 = vector.load %arg5[%swap3A, %swap3A_6] : memref<2000x128xf32, #tpu.memory_space<vmem>>, vector<2000x128xf32>
    tpu.vector_store %arg5[%swap3A, %swap3A_6], %dot_general3A_5 {strides = array<i32>} : memref<2000x128xf32, #tpu.memory_space<vmem>>, vector<2000x128xf32>,
    %get3A_8 = arith.constant 0 : index
    %get3A_9 = arith.constant 0 : index
    %get3A_10 = vector.load %arg3[%get3A_8, %get3A_9] : memref<128x128xf32, #tpu.memory_space<vmem>>, vector<128x128xf32>
    %dot_general3A_11 = arith.constant dense<0.000000e+00> : vector<2000x128xf32>
    %dot_general3A_12 = tpu.matmul %get3A_1, %get3A_10, %dot_general3A_11 {dimension_numbers = #tpu.dot_dimension_numbers<[1], [0], [0], [1], [0, 0, 1, 1], [], []>, transpose_lhs_hint = false} : vector<2000x128xf32>, vector<128x128xf32>, vector<2000x128xf32> -> vector<2000x128xf32>
    %get3A_13 = arith.constant 0 : index
    %get3A_14 = arith.constant 0 : index
    %get3A_15 = vector.load %arg4[%get3A_13, %get3A_14] : memref<1x128xf32, #tpu.memory_space<vmem>>, vector<1x128xf32>
    %add3A = vector.broadcast %get3A_15 : vector<1x128xf32> to vector<2000x128xf32>
    %add3A_16 = arith.addf %dot_general3A_12, %add3A : vector<2000x128xf32>
    %swap3A_17 = arith.constant 0 : index
    %swap3A_18 = arith.constant 0 : index
    %swap3A_19 = vector.load %arg6[%swap3A_17, %swap3A_18] : memref<2000x128xf32, #tpu.memory_space<vmem>>, vector<2000x128xf32>
    tpu.vector_store %arg6[%swap3A_17, %swap3A_18], %add3A_16 {strides = array<i32>} : memref<2000x128xf32, #tpu.memory_space<vmem>>, vector<2000x128xf32>,
    return
  }
  func.func @transform_0(%arg0: i32) -> (i32, i32) {
    %c0_i32 = arith.constant 0 : i32
    %c0_i32_0 = arith.constant 0 : i32
    return %arg0, %c0_i32 : i32, i32
  }
  func.func @transform_1(%arg0: i32) -> (i32, i32) {
    %c0_i32 = arith.constant 0 : i32
    %c0_i32_0 = arith.constant 0 : i32
    %c0_i32_1 = arith.constant 0 : i32
    return %c0_i32, %c0_i32_0 : i32, i32
  }
  func.func @transform_2(%arg0: i32) -> (i32, i32) {
    %c0_i32 = arith.constant 0 : i32
    %c0_i32_0 = arith.constant 0 : i32
    %c0_i32_1 = arith.constant 0 : i32
    return %c0_i32, %c0_i32_0 : i32, i32
  }
  func.func @transform_3(%arg0: i32) -> (i32, i32) {
    %c0_i32 = arith.constant 0 : i32
    %c0_i32_0 = arith.constant 0 : i32
    %c0_i32_1 = arith.constant 0 : i32
    return %c0_i32, %c0_i32_0 : i32, i32
  }
  func.func @transform_4(%arg0: i32) -> (i32, i32) {
    %c0_i32 = arith.constant 0 : i32
    %c0_i32_0 = arith.constant 0 : i32
    return %arg0, %c0_i32 : i32, i32
  }
  func.func @transform_5(%arg0: i32) -> (i32, i32) {
    %c0_i32 = arith.constant 0 : i32
    %c0_i32_0 = arith.constant 0 : i32
    return %arg0, %c0_i32 : i32, i32
  }
}

module attributes {stable_mosaic.version = 14 : i64} {
  func.func @_k3_body(%arg0: i32, %arg1: memref<2x2000x128xf32, #tpu.memory_space<vmem>>, %arg2: memref<2x2000x16xf32, #tpu.memory_space<vmem>>, %arg3: memref<2000x128xf32, #tpu.memory_space<vmem>>, %arg4: memref<2000x128xf32, #tpu.memory_space<vmem>>) attributes {dimension_semantics = [#tpu.dimension_semantics<arbitrary>], iteration_bounds = array<i64: 5>, scalar_prefetch = 0 : i64, scratch_operands = 0 : i64, tpu.core_type = #tpu.core_type<tc>, window_params = [{transform_indices = @transform_0, window_bounds = array<i64: 2, 2000, 128>}, {transform_indices = @transform_1, window_bounds = array<i64: 2, 2000, 16>}, {transform_indices = @transform_2, window_bounds = array<i64: 2000, 128>}, {transform_indices = @transform_3, window_bounds = array<i64: 2000, 128>}]} {
    %get3A = arith.constant 0 : index
    %get3A_0 = arith.constant 0 : index
    %get3A_1 = arith.constant 0 : index
    %get3A_2 = vector.load %arg1[%get3A, %get3A_0, %get3A_1] : memref<2x2000x128xf32, #tpu.memory_space<vmem>>, vector<1x2000x128xf32>
    %get3A_3 = vector.shape_cast %get3A_2 : vector<1x2000x128xf32> to vector<2000x128xf32>
    %get3A_4 = arith.constant 1 : index
    %get3A_5 = arith.constant 0 : index
    %get3A_6 = arith.constant 0 : index
    %get3A_7 = vector.load %arg1[%get3A_4, %get3A_5, %get3A_6] : memref<2x2000x128xf32, #tpu.memory_space<vmem>>, vector<1x2000x128xf32>
    %get3A_8 = vector.shape_cast %get3A_7 : vector<1x2000x128xf32> to vector<2000x128xf32>
    %add3A = arith.addf %get3A_3, %get3A_8 : vector<2000x128xf32>
    %get3A_9 = arith.constant 0 : index
    %get3A_10 = arith.constant 0 : index
    %get3A_11 = arith.constant 0 : index
    %get3A_12 = vector.load %arg2[%get3A_9, %get3A_10, %get3A_11] : memref<2x2000x16xf32, #tpu.memory_space<vmem>>, vector<1x2000x1xf32>
    %get3A_13 = vector.shape_cast %get3A_12 : vector<1x2000x1xf32> to vector<2000x1xf32>
    %get3A_14 = arith.constant 1 : index
    %get3A_15 = arith.constant 0 : index
    %get3A_16 = arith.constant 0 : index
    %get3A_17 = vector.load %arg2[%get3A_14, %get3A_15, %get3A_16] : memref<2x2000x16xf32, #tpu.memory_space<vmem>>, vector<1x2000x1xf32>
    %get3A_18 = vector.shape_cast %get3A_17 : vector<1x2000x1xf32> to vector<2000x1xf32>
    %add3A_19 = arith.addf %get3A_13, %get3A_18 : vector<2000x1xf32>
    %max3A = arith.constant 1.000000e+00 : f32
    %max3A_20 = vector.broadcast %max3A : f32 to vector<2000x1xf32>
    %max3A_21 = arith.maximumf %add3A_19, %max3A_20 : vector<2000x1xf32>
    %get3A_22 = arith.constant 0 : index
    %get3A_23 = arith.constant 0 : index
    %get3A_24 = vector.load %arg3[%get3A_22, %get3A_23] : memref<2000x128xf32, #tpu.memory_space<vmem>>, vector<2000x128xf32>
    %div3A = vector.broadcast %max3A_21 : vector<2000x1xf32> to vector<2000x128xf32>
    %div3A_25 = arith.divf %add3A, %div3A : vector<2000x128xf32>
    %add3A_26 = arith.addf %get3A_24, %div3A_25 : vector<2000x128xf32>
    %swap3A = arith.constant 0 : index
    %swap3A_27 = arith.constant 0 : index
    %swap3A_28 = vector.load %arg4[%swap3A, %swap3A_27] : memref<2000x128xf32, #tpu.memory_space<vmem>>, vector<2000x128xf32>
    tpu.vector_store %arg4[%swap3A, %swap3A_27], %add3A_26 {strides = array<i32>} : memref<2000x128xf32, #tpu.memory_space<vmem>>, vector<2000x128xf32>,
    return
  }
  func.func @transform_0(%arg0: i32) -> (i32, i32, i32) {
    %c0_i32 = arith.constant 0 : i32
    %c0_i32_0 = arith.constant 0 : i32
    %c0_i32_1 = arith.constant 0 : i32
    return %c0_i32, %arg0, %c0_i32_0 : i32, i32, i32
  }
  func.func @transform_1(%arg0: i32) -> (i32, i32, i32) {
    %c0_i32 = arith.constant 0 : i32
    %c0_i32_0 = arith.constant 0 : i32
    %c0_i32_1 = arith.constant 0 : i32
    return %c0_i32, %arg0, %c0_i32_0 : i32, i32, i32
  }
  func.func @transform_2(%arg0: i32) -> (i32, i32) {
    %c0_i32 = arith.constant 0 : i32
    %c0_i32_0 = arith.constant 0 : i32
    return %arg0, %c0_i32 : i32, i32
  }
  func.func @transform_3(%arg0: i32) -> (i32, i32) {
    %c0_i32 = arith.constant 0 : i32
    %c0_i32_0 = arith.constant 0 : i32
    return %arg0, %c0_i32 : i32, i32
  }
}

</mosaic_0001>

<sc_bundles>
// kernel: kernel.10.cloned.1.call-start
scs
__scs_entry_jumppad:
0x0: {  	(pc) =	sbr.rel $0x88, $3  }
0x1: {  	(tag) =	ssettag $0x0;
	lr =	simm.s32 $0x1  }
0x2: {  	[smem:$0x3F99] =	sst lr;
	_ =	strace $0xD0000000  }
0x3: {  	_ = 	snop  }
0x4: {  	_ = 	snop  }
0x5: {  	_ = 	snop  }
0x6: {  	_ = 	snop  }
0x7: {  	_ = 	snop  }
__scs_overlays_trampoline_lowered:
0x8: {  	[smem:$0x3FA8] =	sst s0  }
0x9: {  	[smem:$0x3FA9] =	sst s1  }
0xa: {  	[smem:$0x3FAA] =	sst s2  }
0xb: {  	[smem:$0x3FAB] =	sst s3  }
0xc: {  	[smem:$0x3FAC] =	sst s4  }
0xd: {  	[smem:$0x3FAD] =	sst s5  }
0xe: {  	[smem:$0x3FAE] =	sst s6  }
0xf: {  	[smem:$0x3FAF] =	sst s7  }
0x10: {  	[smem:$0x3FB0] =	sst s8  }
0x11: {  	[smem:$0x3FB1] =	sst s9;
	s0 =	simm.s32 @!p0 $0x0  }
0x12: {  	s1 =	sld [smem:$0x3F97];
	s0 =	simm.s32 @p0 $0x1  }
0x13: {  	[smem:$0x3FB2] =	sst s0;
	s0 =	simm.s32 @!p1 $0x0  }
0x14: {  	s2 =	sld [smem:$0x3F96];
	s0 =	simm.s32 @p1 $0x1  }
0x15: {  	[smem:$0x3FB3] =	sst s0;
	s0 =	simm.s32 @!p2 $0x0  }
0x16: {  	s3 =	sld [smem:$0x3FDB];
	s0 =	simm.s32 @p2 $0x1  }
0x17: {  	s4 =	simm.s32 $0x1BF5;
	[smem:$0x3FB5] =	sst s0  }
0x18: {  	s0 =	sld [smem:$0x3F98];
	_ =	swait.ge [sflag:s4], $0x0  }
0x19: {  	s7 =	sld [smem:$0x3F99]  }
0x1a: {  	s8 =	sadd.s32 $0xFFFFE003, lr  }
0x1b: {  	s9 =	sadd.s32 $0xFFFFFEF7, lr;
	s5 =	simm.s32 $0xFFFFFFFF;
	p2 =	slt.u32 s8, $0xFFFFF086  }
0x1c: {  	p1 =	slt.u32 s9, $0xF7A;
	s5 =	simm.s32 @!p2 $0x0  }
0x1d: {  	s5 =	simm.s32 @p1 $0x1;
	p0 =	seq.s32 s7, s2  }
0x1e: {  	s7 =	smul.u32 @!p0 $0xF7A, s2;
	p2 =	seq.s32 @!p0 s5, $0x0  }
0x1f: {  	s9 =	smul.u32 $0xF7A, s1;
	s8 =	simm.s32 @!p0 $0x1BF5;
	p2 =	por !p2, p0  }
0x20: {  	[sflag:s8] =	ssyncset.s32 @!p0 $0xFFFFF086;
	s6 =	sadd.s32 @!p0 s3, s7;
	s7 =	simm.s32 @!p0 $0x108  }
0x21: {  	s3 =	sadd.s32 s3, s9;
	s6 =	sadd.s32 @!p0 $0x88, s6;
	s7 =	simm.s32 @p2 $0x1082  }
0x22: {  	[simem:s7], [sflag:s8] =	dma.local @!p0 [hbm:s6], $0xF7A  }
0x23: {  	s9 =	sor.u32 $0xD0000000, s2;
	s6 =	simm.s32 $0x108;
	_ =	swait.ge @!p0 [sflag:s8], $0x0  }
0x24: {  	s3 =	sadd.s32 $0x88, s3;
	s6 =	simm.s32 @!p1 $0x1082;
	[sflag:s4] =	ssyncset.s32 $0xFFFFF086  }
0x25: {  	[simem:s6], [sflag:s4] =	dma.local [hbm:s3], $0xF7A  }
0x26: {  	[smem:$0x3F99] =	sst s1;
	(tag) =	ssettag s2;
	_ =	strace s9  }
0x27: {  	s1 =	sld [smem:$0x3FA9]  }
0x28: {  	s2 =	sld [smem:$0x3FAA]  }
0x29: {  	s4 =	sld [smem:$0x3FAC]  }
0x2a: {  	p0 =	seq.s32 s5, $0x0;
	s5 =	sld [smem:$0x3FAD]  }
0x2b: {  	s6 =	sld [smem:$0x3FAE]  }
0x2c: {  	s7 =	sld [smem:$0x3FAF]  }
0x2d: {  	s3 =	simm.s32 $0x108;
	s8 =	sld [smem:$0x3FB0]  }
0x2e: {  	s3 =	simm.s32 @!p0 $0x1082;
	s9 =	sld [smem:$0x3FB1]  }
0x2f: {  	lr =	sadd.s32 s0, s3;
	s0 =	sld [smem:$0x3FA8]  }
0x30: {  	s3 =	sld [smem:$0x3FAB]  }
0x31: {  	[smem:$0x3FB4] =	sst s10  }
0x32: {  	s10 =	sld [smem:$0x3FB2];
	_ =	sdelay $0x3  }
0x33: {  	p0 =	seq.s32 s10, $0x1;
	s10 =	sld [smem:$0x3FB4];
	_ =	sdelay $0x3  }
0x34: {  	[smem:$0x3FB4] =	sst s10  }
0x35: {  	s10 =	sld [smem:$0x3FB3];
	_ =	sdelay $0x3  }
0x36: {  	p1 =	seq.s32 s10, $0x1;
	s10 =	sld [smem:$0x3FB4];
	_ =	sdelay $0x3  }
0x37: {  	[smem:$0x3FB4] =	sst s10  }
0x38: {  	s10 =	sld [smem:$0x3FB5]  }
0x39: {  	_ = 	snop;
	(pc) =	sbr.ind lr, $3  }
0x3a: {  	_ = 	snop  }
0x3b: {  	_ = 	snop  }
0x3c: {  	p2 =	seq.s32 s10, $0x1;
	s10 =	sld [smem:$0x3FB4]  }
0x3d: {  	_ =	shalt  }
0x3e: {  	_ =	shalt  }
0x3f: {  	_ =	shalt  }
0x40: {  	_ =	shalt  }
0x41: {  	_ =	shalt  }
0x42: {  	_ =	shalt  }
0x43: {  	_ =	shalt  }
0x44: {  	_ =	shalt  }
0x45: {  	_ =	shalt  }
0x46: {  	_ =	shalt  }
0x47: {  	_ =	shalt  }
0x48: {  	_ =	shalt  }
0x49: {  	_ =	shalt  }
0x4a: {  	_ =	shalt  }
0x4b: {  	_ =	shalt  }
0x4c: {  	_ =	shalt  }
0x4d: {  	_ =	shalt  }
0x4e: {  	_ =	shalt  }
0x4f: {  	_ =	shalt  }
0x50: {  	_ =	shalt  }
0x51: {  	_ =	shalt  }
0x52: {  	_ =	shalt  }
0x53: {  	_ =	shalt  }
0x54: {  	_ =	shalt  }
0x55: {  	_ =	shalt  }
0x56: {  	_ =	shalt  }
0x57: {  	_ =	shalt  }
0x58: {  	_ =	shalt  }
0x59: {  	_ =	shalt  }
0x5a: {  	_ =	shalt  }
0x5b: {  	_ =	shalt  }
0x5c: {  	_ =	shalt  }
0x5d: {  	_ =	shalt  }
0x5e: {  	_ =	shalt  }
0x5f: {  	_ =	shalt  }
0x60: {  	_ =	shalt  }
0x61: {  	_ =	shalt  }
0x62: {  	_ =	shalt  }
0x63: {  	_ =	shalt  }
0x64: {  	_ =	shalt  }
0x65: {  	_ =	shalt  }
0x66: {  	_ =	shalt  }
0x67: {  	_ =	shalt  }
0x68: {  	_ =	shalt  }
0x69: {  	_ =	shalt  }
0x6a: {  	_ =	shalt  }
0x6b: {  	_ =	shalt  }
0x6c: {  	_ =	shalt  }
0x6d: {  	_ =	shalt  }
0x6e: {  	_ =	shalt  }
0x6f: {  	_ =	shalt  }
0x70: {  	_ =	shalt  }
0x71: {  	_ =	shalt  }
0x72: {  	_ =	shalt  }
0x73: {  	_ =	shalt  }
0x74: {  	_ =	shalt  }
0x75: {  	_ =	shalt  }
0x76: {  	_ =	shalt  }
0x77: {  	_ =	shalt  }
0x78: {  	_ =	shalt  }
0x79: {  	_ =	shalt  }
0x7a: {  	_ =	shalt  }
0x7b: {  	_ =	shalt  }
0x7c: {  	_ =	shalt  }
0x7d: {  	_ =	shalt  }
0x7e: {  	_ =	shalt  }
0x7f: {  	_ =	shalt  }
0x80: {  	_ =	shalt  }
0x81: {  	_ =	shalt  }
0x82: {  	_ =	shalt  }
0x83: {  	_ =	shalt  }
0x84: {  	_ =	shalt  }
0x85: {  	_ =	shalt  }
0x86: {  	_ =	shalt  }
0x87: {  	_ =	shalt  }
.Lfunc_end0:
.L_simem_size_0:
called_computation.1_lowered:
.L_overlay_start_0:
0x88: {  	s2 =	sld [smem:$0x3FD9]  }
0x89: {  	s3 =	sld [smem:$0x3FFE];
	_ =	sdelay $0x1  }
0x8a: {  	s1 =	srdreg.scid  }
0x8b: {  	s0 =	sand.u32 $0x1, s1  }
0x8c: {  	s17 =	sshll.u32 s0, $0xA;
	s2 =	sadd.s32 s3, s2  }
0x8d: {  	s2 =	sadd.s32 s2, s17  }
0x8e: {  	[smem:$0x3FC0] =	sst s2  }
0x8f: {  	_ = 	snop  }
0x90: {  	s2 =	sld [smem:$0x3FD0];
	(tm) =	ssettm $0x1  }
0x91: {  	s18 =	sld [smem:$0x3FFB];
	_ =	sdelay $0x3  }
0x92: {  	_ =	strace s18  }
0x93: {  	s3 =	sld [smem:$0x3FFC];
	_ =	sdelay $0x3  }
0x94: {  	_ =	strace s3  }
0x95: {  	s3 =	sld [smem:$0x3FFD];
	_ =	sdelay $0x3  }
0x96: {  	_ =	strace s3  }
0x97: {  	_ =	strace $0x8FFFFFFF  }
0x98: {  	s19 =	sld [smem:$0x3FDB];
	_ =	sdelay $0x1  }
0x99: {  	s4 =	simm.s32 $_scs_section_size  }
0x9a: {  	s5 =	simm.s32 $_size__tile_overlayer_lowered;
	s6 =	simm.s32 $_tile_overlayer_lowered  }
0x9b: {  	s22 =	simm.s32 $0x1BFF;
	s21 =	sshll.u32 s6, $0x1;
	s3 =	sadd.s32 s4, s19  }
0x9c: {  	s7 =	simm.s32 $0x0;
	s20 =	sshll.u32 s5, $0x1;
	s5 =	sadd.s32 s21, s3  }
0x9d: {  	[timem:s7], [sflag:s22] =	dma.local [hbm:s5], s20  }
0x9e: {  	_ =	swait.ge [sflag:s22], s20  }
0x9f: {  	s4 =	ssub.s32 $0x0, s20;
	[sflag:s22] =	ssyncset.done $0x0  }
0xa0: {  	[sflag:s22] =	ssyncadd.s32 s4;
	_ =	sdelay $0x1  }
0xa1: {  	s23 =	simm.s32 $0x1B8B  }
0xa2: {  	_ =	swait.ge [sflag:s23], $0x1  }
0xa3: {  	[sflag:s23] =	ssyncset.done $0x0  }
0xa4: {  	s25 =	simm.s32 $0x1B8E;
	s24 =	sld [smem:$0x3FFE];
	[sflag:s23] =	ssyncadd.s32 $0xFFFFFFFF  }
0xa5: {  	s26 =	simm.s32 $execute0_lowered;
	[smem:$0x3FD2] =	sst s25  }
0xa6: {  	s5 =	sshll.u32 s26, $0x1;
	_ =	strace $0x80000049;
	[dreg:$0x1] =	wrdreg $0xFFFFFFFF  }
0xa7: {  	s28 =	simm.s32 $_size_execute0_lowered;
	s3 =	sadd.s32 s3, s5;
	[dreg:$0x0] =	wrdreg $0x0  }
0xa8: {  	s5 =	sshll.u32 s28, $0x1;
	[dreg:$0x2] =	wrdreg s3  }
0xa9: {  	[dreg:$0x3] =	wrdreg s5  }
0xaa: {  	[dreg:$0x4] =	wrdreg $0xC0  }
0xab: {  	_ =	task [dreg:s7], $0x5FFFF  }
0xac: {  	[dreg:$0x1] =	wrdreg $0xFFFFFFFF  }
0xad: {  	[dreg:$0x0] =	wrdreg $0x60  }
0xae: {  	[dreg:$0x2] =	wrdreg s2  }
0xaf: {  	[dreg:$0x3] =	wrdreg s24  }
0xb0: {  	[dreg:$0x4] =	wrdreg $0x52800  }
0xb1: {  	[dreg:$0x5] =	wrdreg $0x9  }
0xb2: {  	_ =	task.clear_ibuf [dreg:s7], $0x6FFFF;
	_ =	strace $0x90000049  }
0xb3: {  	s29 =	simm.s32 $0x9;
	_ =	strace $0x8000004B  }
0xb4: {  	_ =	swait.ge [sflag:s29], $0x1  }
0xb5: {  	[sflag:s29] =	ssyncadd.s32 $0xFFFFFFFF  }
0xb6: {  	_ =	strace $0x9000004B  }
0xb7: {  	_ =	sfence  }
0xb8: {  	s30 =	sld [smem:$0x0];
	_ =	sdelay $0x2  }
0xb9: {  	s31 =	sshll.u32 s1, $0xD;
	s1 =	sshrl.u32 s1, $0x2  }
0xba: {  	s3 =	sand.u32 $0x4000, s31;
	s1 =	sadd.s32 s1, s30  }
0xbb: {  	s0 =	sor.u32 s3, s0;
	s1 =	sshll.u32 s1, $0x11  }
0xbc: {  	s0 =	sor.u32 s1, s0  }
0xbd: {  	s0 =	sadd.s32 $0x8F2B, s0  }
0xbe: {  	[sflag:s0] =	ssyncadd.remote.s32 $0x1  }
0xbf: {  	_ =	sfence.sel $0xFFFF  }
0xc0: {  	[dreg:$0x0] =	wrdreg $0xFFFFFFFF;
	(pc) =	sbr.abs _section_cstart, $3  }
0xc1: {  	[dreg:$0x1] =	wrdreg $0xFFFFFFFF  }
0xc2: {  	_ =	task.clear_ibuf [dreg:s7], $0x2FFFF;
	_ =	strace $0x9FFFFFFF  }
0xc3: {  	(tm) =	ssettm $0x7FFFFFFF  }
tec
execute0_lowered:
.L_overlay_start_1:
0x0: {  	(tag) =	ssettag $0x1  }
0x1: {  	s1 =	rddreg [dreg:$0x0]  }
0x2: {  	s0 =	rddreg [dreg:$0x1]  }
0x3: {  	s3 =	rddreg [dreg:$0x2]  }
0x4: {  	s2 =	srdreg.scid;
	s11 =	stileid.u32  }
0x5: {  	s4 =	simm.s32 $0x0;
	s28 =	simm.s32 $0x6;
	s6 =	smul.u32 $0x13880, s11  }
0x6: {  	s29 =	simm.s32 $0x4;
	s30 =	simm.s32 $0x1;
	s10 =	smul.u32 $0x4E200, s11  }
0x7: {  	s2 =	sand.u32 $0x1, s2;
	[smem:$0x7FF] =	sst s4;
	s31 =	smul.u32 $0x4E20, s11  }
0x8: {  	s5 =	sshll.u32 s11, $0x1;
	s7 =	smul.u32 $0x138800, s2;
	_ =	strace $0x8000004A  }
0x9: {  	s8 =	sor.u32 s2, s5;
	s9 =	ssub.s32 $0x2, s2;
	s2 =	smul.u32 $0x2710, s2  }
0xa: {  	s5 =	sadd.s32 $0x2400, s0;
	s8 =	smul.u32 $0x2710, s8;
	s24 =	sshrl.u32 s10, $0x2  }
0xb: {  	s23 =	sshrl.u32 s9, $0x1;
	s7 =	sadd.s32 s6, s7;
	s26 =	sadd.s32 s24, s3  }
0xc: {  	s2 =	sadd.s32 s2, s31;
	s7 =	sshrl.u32 s7, $0x3;
	s11 =	sadd.s32 $0x2800, s26  }
0xd: {  	s8 =	sshrl.u32 s8, $0x3;
	s13 =	sadd.s32 $0x5000, s26;
	[dreg:$0x7] =	wrdreg s11  }
0xe: {  	s14 =	sadd.s32 $0x7800, s26;
	s15 =	sadd.s32 $0xA000, s26;
	[dreg:$0x8] =	wrdreg s13  }
0xf: {  	s16 =	sadd.s32 $0xC800, s26;
	s17 =	sadd.s32 $0xF000, s26;
	[dreg:$0x9] =	wrdreg s14  }
0x10: {  	s18 =	sadd.s32 $0x11800, s26;
	s19 =	sadd.s32 $0x230, s2;
	[dreg:$0xa] =	wrdreg s15  }
0x11: {  	s21 =	sadd.s32 $0x4E430, s2;
	s31 =	sadd.s32 $0x190, s2;
	[dreg:$0xb] =	wrdreg s16  }
0x12: {  	s0 =	sadd.s32 s7, s0;
	s7 =	ssub.s32 s9, s23;
	[dreg:$0xc] =	wrdreg s17  }
0x13: {  	s12 =	sadd.s32 s5, s8;
	s8 =	sadd.s32 s6, s3;
	[dreg:$0xd] =	wrdreg s18  }
0x14: {  	s22 =	sshrl.u32 s21, $0x3;
	s23 =	sadd.s32 $0x1E0, s2;
	s9 =	sadd.s32 $0x4E390, s2  }
0x15: {  	s11 =	sadd.s32 $0x4E340, s2;
	s13 =	sadd.s32 $0x140, s2;
	s6 =	simm.s32 $0x0  }
0x16: {  	s25 =	sadd.s32 $0x9C40, s12;
	s0 =	sadd.s32 $0x15E00, s0;
	[dreg:$0x10] =	wrdreg s13  }
0x17: {  	s20 =	smax.u32 s7, $0x1;
	s24 =	sshrl.u32 s23, $0x3;
	[dreg:$0x4] =	wrdreg s12  }
0x18: {  	s7 =	sshrl.u32 s31, $0x3;
	s10 =	sshrl.u32 s9, $0x3;
	[dreg:$0x6] =	wrdreg s8  }
0x19: {  	s14 =	sshrl.u32 s11, $0x3;
	s15 =	sadd.s32 $0xA, s12;
	[dreg:$0x5] =	wrdreg s25  }
0x1a: {  	s16 =	sadd.s32 $0x9C4A, s12;
	s17 =	sadd.s32 $0x14, s12;
	[dreg:$0xe] =	wrdreg s0  }
0x1b: {  	s31 =	sadd.s32 $0x9C5E, s12;
	s9 =	simm.s32 $0x50;
	[dreg:$0xf] =	wrdreg s20  }
0x1c: {  	s13 =	simm.s32 $0x1E0;
	s0 =	sshrl.u32 s19, $0x3;
	[dreg:$0x11] =	wrdreg s15  }
0x1d: {  	s19 =	sadd.s32 s22, s5;
	s25 =	sadd.s32 $0x4E3E0, s2;
	[dreg:$0x12] =	wrdreg s16  }
0x1e: {  	s20 =	sadd.s32 s24, s5;
	s22 =	sadd.s32 s7, s5;
	[dreg:$0x13] =	wrdreg s17  }
0x1f: {  	s23 =	sadd.s32 s10, s5;
	s24 =	sadd.s32 $0x9C54, s12;
	[dreg:$0x16] =	wrdreg s31  }
0x20: {  	s2 =	simm.s32 $0x7;
	s7 =	simm.s32 $0x140;
	s10 =	simm.s32 $0x280  }
.Ltmp0:
0x21: {  	s15 =	simm.s32 $0x230;
	s16 =	simm.s32 $0x2A80;
	(pc) =	sbr.rel .LBB2_1-.Ltmp0, $4  }
0x22: {  	s17 =	simm.s32 $0x2;
	s18 =	sadd.s32 s0, s5;
	s26 =	sshrl.u32 s25, $0x3  }
0x23: {  	s25 =	sadd.s32 s14, s5;
	[dreg:$0x14] =	wrdreg s24;
	s14 =	simm.s32 $0xF0  }
0x24: {  	s24 =	simm.s32 $0x5;
	s21 =	sadd.s32 s26, s5;
	s26 =	sadd.s32 $0x1E, s12  }
0x25: {  	v0 =	vimm.f32 $0.0e+00;
	s12 =	simm.s32 $0xA0;
	[dreg:$0x15] =	wrdreg s26;
	s26 =	simm.s32 $0x3  }
.LBB2_6:
0x26: {  	_ =	swait.ge [sflag:s24], $0x2800  }
0x27: {  	[sflag:s24] =	ssyncset.done $0x0  }
0x28: {  	[sflag:s24] =	ssyncadd.s32 $0xFFFFD800  }
0x29: {  	[spmem:s3] =	stream.indirect.scatter.add.f32 [tilespmem:s10], [sflag:$0x7], $0x80, s7, s9, $0xb8;
	[tilespmem:$0x18B00] =	vst v63  }
0x2a: {  	_ =	swait.ge [sflag:s2], $0x2800  }
0x2b: {  	[sflag:s2] =	ssyncset.done $0x0  }
0x2c: {  	[sflag:s2] =	ssyncadd.s32 $0xFFFFD800  }
0x2d: {  	s0 =	stileid.u32;
	[bflag:$0x0] =	sbarrier.arrive $0xFFFF  }
0x2e: {  	s0 =	sshll.u32 s0, $0x6;
	s8 =	rddreg [dreg:$0x6]  }
0x2f: {  	s0 =	sor.u32 $0x1C07, s0;
	s11 =	rddreg [dreg:$0xe];
	s6 =	sshrl.u32 s8, $0x3  }
0x30: {  	[hbm:s11], [sflag:s0] =	dma.local [spmem:s6], $0x2710  }
0x31: {  	_ =	swait.ge [sflag:s2], $0x2710  }
0x32: {  	s11 =	rddreg [dreg:$0x17]  }
0x33: {  	s31 =	rddreg [dreg:$0xf];
	s6 =	sadd.s32 $0x1, s11  }
0x34: {  	p0 =	sne.s32 s6, s31  }
.Ltmp1:
0x35: {  	_ = 	snop;
	(pc) =	sbr.rel @!p0 .LBB2_7-.Ltmp1, $3  }
0x36: {  	_ =	sdelay $0x1  }
0x37: {  	[sflag:s2] =	ssyncset.done $0x0  }
0x38: {  	[sflag:s2] =	ssyncadd.s32 $0xFFFFD8F0  }
.LBB2_1:
0x39: {  	[dreg:$0x17] =	wrdreg s6;
	s0 =	simm.s32 $0x0;
	s6 =	simm.s32 $0x200  }
.LBB2_2:
0x3a: {  	p0 =	sne.s32 s6, $0x9E00;
	[tilespmem:s0+$0x2AF0] =	vst v0  }
0x3b: {  	[tilespmem:s0+$0x2A80] =	vst v0  }
0x3c: {  	[tilespmem:s0+$0x2A90] =	vst v0  }
.Ltmp2:
0x3d: {  	[tilespmem:s0+$0x2AA0] =	vst v0;
	(pc) =	sbr.rel @p0 .LBB2_2-.Ltmp2, $4  }
0x3e: {  	[tilespmem:s0+$0x2AB0] =	vst v0  }
0x3f: {  	[tilespmem:s0+$0x2AC0] =	vst v0  }
0x40: {  	[tilespmem:s0+$0x2AD0] =	vst v0  }
0x41: {  	[tilespmem:s0+$0x2AE0] =	vst v0;
	s0 =	sshra.s32 s6, $0x2;
	s6 =	sadd.s32 $0x200, s6  }
0x42: {  	[tilespmem:s0+$0x2AF0] =	vst v0  }
0x43: {  	[tilespmem:s0+$0x2A80] =	vst v0  }
0x44: {  	[tilespmem:s0+$0x2A90] =	vst v0  }
0x45: {  	[tilespmem:s0+$0x2AA0] =	vst v0  }
0x46: {  	[tilespmem:s0+$0x2AB0] =	vst v0  }
0x47: {  	[tilespmem:s0+$0x2AC0] =	vst v0  }
0x48: {  	[tilespmem:s0+$0x2AD0] =	vst v0  }
0x49: {  	[tilespmem:s0+$0x2AE0] =	vst v0;
	s0 =	simm.s32 $0x0;
	s6 =	rddreg [dreg:$0x4]  }
0x4a: {  	[tilespmem:s0], [sflag:$0x7] =	stream.linear.gather [hbm4b:s6+s0], $0x50, $0x38;
	[tilespmem:$0x18B00] =	vst v63  }
0x4b: {  	_ =	swait.ge [sflag:s2], $0x50  }
0x4c: {  	[sflag:s2] =	ssyncset.done $0x0  }
0x4d: {  	s31 =	rddreg [dreg:$0x5];
	[sflag:s2] =	ssyncadd.s32 $0xFFFFFFB0  }
0x4e: {  	[tilespmem:s7], [sflag:$0x7] =	stream.linear.gather [hbm4b:s31+s0], $0x50, $0x38;
	[tilespmem:$0x18B00] =	vst v63  }
0x4f: {  	_ =	swait.ge [sflag:s2], $0x50  }
0x50: {  	[sflag:s2] =	ssyncset.done $0x0  }
0x51: {  	[sflag:s2] =	ssyncadd.s32 $0xFFFFFFB0  }
0x52: {  	[tilespmem:s10], [sflag:$0x5] =	stream.indirect.gather [hbm4b:s1+s9], $0x80, s0, s9, $0xb8;
	[tilespmem:$0x18B00] =	vst v63  }
0x53: {  	s11 =	rddreg [dreg:$0x11]  }
0x54: {  	[tilespmem:s9], [sflag:$0x2] =	stream.linear.gather [hbm4b:s11+s0], $0x50, $0x38;
	[tilespmem:$0x18B00] =	vst v63  }
0x55: {  	s31 =	rddreg [dreg:$0x12];
	s11 =	simm.s32 $0x190  }
0x56: {  	[tilespmem:s11], [sflag:$0x2] =	stream.linear.gather [hbm4b:s31+s0], $0x50, $0x38;
	[tilespmem:$0x18B00] =	vst v63  }
0x57: {  	s31 =	rddreg [dreg:$0x13]  }
0x58: {  	[tilespmem:s12], [sflag:$0x3] =	stream.linear.gather [hbm4b:s31+s0], $0x50, $0x38;
	[tilespmem:$0x18B00] =	vst v63  }
0x59: {  	s11 =	rddreg [dreg:$0x14]  }
0x5a: {  	[tilespmem:s13], [sflag:$0x3] =	stream.linear.gather [hbm4b:s11+s0], $0x50, $0x38;
	[tilespmem:$0x18B00] =	vst v63  }
0x5b: {  	s31 =	rddreg [dreg:$0x15]  }
0x5c: {  	[tilespmem:s14], [sflag:$0x4] =	stream.linear.gather [hbm4b:s31+s0], $0x50, $0x38;
	[tilespmem:$0x18B00] =	vst v63  }
0x5d: {  	s11 =	rddreg [dreg:$0x16]  }
0x5e: {  	[tilespmem:s15], [sflag:$0x4] =	stream.linear.gather [hbm4b:s11+s0], $0x50, $0x38;
	[tilespmem:$0x18B00] =	vst v63  }
0x5f: {  	_ = 	snop  }
0x60: {  	[spmem:s8] =	stream.linear.scatter [tilespmem:s16], [sflag:$0x7], $0x2800, $0x38;
	[tilespmem:$0x18B00] =	vst v63  }
0x61: {  	_ =	swait.ge [sflag:s2], $0x2800  }
0x62: {  	[sflag:s2] =	ssyncset.done $0x0  }
0x63: {  	s31 =	rddreg [dreg:$0x7];
	[sflag:s2] =	ssyncadd.s32 $0xFFFFD800  }
0x64: {  	[spmem:s31] =	stream.linear.scatter [tilespmem:s16], [sflag:$0x7], $0x2800, $0x38;
	[tilespmem:$0x18B00] =	vst v63  }
0x65: {  	_ =	swait.ge [sflag:s2], $0x2800  }
0x66: {  	[sflag:s2] =	ssyncset.done $0x0  }
0x67: {  	s8 =	rddreg [dreg:$0x8];
	[sflag:s2] =	ssyncadd.s32 $0xFFFFD800  }
0x68: {  	[spmem:s8] =	stream.linear.scatter [tilespmem:s16], [sflag:$0x7], $0x2800, $0x38;
	[tilespmem:$0x18B00] =	vst v63  }
0x69: {  	_ =	swait.ge [sflag:s2], $0x2800  }
0x6a: {  	[sflag:s2] =	ssyncset.done $0x0  }
0x6b: {  	s11 =	rddreg [dreg:$0x9];
	[sflag:s2] =	ssyncadd.s32 $0xFFFFD800  }
0x6c: {  	[spmem:s11] =	stream.linear.scatter [tilespmem:s16], [sflag:$0x7], $0x2800, $0x38;
	[tilespmem:$0x18B00] =	vst v63  }
0x6d: {  	_ =	swait.ge [sflag:s2], $0x2800  }
0x6e: {  	[sflag:s2] =	ssyncset.done $0x0  }
0x6f: {  	s31 =	rddreg [dreg:$0xa];
	[sflag:s2] =	ssyncadd.s32 $0xFFFFD800  }
0x70: {  	[spmem:s31] =	stream.linear.scatter [tilespmem:s16], [sflag:$0x7], $0x2800, $0x38;
	[tilespmem:$0x18B00] =	vst v63  }
0x71: {  	_ =	swait.ge [sflag:s2], $0x2800  }
0x72: {  	[sflag:s2] =	ssyncset.done $0x0  }
0x73: {  	s8 =	rddreg [dreg:$0xb];
	[sflag:s2] =	ssyncadd.s32 $0xFFFFD800  }
0x74: {  	[spmem:s8] =	stream.linear.scatter [tilespmem:s16], [sflag:$0x7], $0x2800, $0x38;
	[tilespmem:$0x18B00] =	vst v63  }
0x75: {  	_ =	swait.ge [sflag:s2], $0x2800  }
0x76: {  	[sflag:s2] =	ssyncset.done $0x0  }
0x77: {  	s11 =	rddreg [dreg:$0xc];
	[sflag:s2] =	ssyncadd.s32 $0xFFFFD800  }
0x78: {  	[spmem:s11] =	stream.linear.scatter [tilespmem:s16], [sflag:$0x7], $0x2800, $0x38;
	[tilespmem:$0x18B00] =	vst v63  }
0x79: {  	_ =	swait.ge [sflag:s2], $0x2800  }
0x7a: {  	[sflag:s2] =	ssyncset.done $0x0  }
0x7b: {  	s31 =	rddreg [dreg:$0xd];
	[sflag:s2] =	ssyncadd.s32 $0xFFFFD800  }
0x7c: {  	[spmem:s31] =	stream.linear.scatter [tilespmem:s16], [sflag:$0x7], $0x2080, $0x38;
	[tilespmem:$0x18B00] =	vst v63  }
0x7d: {  	_ =	swait.ge [sflag:s2], $0x2080  }
0x7e: {  	[sflag:s2] =	ssyncset.done $0x0  }
0x7f: {  	[sflag:s2] =	ssyncadd.s32 $0xFFFFDF80  }
0x80: {  	[bflag:$0x0] =	sbarrier.arrive $0xFFFF  }
0x81: {  	s6 =	rddreg [dreg:$0x10]  }
.LBB2_4:
0x82: {  	_ =	swait.ge [sflag:s17], $0x50  }
0x83: {  	[sflag:s17] =	ssyncset.done $0x0  }
0x84: {  	[sflag:s17] =	ssyncadd.s32 $0xFFFFFFB0  }
0x85: {  	_ =	swait.ge [sflag:s17], $0x50  }
0x86: {  	[sflag:s17] =	ssyncset.done $0x0  }
0x87: {  	[sflag:s17] =	ssyncadd.s32 $0xFFFFFFB0  }
0x88: {  	[tilespmem:s16], [sflag:$0x6] =	stream.indirect.gather [hbm4b:s1+s9], $0x80, s9, s9, $0xb8;
	[tilespmem:$0x18B00] =	vst v63  }
0x89: {  	_ =	swait.ge [sflag:s24], $0x2800  }
0x8a: {  	[sflag:s24] =	ssyncset.done $0x0  }
0x8b: {  	[sflag:s24] =	ssyncadd.s32 $0xFFFFD800  }
0x8c: {  	[spmem:s3] =	stream.indirect.scatter.add.f32 [tilespmem:s10], [sflag:$0x7], $0x80, s7, s9, $0xb8;
	[tilespmem:$0x18B00] =	vst v63  }
0x8d: {  	_ =	swait.ge [sflag:s2], $0x2800  }
0x8e: {  	s8 =	sshrl.u32 s6, $0x3;
	[sflag:s2] =	ssyncset.done $0x0  }
0x8f: {  	s8 =	sadd.s32 s5, s8;
	[sflag:s2] =	ssyncadd.s32 $0xFFFFD800  }
0x90: {  	[tilespmem:s4], [sflag:$0x1] =	stream.linear.gather [hbm4b:s8+s4], $0x50, $0x38;
	[tilespmem:$0x18B00] =	vst v63  }
0x91: {  	s11 =	sadd.s32 s0, s25  }
0x92: {  	[tilespmem:s7], [sflag:$0x1] =	stream.linear.gather [hbm4b:s11+s4], $0x50, $0x38;
	[tilespmem:$0x18B00] =	vst v63  }
0x93: {  	_ =	swait.ge [sflag:s26], $0x50  }
0x94: {  	[sflag:s26] =	ssyncset.done $0x0  }
0x95: {  	[sflag:s26] =	ssyncadd.s32 $0xFFFFFFB0  }
0x96: {  	_ =	swait.ge [sflag:s26], $0x50  }
0x97: {  	[sflag:s26] =	ssyncset.done $0x0  }
0x98: {  	[sflag:s26] =	ssyncadd.s32 $0xFFFFFFB0  }
0x99: {  	[tilespmem:s10], [sflag:$0x5] =	stream.indirect.gather [hbm4b:s1+s9], $0x80, s12, s9, $0xb8;
	[tilespmem:$0x18B00] =	vst v63  }
0x9a: {  	_ =	swait.ge [sflag:s28], $0x2800  }
0x9b: {  	[sflag:s28] =	ssyncset.done $0x0  }
0x9c: {  	s31 =	simm.s32 $0x190;
	[sflag:s28] =	ssyncadd.s32 $0xFFFFD800  }
0x9d: {  	[spmem:s3] =	stream.indirect.scatter.add.f32 [tilespmem:s16], [sflag:$0x7], $0x80, s31, s9, $0xb8;
	[tilespmem:$0x18B00] =	vst v63  }
0x9e: {  	p0 =	seq.s32 s0, $0x4B0;
	_ =	swait.ge [sflag:s2], $0x2800  }
0x9f: {  	s8 =	sadd.s32 @!p0 s0, s22;
	[sflag:s2] =	ssyncset.done $0x0  }
0xa0: {  	s11 =	simm.s32 @!p0 $0x50;
	s31 =	simm.s32 @!p0 $0x0;
	[sflag:s2] =	ssyncadd.s32 $0xFFFFD800  }
0xa1: {  	[tilespmem:s11], [sflag:$0x2] =	stream.linear.gather @!p0 [hbm4b:s8+s31], $0x50, $0x38;
	[tilespmem:$0x18B00] =	vst v63  }
0xa2: {  	s8 =	sadd.s32 @!p0 s0, s23;
	s11 =	simm.s32 @!p0 $0x190  }
0xa3: {  	[tilespmem:s11], [sflag:$0x2] =	stream.linear.gather @!p0 [hbm4b:s8+s31], $0x50, $0x38;
	[tilespmem:$0x18B00] =	vst v63  }
0xa4: {  	_ =	swait.ge [sflag:s29], $0x50  }
0xa5: {  	[sflag:s29] =	ssyncset.done $0x0  }
0xa6: {  	[sflag:s29] =	ssyncadd.s32 $0xFFFFFFB0  }
0xa7: {  	_ =	swait.ge [sflag:s29], $0x50  }
0xa8: {  	[sflag:s29] =	ssyncset.done $0x0  }
0xa9: {  	[sflag:s29] =	ssyncadd.s32 $0xFFFFFFB0  }
0xaa: {  	[tilespmem:s16], [sflag:$0x6] =	stream.indirect.gather [hbm4b:s1+s9], $0x80, s14, s9, $0xb8;
	[tilespmem:$0x18B00] =	vst v63  }
0xab: {  	_ =	swait.ge [sflag:s24], $0x2800  }
0xac: {  	[sflag:s24] =	ssyncset.done $0x0  }
0xad: {  	[sflag:s24] =	ssyncadd.s32 $0xFFFFD800  }
0xae: {  	[spmem:s3] =	stream.indirect.scatter.add.f32 [tilespmem:s10], [sflag:$0x7], $0x80, s13, s9, $0xb8;
	[tilespmem:$0x18B00] =	vst v63  }
0xaf: {  	_ =	swait.ge [sflag:s2], $0x2800  }
0xb0: {  	[sflag:s2] =	ssyncset.done $0x0  }
0xb1: {  	s8 =	sadd.s32 @!p0 s0, s20;
	s11 =	simm.s32 @!p0 $0xA0;
	[sflag:s2] =	ssyncadd.s32 $0xFFFFD800  }
0xb2: {  	[tilespmem:s11], [sflag:$0x3] =	stream.linear.gather @!p0 [hbm4b:s8+s31], $0x50, $0x38;
	[tilespmem:$0x18B00] =	vst v63  }
0xb3: {  	s8 =	sadd.s32 @!p0 s0, s21;
	s11 =	simm.s32 @!p0 $0x1E0  }
0xb4: {  	[tilespmem:s11], [sflag:$0x3] =	stream.linear.gather @!p0 [hbm4b:s8+s31], $0x50, $0x38;
	[tilespmem:$0x18B00] =	vst v63  }
0xb5: {  	_ =	swait.ge [sflag:s30], $0x50  }
0xb6: {  	[sflag:s30] =	ssyncset.done $0x0  }
0xb7: {  	[sflag:s30] =	ssyncadd.s32 $0xFFFFFFB0  }
0xb8: {  	_ =	swait.ge [sflag:s30], $0x50  }
0xb9: {  	[sflag:s30] =	ssyncset.done $0x0  }
0xba: {  	[sflag:s30] =	ssyncadd.s32 $0xFFFFFFB0  }
0xbb: {  	[tilespmem:s10], [sflag:$0x5] =	stream.indirect.gather [hbm4b:s1+s9], $0x80, s4, s9, $0xb8;
	[tilespmem:$0x18B00] =	vst v63  }
0xbc: {  	_ =	swait.ge [sflag:s28], $0x2800  }
0xbd: {  	[sflag:s28] =	ssyncset.done $0x0  }
.Ltmp3:
0xbe: {  	[sflag:s28] =	ssyncadd.s32 $0xFFFFD800;
	(pc) =	sbr.rel @p0 .LBB2_6-.Ltmp3, $4  }
0xbf: {  	[spmem:s3] =	stream.indirect.scatter.add.f32 [tilespmem:s16], [sflag:$0x7], $0x80, s15, s9, $0xb8;
	[tilespmem:$0x18B00] =	vst v63  }
0xc0: {  	_ =	swait.ge [sflag:s2], $0x2800  }
0xc1: {  	[sflag:s2] =	ssyncset.done $0x0  }
0xc2: {  	[sflag:s2] =	ssyncadd.s32 $0xFFFFD800  }
.Ltmp4:
0xc3: {  	(pc) =	sbr.rel .LBB2_4-.Ltmp4, $4  }
0xc4: {  	s8 =	sadd.s32 s0, s18  }
0xc5: {  	[tilespmem:s14], [sflag:$0x4] =	stream.linear.gather [hbm4b:s8+s4], $0x50, $0x38;
	[tilespmem:$0x18B00] =	vst v63  }
0xc6: {  	s31 =	sadd.s32 s0, s19;
	s0 =	sadd.s32 $0x28, s0;
	s6 =	sadd.s32 $0x140, s6  }
0xc7: {  	[tilespmem:s15], [sflag:$0x4] =	stream.linear.gather [hbm4b:s31+s4], $0x50, $0x38;
	[tilespmem:$0x18B00] =	vst v63  }
.LBB2_7:
0xc8: {  	_ =	sfence.sel $0x180000  }
0xc9: {  	[bflag:$0x0] =	sbarrier.arrive $0xFFFF  }
0xca: {  	_ =	strace $0x9000004A  }
0xcb: {  	s0 =	stileid.u32;
	[bflag:$0x2] =	sbarrier.arrive $0xFFFF  }
0xcc: {  	p0 =	sne.s32 s0, $0x0;
	s0 =	rddreg [dreg:$0x3]  }
0xcd: {  	s0 =	sadd.s32 @!p0 $0x100000, s0  }
0xce: {  	[sflag:s0] =	ssyncadd.tile.s32 @!p0 $0x1;
	_ =	shalt  }
.Lfunc_end2:
_tile_overlayer_lowered:
.L_overlay_start_2:
0xcf: {  	(tag) =	ssettag $0x2  }
0xd0: {  	s0 =	rddreg [dreg:$0x0];
	s2 =	stileid.u32  }
0xd1: {  	s1 =	rddreg [dreg:$0x1];
	p0 =	sne.s32 s2, $0x0  }
0xd2: {  	s3 =	rddreg [dreg:$0x2];
	[bflag:$0x3] =	sbarrier.arrive $0xFFFF;
	s2 =	simm.s32 @!p0 $0x1C07  }
0xd3: {  	[timem:s3], [sflag:s2] =	dma.local @!p0 [hbm:s0], s1  }
0xd4: {  	s0 =	simm.s32 @!p0 $0x7  }
0xd5: {  	_ =	swait.ge @!p0 [sflag:s0], s1  }
0xd6: {  	s1 =	ssub.s32 @!p0 $0x0, s1;
	[sflag:s0] =	ssyncset.done @!p0 $0x0  }
0xd7: {  	[sflag:s0] =	ssyncadd.s32 @!p0 s1  }
0xd8: {  	[bflag:$0x3] =	sbarrier.arrive $0xFFFF  }
0xd9: {  	_ =	shalt  }

// kernel: kernel.7.cloned.1.call-start
scs
__scs_entry_jumppad:
0x0: {  	(pc) =	sbr.rel $0x88, $3  }
0x1: {  	(tag) =	ssettag $0x0;
	lr =	simm.s32 $0x1  }
0x2: {  	[smem:$0x3F99] =	sst lr;
	_ =	strace $0xD0000000  }
0x3: {  	_ = 	snop  }
0x4: {  	_ = 	snop  }
0x5: {  	_ = 	snop  }
0x6: {  	_ = 	snop  }
0x7: {  	_ = 	snop  }
__scs_overlays_trampoline_lowered:
0x8: {  	[smem:$0x3FA8] =	sst s0  }
0x9: {  	[smem:$0x3FA9] =	sst s1  }
0xa: {  	[smem:$0x3FAA] =	sst s2  }
0xb: {  	[smem:$0x3FAB] =	sst s3  }
0xc: {  	[smem:$0x3FAC] =	sst s4  }
0xd: {  	[smem:$0x3FAD] =	sst s5  }
0xe: {  	[smem:$0x3FAE] =	sst s6  }
0xf: {  	[smem:$0x3FAF] =	sst s7  }
0x10: {  	[smem:$0x3FB0] =	sst s8  }
0x11: {  	[smem:$0x3FB1] =	sst s9;
	s0 =	simm.s32 @!p0 $0x0  }
0x12: {  	s1 =	sld [smem:$0x3F97];
	s0 =	simm.s32 @p0 $0x1  }
0x13: {  	[smem:$0x3FB2] =	sst s0;
	s0 =	simm.s32 @!p1 $0x0  }
0x14: {  	s2 =	sld [smem:$0x3F96];
	s0 =	simm.s32 @p1 $0x1  }
0x15: {  	[smem:$0x3FB3] =	sst s0;
	s0 =	simm.s32 @!p2 $0x0  }
0x16: {  	s3 =	sld [smem:$0x3FDB];
	s0 =	simm.s32 @p2 $0x1  }
0x17: {  	s4 =	simm.s32 $0x1BF5;
	[smem:$0x3FB5] =	sst s0  }
0x18: {  	s0 =	sld [smem:$0x3F98];
	_ =	swait.ge [sflag:s4], $0x0  }
0x19: {  	s7 =	sld [smem:$0x3F99]  }
0x1a: {  	s8 =	sadd.s32 $0xFFFFE003, lr  }
0x1b: {  	s9 =	sadd.s32 $0xFFFFFEF7, lr;
	s5 =	simm.s32 $0xFFFFFFFF;
	p2 =	slt.u32 s8, $0xFFFFF086  }
0x1c: {  	p1 =	slt.u32 s9, $0xF7A;
	s5 =	simm.s32 @!p2 $0x0  }
0x1d: {  	s5 =	simm.s32 @p1 $0x1;
	p0 =	seq.s32 s7, s2  }
0x1e: {  	s7 =	smul.u32 @!p0 $0xF7A, s2;
	p2 =	seq.s32 @!p0 s5, $0x0  }
0x1f: {  	s9 =	smul.u32 $0xF7A, s1;
	s8 =	simm.s32 @!p0 $0x1BF5;
	p2 =	por !p2, p0  }
0x20: {  	[sflag:s8] =	ssyncset.s32 @!p0 $0xFFFFF086;
	s6 =	sadd.s32 @!p0 s3, s7;
	s7 =	simm.s32 @!p0 $0x108  }
0x21: {  	s3 =	sadd.s32 s3, s9;
	s6 =	sadd.s32 @!p0 $0x88, s6;
	s7 =	simm.s32 @p2 $0x1082  }
0x22: {  	[simem:s7], [sflag:s8] =	dma.local @!p0 [hbm:s6], $0xF7A  }
0x23: {  	s9 =	sor.u32 $0xD0000000, s2;
	s6 =	simm.s32 $0x108;
	_ =	swait.ge @!p0 [sflag:s8], $0x0  }
0x24: {  	s3 =	sadd.s32 $0x88, s3;
	s6 =	simm.s32 @!p1 $0x1082;
	[sflag:s4] =	ssyncset.s32 $0xFFFFF086  }
0x25: {  	[simem:s6], [sflag:s4] =	dma.local [hbm:s3], $0xF7A  }
0x26: {  	[smem:$0x3F99] =	sst s1;
	(tag) =	ssettag s2;
	_ =	strace s9  }
0x27: {  	s1 =	sld [smem:$0x3FA9]  }
0x28: {  	s2 =	sld [smem:$0x3FAA]  }
0x29: {  	s4 =	sld [smem:$0x3FAC]  }
0x2a: {  	p0 =	seq.s32 s5, $0x0;
	s5 =	sld [smem:$0x3FAD]  }
0x2b: {  	s6 =	sld [smem:$0x3FAE]  }
0x2c: {  	s7 =	sld [smem:$0x3FAF]  }
0x2d: {  	s3 =	simm.s32 $0x108;
	s8 =	sld [smem:$0x3FB0]  }
0x2e: {  	s3 =	simm.s32 @!p0 $0x1082;
	s9 =	sld [smem:$0x3FB1]  }
0x2f: {  	lr =	sadd.s32 s0, s3;
	s0 =	sld [smem:$0x3FA8]  }
0x30: {  	s3 =	sld [smem:$0x3FAB]  }
0x31: {  	[smem:$0x3FB4] =	sst s10  }
0x32: {  	s10 =	sld [smem:$0x3FB2];
	_ =	sdelay $0x3  }
0x33: {  	p0 =	seq.s32 s10, $0x1;
	s10 =	sld [smem:$0x3FB4];
	_ =	sdelay $0x3  }
0x34: {  	[smem:$0x3FB4] =	sst s10  }
0x35: {  	s10 =	sld [smem:$0x3FB3];
	_ =	sdelay $0x3  }
0x36: {  	p1 =	seq.s32 s10, $0x1;
	s10 =	sld [smem:$0x3FB4];
	_ =	sdelay $0x3  }
0x37: {  	[smem:$0x3FB4] =	sst s10  }
0x38: {  	s10 =	sld [smem:$0x3FB5]  }
0x39: {  	_ = 	snop;
	(pc) =	sbr.ind lr, $3  }
0x3a: {  	_ = 	snop  }
0x3b: {  	_ = 	snop  }
0x3c: {  	p2 =	seq.s32 s10, $0x1;
	s10 =	sld [smem:$0x3FB4]  }
0x3d: {  	_ =	shalt  }
0x3e: {  	_ =	shalt  }
0x3f: {  	_ =	shalt  }
0x40: {  	_ =	shalt  }
0x41: {  	_ =	shalt  }
0x42: {  	_ =	shalt  }
0x43: {  	_ =	shalt  }
0x44: {  	_ =	shalt  }
0x45: {  	_ =	shalt  }
0x46: {  	_ =	shalt  }
0x47: {  	_ =	shalt  }
0x48: {  	_ =	shalt  }
0x49: {  	_ =	shalt  }
0x4a: {  	_ =	shalt  }
0x4b: {  	_ =	shalt  }
0x4c: {  	_ =	shalt  }
0x4d: {  	_ =	shalt  }
0x4e: {  	_ =	shalt  }
0x4f: {  	_ =	shalt  }
0x50: {  	_ =	shalt  }
0x51: {  	_ =	shalt  }
0x52: {  	_ =	shalt  }
0x53: {  	_ =	shalt  }
0x54: {  	_ =	shalt  }
0x55: {  	_ =	shalt  }
0x56: {  	_ =	shalt  }
0x57: {  	_ =	shalt  }
0x58: {  	_ =	shalt  }
0x59: {  	_ =	shalt  }
0x5a: {  	_ =	shalt  }
0x5b: {  	_ =	shalt  }
0x5c: {  	_ =	shalt  }
0x5d: {  	_ =	shalt  }
0x5e: {  	_ =	shalt  }
0x5f: {  	_ =	shalt  }
0x60: {  	_ =	shalt  }
0x61: {  	_ =	shalt  }
0x62: {  	_ =	shalt  }
0x63: {  	_ =	shalt  }
0x64: {  	_ =	shalt  }
0x65: {  	_ =	shalt  }
0x66: {  	_ =	shalt  }
0x67: {  	_ =	shalt  }
0x68: {  	_ =	shalt  }
0x69: {  	_ =	shalt  }
0x6a: {  	_ =	shalt  }
0x6b: {  	_ =	shalt  }
0x6c: {  	_ =	shalt  }
0x6d: {  	_ =	shalt  }
0x6e: {  	_ =	shalt  }
0x6f: {  	_ =	shalt  }
0x70: {  	_ =	shalt  }
0x71: {  	_ =	shalt  }
0x72: {  	_ =	shalt  }
0x73: {  	_ =	shalt  }
0x74: {  	_ =	shalt  }
0x75: {  	_ =	shalt  }
0x76: {  	_ =	shalt  }
0x77: {  	_ =	shalt  }
0x78: {  	_ =	shalt  }
0x79: {  	_ =	shalt  }
0x7a: {  	_ =	shalt  }
0x7b: {  	_ =	shalt  }
0x7c: {  	_ =	shalt  }
0x7d: {  	_ =	shalt  }
0x7e: {  	_ =	shalt  }
0x7f: {  	_ =	shalt  }
0x80: {  	_ =	shalt  }
0x81: {  	_ =	shalt  }
0x82: {  	_ =	shalt  }
0x83: {  	_ =	shalt  }
0x84: {  	_ =	shalt  }
0x85: {  	_ =	shalt  }
0x86: {  	_ =	shalt  }
0x87: {  	_ =	shalt  }
.Lfunc_end0:
.L_simem_size_0:
called_computation_lowered:
.L_overlay_start_0:
0x88: {  	s2 =	sld [smem:$0x3FD9]  }
0x89: {  	s3 =	sld [smem:$0x3FFE];
	_ =	sdelay $0x1  }
0x8a: {  	s1 =	srdreg.scid  }
0x8b: {  	s0 =	sand.u32 $0x1, s1  }
0x8c: {  	s17 =	sshll.u32 s0, $0xA;
	s2 =	sadd.s32 s3, s2  }
0x8d: {  	s2 =	sadd.s32 s2, s17  }
0x8e: {  	[smem:$0x3FC0] =	sst s2  }
0x8f: {  	_ = 	snop  }
0x90: {  	s2 =	sld [smem:$0x3FD0];
	(tm) =	ssettm $0x1  }
0x91: {  	s18 =	sld [smem:$0x3FFB];
	_ =	sdelay $0x3  }
0x92: {  	_ =	strace s18  }
0x93: {  	s3 =	sld [smem:$0x3FFC];
	_ =	sdelay $0x3  }
0x94: {  	_ =	strace s3  }
0x95: {  	s3 =	sld [smem:$0x3FFD];
	_ =	sdelay $0x3  }
0x96: {  	_ =	strace s3  }
0x97: {  	_ =	strace $0x8FFFFFFF  }
0x98: {  	s19 =	sld [smem:$0x3FDB];
	_ =	sdelay $0x1  }
0x99: {  	s4 =	simm.s32 $_scs_section_size  }
0x9a: {  	s5 =	simm.s32 $_size__tile_overlayer_lowered;
	s6 =	simm.s32 $_tile_overlayer_lowered  }
0x9b: {  	s22 =	simm.s32 $0x1BFF;
	s21 =	sshll.u32 s6, $0x1;
	s3 =	sadd.s32 s4, s19  }
0x9c: {  	s7 =	simm.s32 $0x0;
	s20 =	sshll.u32 s5, $0x1;
	s5 =	sadd.s32 s21, s3  }
0x9d: {  	[timem:s7], [sflag:s22] =	dma.local [hbm:s5], s20  }
0x9e: {  	_ =	swait.ge [sflag:s22], s20  }
0x9f: {  	s4 =	ssub.s32 $0x0, s20;
	[sflag:s22] =	ssyncset.done $0x0  }
0xa0: {  	[sflag:s22] =	ssyncadd.s32 s4;
	_ =	sdelay $0x1  }
0xa1: {  	s23 =	simm.s32 $0x1B8B  }
0xa2: {  	_ =	swait.ge [sflag:s23], $0x1  }
0xa3: {  	[sflag:s23] =	ssyncset.done $0x0  }
0xa4: {  	s25 =	simm.s32 $0x1B8E;
	s24 =	sld [smem:$0x3FFE];
	[sflag:s23] =	ssyncadd.s32 $0xFFFFFFFF  }
0xa5: {  	s26 =	simm.s32 $execute0_lowered;
	[smem:$0x3FD2] =	sst s25  }
0xa6: {  	s5 =	sshll.u32 s26, $0x1;
	_ =	strace $0x80000046;
	[dreg:$0x1] =	wrdreg $0xFFFFFFFF  }
0xa7: {  	s28 =	simm.s32 $_size_execute0_lowered;
	s3 =	sadd.s32 s3, s5;
	[dreg:$0x0] =	wrdreg $0x0  }
0xa8: {  	s5 =	sshll.u32 s28, $0x1;
	[dreg:$0x2] =	wrdreg s3  }
0xa9: {  	[dreg:$0x3] =	wrdreg s5  }
0xaa: {  	[dreg:$0x4] =	wrdreg $0xC0  }
0xab: {  	_ =	task [dreg:s7], $0x5FFFF  }
0xac: {  	[dreg:$0x1] =	wrdreg $0xFFFFFFFF  }
0xad: {  	[dreg:$0x0] =	wrdreg $0x60  }
0xae: {  	[dreg:$0x2] =	wrdreg s2  }
0xaf: {  	[dreg:$0x3] =	wrdreg s24  }
0xb0: {  	[dreg:$0x4] =	wrdreg $0x52800  }
0xb1: {  	[dreg:$0x5] =	wrdreg $0x195000  }
0xb2: {  	[dreg:$0x6] =	wrdreg $0x9  }
0xb3: {  	_ =	task.clear_ibuf [dreg:s7], $0x7FFFF;
	_ =	strace $0x90000046  }
0xb4: {  	s29 =	simm.s32 $0x9;
	_ =	strace $0x80000048  }
0xb5: {  	_ =	swait.ge [sflag:s29], $0x1  }
0xb6: {  	[sflag:s29] =	ssyncadd.s32 $0xFFFFFFFF  }
0xb7: {  	_ =	strace $0x90000048  }
0xb8: {  	_ =	sfence  }
0xb9: {  	s30 =	sld [smem:$0x0];
	_ =	sdelay $0x2  }
0xba: {  	s31 =	sshll.u32 s1, $0xD;
	s1 =	sshrl.u32 s1, $0x2  }
0xbb: {  	s3 =	sand.u32 $0x4000, s31;
	s1 =	sadd.s32 s1, s30  }
0xbc: {  	s0 =	sor.u32 s3, s0;
	s1 =	sshll.u32 s1, $0x11  }
0xbd: {  	s0 =	sor.u32 s1, s0  }
0xbe: {  	s0 =	sadd.s32 $0x8F2B, s0  }
0xbf: {  	[sflag:s0] =	ssyncadd.remote.s32 $0x1  }
0xc0: {  	_ =	sfence.sel $0xFFFF  }
0xc1: {  	[dreg:$0x0] =	wrdreg $0xFFFFFFFF;
	(pc) =	sbr.abs _section_cstart, $3  }
0xc2: {  	[dreg:$0x1] =	wrdreg $0xFFFFFFFF  }
0xc3: {  	_ =	task.clear_ibuf [dreg:s7], $0x2FFFF;
	_ =	strace $0x9FFFFFFF  }
0xc4: {  	(tm) =	ssettm $0x7FFFFFFF  }
0xc5: {  	_ =	shalt  }
tec
execute0_lowered:
.L_overlay_start_1:
0x0: {  	(tag) =	ssettag $0x1  }
0x1: {  	s1 =	rddreg [dreg:$0x0];
	s14 =	stileid.u32  }
0x2: {  	s0 =	rddreg [dreg:$0x1];
	s7 =	smul.u32 $0x13880, s14  }
0x3: {  	s3 =	rddreg [dreg:$0x2];
	s8 =	smul.u32 $0x2710, s14  }
0x4: {  	s2 =	srdreg.scid;
	s13 =	smul.u32 $0x271, s14  }
0x5: {  	s2 =	sand.u32 $0x1, s2;
	s11 =	sshll.u32 s14, $0x1;
	s14 =	smul.u32 $0x4E20, s14  }
0x6: {  	s4 =	rddreg [dreg:$0x3];
	s5 =	simm.s32 $0x0;
	s6 =	smul.u32 $0x138800, s2  }
0x7: {  	[smem:$0x7FF] =	sst s5;
	s10 =	smul.u32 $0x27100, s2  }
0x8: {  	s11 =	sor.u32 s2, s11;
	s12 =	ssub.s32 $0x2, s2;
	s2 =	smul.u32 $0x2710, s2  }
0x9: {  	_ =	strace $0x80000047;
	s11 =	smul.u32 $0x2710, s11;
	s16 =	sshrl.u32 s12, $0x1  }
0xa: {  	s17 =	sadd.s32 $0x50, s13;
	s28 =	sadd.s32 s7, s3;
	s18 =	sadd.s32 s8, s4  }
0xb: {  	s21 =	sadd.s32 $0xA0, s13;
	s23 =	sadd.s32 $0xF0, s13;
	s9 =	sadd.s32 s7, s6  }
0xc: {  	s6 =	sadd.s32 $0x2400, s0;
	s10 =	sadd.s32 s8, s10;
	[dreg:$0x7] =	wrdreg s18  }
0xd: {  	s19 =	sshll.u32 s17, $0x7;
	s20 =	sshll.u32 s17, $0x4;
	s22 =	sshll.u32 s21, $0x7  }
0xe: {  	s24 =	sshll.u32 s21, $0x4;
	s25 =	sshll.u32 s23, $0x7;
	s8 =	sshll.u32 s23, $0x4  }
0xf: {  	s18 =	sadd.s32 $0x1E0, s13;
	s21 =	sadd.s32 $0x230, s13;
	[dreg:$0x6] =	wrdreg s28  }
0x10: {  	s9 =	sshrl.u32 s9, $0x3;
	s10 =	sshrl.u32 s10, $0x3;
	s11 =	sshrl.u32 s11, $0x3  }
0x11: {  	s7 =	sadd.s32 s19, s3;
	s26 =	sadd.s32 s25, s3;
	s19 =	sshll.u32 s18, $0x7  }
0x12: {  	s29 =	smov.u32 s6;
	s9 =	sadd.s32 s9, s0;
	[dreg:$0x8] =	wrdreg s7  }
0x13: {  	s0 =	sadd.s32 s10, s0;
	s7 =	sadd.s32 s20, s4;
	[dreg:$0xc] =	wrdreg s26  }
0x14: {  	s10 =	ssub.s32 s12, s16;
	s20 =	sadd.s32 s19, s3;
	[dreg:$0x9] =	wrdreg s7  }
0x15: {  	s12 =	sadd.s32 s6, s11;
	s11 =	sadd.s32 $0x140, s13;
	[dreg:$0x12] =	wrdreg s20  }
0x16: {  	s16 =	sadd.s32 $0x190, s13;
	s7 =	sadd.s32 s22, s3;
	[dreg:$0x5] =	wrdreg s12  }
0x17: {  	s15 =	sshll.u32 s11, $0x7;
	s25 =	sadd.s32 $0x1FC00, s9;
	[dreg:$0xa] =	wrdreg s7  }
0x18: {  	s17 =	sshll.u32 s16, $0x7;
	s0 =	sadd.s32 $0x15E00, s0;
	[dreg:$0x16] =	wrdreg s25  }
0x19: {  	s22 =	sshll.u32 s21, $0x7;
	s20 =	sadd.s32 $0x9C40, s12;
	[dreg:$0x17] =	wrdreg s0  }
0x1a: {  	s7 =	sadd.s32 s24, s4;
	s23 =	sadd.s32 s22, s3;
	[dreg:$0x1c] =	wrdreg s20  }
0x1b: {  	s22 =	sadd.s32 $0x9C4A, s12;
	s25 =	sadd.s32 $0x1E, s12;
	[dreg:$0xb] =	wrdreg s7  }
0x1c: {  	s20 =	simm.s32 $0x140;
	s7 =	sadd.s32 s8, s4;
	[dreg:$0x14] =	wrdreg s23  }
0x1d: {  	s8 =	sadd.s32 s2, s14;
	s2 =	sshll.u32 s18, $0x4;
	[dreg:$0x1e] =	wrdreg s22  }
0x1e: {  	s23 =	sadd.s32 $0x14, s12;
	[smem:$0x7FC] =	sst s25;
	s22 =	simm.s32 $0x280  }
0x1f: {  	s25 =	simm.s32 $0x1E0;
	[dreg:$0xd] =	wrdreg s7;
	s7 =	sshll.u32 s11, $0x4  }
0x20: {  	s11 =	sadd.s32 s15, s3;
	s2 =	sadd.s32 s2, s4;
	s26 =	sadd.s32 $0x230, s8  }
0x21: {  	s9 =	sadd.s32 $0x4E430, s8;
	s14 =	sadd.s32 $0x4E3E0, s8;
	s18 =	sadd.s32 $0x4E390, s8  }
0x22: {  	s19 =	sadd.s32 $0x4E340, s8;
	[dreg:$0x1f] =	wrdreg s23;
	s23 =	simm.s32 $0x190  }
0x23: {  	[dreg:$0xe] =	wrdreg s11;
	s7 =	sadd.s32 s7, s4;
	s11 =	sadd.s32 s17, s3  }
0x24: {  	[dreg:$0x13] =	wrdreg s2;
	s0 =	sshrl.u32 s26, $0x3;
	s15 =	sshrl.u32 s14, $0x3  }
0x25: {  	s2 =	sshrl.u32 s18, $0x3;
	s26 =	sadd.s32 $0x9C5E, s12;
	[dreg:$0xf] =	wrdreg s7  }
0x26: {  	s14 =	simm.s32 $0x5;
	s18 =	simm.s32 $0x4;
	[dreg:$0x10] =	wrdreg s11  }
0x27: {  	s7 =	sshll.u32 s16, $0x4;
	s0 =	sadd.s32 s0, s6;
	s11 =	sadd.s32 $0x1E0, s8  }
0x28: {  	s16 =	sadd.s32 $0x190, s8;
	s31 =	sadd.s32 s15, s6;
	s2 =	sadd.s32 s2, s6  }
0x29: {  	s8 =	sadd.s32 $0x140, s8;
	[smem:$0x7FD] =	sst s26;
	s26 =	simm.s32 $0xF0  }
0x2a: {  	s15 =	simm.s32 $0x18B00;
	s7 =	sadd.s32 s7, s4;
	[dreg:$0x19] =	wrdreg s0  }
0x2b: {  	s13 =	sshrl.u32 s11, $0x3;
	s17 =	sshrl.u32 s16, $0x3;
	[dreg:$0x1b] =	wrdreg s8  }
0x2c: {  	s16 =	simm.s32 $0x3;
	s8 =	simm.s32 $0x1;
	[dreg:$0x11] =	wrdreg s7  }
0x2d: {  	s7 =	sshll.u32 s21, $0x4;
	s30 =	sadd.s32 s13, s6;
	s21 =	sadd.s32 $0xA, s12  }
0x2e: {  	s13 =	simm.s32 $0x2;
	s24 =	sadd.s32 s7, s4;
	s7 =	smax.u32 s10, $0x1  }
0x2f: {  	s10 =	sshrl.u32 s9, $0x3;
	[dreg:$0x1d] =	wrdreg s21;
	s21 =	simm.s32 $0x50  }
.Ltmp0:
0x30: {  	s9 =	simm.s32 $0x0;
	[dreg:$0x15] =	wrdreg s24;
	(pc) =	sbr.rel .LBB2_1-.Ltmp0, $4  }
0x31: {  	[dreg:$0x18] =	wrdreg s7;
	s0 =	sadd.s32 s10, s6;
	s7 =	sshrl.u32 s19, $0x3  }
0x32: {  	s24 =	sadd.s32 $0x9C54, s12;
	s19 =	simm.s32 $0x7;
	s12 =	simm.s32 $0x2A80  }
0x33: {  	[dreg:$0x1a] =	wrdreg s0;
	s0 =	sadd.s32 s17, s6;
	s11 =	sadd.s32 s7, s6  }
0x34: {  	v0 =	vimm.f32 $0.0e+00;
	v1 =	vimm.f32 $1.000000000e+00;
	[smem:$0x7FB] =	sst s24;
	s7 =	simm.s32 $0x230;
	s17 =	simm.s32 $0x6  }
.LBB2_6:
0x35: {  	_ =	swait.ge [sflag:s14], $0x2800  }
0x36: {  	[sflag:s14] =	ssyncset.done $0x0  }
0x37: {  	[sflag:s14] =	ssyncadd.s32 $0xFFFFD800  }
0x38: {  	[spmem:s3] =	stream.indirect.scatter.add.f32 [tilespmem:s22], [sflag:$0x7], $0x80, s20, s21, $0xb8;
	[tilespmem:$0x1BC10] =	vst v63  }
0x39: {  	_ =	swait.ge [sflag:s19], $0x2800  }
0x3a: {  	[sflag:s19] =	ssyncset.done $0x0  }
0x3b: {  	[sflag:s19] =	ssyncadd.s32 $0xFFFFD800  }
0x3c: {  	[spmem:s4] =	stream.indirect.scatter.add.f32 [tilespmem:s15], [sflag:$0x7], $0x10, s20, s21, $0xb8;
	[tilespmem:$0x1BC10] =	vst v63  }
0x3d: {  	_ =	swait.ge [sflag:s19], $0x500  }
0x3e: {  	[sflag:s19] =	ssyncset.done $0x0  }
0x3f: {  	[sflag:s19] =	ssyncadd.s32 $0xFFFFFB00  }
0x40: {  	s6 =	stileid.u32;
	[bflag:$0x0] =	sbarrier.arrive $0xFFFF  }
0x41: {  	s6 =	sshll.u32 s6, $0x6;
	s28 =	rddreg [dreg:$0x6]  }
0x42: {  	s6 =	sor.u32 $0x1C07, s6;
	s10 =	rddreg [dreg:$0x16];
	s9 =	sshrl.u32 s28, $0x3  }
0x43: {  	[hbm:s10], [sflag:s6] =	dma.local [spmem:s9], $0x2710  }
0x44: {  	_ =	swait.ge [sflag:s19], $0x2710  }
0x45: {  	[sflag:s19] =	ssyncset.done $0x0;
	s10 =	rddreg [dreg:$0x7]  }
0x46: {  	s24 =	rddreg [dreg:$0x17];
	[sflag:s19] =	ssyncadd.s32 $0xFFFFD8F0;
	s9 =	sshrl.u32 s10, $0x3  }
0x47: {  	[hbm:s24], [sflag:s6] =	dma.local [spmem:s9], $0x4E2  }
0x48: {  	_ =	swait.ge [sflag:s19], $0x4E2  }
0x49: {  	s10 =	sld [smem:$0x7FA];
	_ =	sdelay $0x2  }
0x4a: {  	s24 =	rddreg [dreg:$0x18];
	s9 =	sadd.s32 $0x1, s10  }
0x4b: {  	p0 =	sne.s32 s9, s24  }
.Ltmp1:
0x4c: {  	_ = 	snop;
	(pc) =	sbr.rel @!p0 .LBB2_7-.Ltmp1, $3  }
0x4d: {  	_ =	sdelay $0x1  }
0x4e: {  	[sflag:s19] =	ssyncset.done $0x0  }
0x4f: {  	[sflag:s19] =	ssyncadd.s32 $0xFFFFFB1E  }
.LBB2_1:
0x50: {  	[smem:$0x7FA] =	sst s9;
	s9 =	simm.s32 $0x2AC0  }
0x51: {  	[tilespmem:s9+$0x20] =	vst v0  }
0x52: {  	[tilespmem:s9+$0x10] =	vst v0  }
0x53: {  	[tilespmem:s9+$0x0] =	vst v0  }
0x54: {  	[tilespmem:s9+$0xFFFFFFF0] =	vst v0  }
0x55: {  	[tilespmem:s9+$0xFFFFFFE0] =	vst v0  }
0x56: {  	[tilespmem:s9+$0xFFFFFFD0] =	vst v0  }
0x57: {  	[tilespmem:s9+$0xFFFFFFC0] =	vst v0  }
0x58: {  	s24 =	simm.s32 $0x0;
	s10 =	simm.s32 $0x40;
	[tilespmem:s9+$0x30] =	vst v0  }
.LBB2_2:
0x59: {  	p0 =	sne.s32 s10, $0x13C0;
	[tilespmem:s24+$0x19000] =	vst v0  }
0x5a: {  	s9 =	sadd.s32 $0x80, s9;
	[tilespmem:s24+$0x18B00] =	vst v1  }
0x5b: {  	[tilespmem:s9+$0x20] =	vst v0  }
0x5c: {  	[tilespmem:s9+$0x10] =	vst v0  }
0x5d: {  	[tilespmem:s9+$0x0] =	vst v0  }
.Ltmp2:
0x5e: {  	[tilespmem:s9+$0xFFFFFFF0] =	vst v0;
	(pc) =	sbr.rel @p0 .LBB2_2-.Ltmp2, $4  }
0x5f: {  	[tilespmem:s9+$0xFFFFFFE0] =	vst v0  }
0x60: {  	[tilespmem:s9+$0xFFFFFFD0] =	vst v0  }
0x61: {  	[tilespmem:s9+$0xFFFFFFC0] =	vst v0  }
0x62: {  	s24 =	sshra.s32 s10, $0x2;
	s10 =	sadd.s32 $0x40, s10;
	[tilespmem:s9+$0x30] =	vst v0  }
0x63: {  	[tilespmem:s24+$0x19000] =	vst v0  }
0x64: {  	[tilespmem:s24+$0x18B00] =	vst v1;
	s10 =	simm.s32 $0x0;
	s6 =	rddreg [dreg:$0x5]  }
0x65: {  	[tilespmem:s10], [sflag:$0x7] =	stream.linear.gather [hbm4b:s6+s10], $0x50, $0x38;
	[tilespmem:$0x1BC10] =	vst v63  }
0x66: {  	_ =	swait.ge [sflag:s19], $0x50  }
0x67: {  	[sflag:s19] =	ssyncset.done $0x0  }
0x68: {  	s9 =	rddreg [dreg:$0x1c];
	[sflag:s19] =	ssyncadd.s32 $0xFFFFFFB0  }
0x69: {  	[tilespmem:s20], [sflag:$0x7] =	stream.linear.gather [hbm4b:s9+s10], $0x50, $0x38;
	[tilespmem:$0x1BC10] =	vst v63  }
0x6a: {  	_ =	swait.ge [sflag:s19], $0x50  }
0x6b: {  	[sflag:s19] =	ssyncset.done $0x0  }
0x6c: {  	[sflag:s19] =	ssyncadd.s32 $0xFFFFFFB0  }
0x6d: {  	[tilespmem:s22], [sflag:$0x5] =	stream.indirect.gather [hbm4b:s1+s21], $0x80, s10, s21, $0xb8;
	[tilespmem:$0x1BC10] =	vst v63  }
0x6e: {  	s24 =	rddreg [dreg:$0x1d]  }
0x6f: {  	[tilespmem:s21], [sflag:$0x2] =	stream.linear.gather [hbm4b:s24+s10], $0x50, $0x38;
	[tilespmem:$0x1BC10] =	vst v63  }
0x70: {  	s9 =	rddreg [dreg:$0x1e]  }
0x71: {  	[tilespmem:s23], [sflag:$0x2] =	stream.linear.gather [hbm4b:s9+s10], $0x50, $0x38;
	[tilespmem:$0x1BC10] =	vst v63  }
0x72: {  	s24 =	rddreg [dreg:$0x1f];
	s9 =	simm.s32 $0xA0  }
0x73: {  	[tilespmem:s9], [sflag:$0x3] =	stream.linear.gather [hbm4b:s24+s10], $0x50, $0x38;
	[tilespmem:$0x1BC10] =	vst v63  }
0x74: {  	s24 =	sld [smem:$0x7FB];
	_ =	sdelay $0x1  }
0x75: {  	s9 =	sld [smem:$0x7FC]  }
0x76: {  	[tilespmem:s25], [sflag:$0x3] =	stream.linear.gather [hbm4b:s24+s10], $0x50, $0x38;
	[tilespmem:$0x1BC10] =	vst v63  }
0x77: {  	s24 =	sld [smem:$0x7FD]  }
0x78: {  	[tilespmem:s26], [sflag:$0x4] =	stream.linear.gather [hbm4b:s9+s10], $0x50, $0x38;
	[tilespmem:$0x1BC10] =	vst v63  }
0x79: {  	_ = 	snop  }
0x7a: {  	[tilespmem:s7], [sflag:$0x4] =	stream.linear.gather [hbm4b:s24+s10], $0x50, $0x38;
	[tilespmem:$0x1BC10] =	vst v63  }
0x7b: {  	_ = 	snop  }
0x7c: {  	[spmem:s28] =	stream.linear.scatter [tilespmem:s12], [sflag:$0x7], $0x2800, $0x38;
	[tilespmem:$0x1BC10] =	vst v63  }
0x7d: {  	_ =	swait.ge [sflag:s19], $0x2800  }
0x7e: {  	[sflag:s19] =	ssyncset.done $0x0  }
0x7f: {  	s9 =	simm.s32 $0x19000;
	s28 =	rddreg [dreg:$0x7];
	[sflag:s19] =	ssyncadd.s32 $0xFFFFD800  }
0x80: {  	[spmem:s28] =	stream.linear.scatter [tilespmem:s9], [sflag:$0x7], $0x500, $0x38;
	[tilespmem:$0x1BC10] =	vst v63  }
0x81: {  	_ =	swait.ge [sflag:s19], $0x500  }
0x82: {  	[sflag:s19] =	ssyncset.done $0x0  }
0x83: {  	s24 =	rddreg [dreg:$0x8];
	[sflag:s19] =	ssyncadd.s32 $0xFFFFFB00  }
0x84: {  	[spmem:s24] =	stream.linear.scatter [tilespmem:s12], [sflag:$0x7], $0x2800, $0x38;
	[tilespmem:$0x1BC10] =	vst v63  }
0x85: {  	_ =	swait.ge [sflag:s19], $0x2800  }
0x86: {  	[sflag:s19] =	ssyncset.done $0x0  }
0x87: {  	s28 =	rddreg [dreg:$0x9];
	[sflag:s19] =	ssyncadd.s32 $0xFFFFD800  }
0x88: {  	[spmem:s28] =	stream.linear.scatter [tilespmem:s9], [sflag:$0x7], $0x500, $0x38;
	[tilespmem:$0x1BC10] =	vst v63  }
0x89: {  	_ =	swait.ge [sflag:s19], $0x500  }
0x8a: {  	[sflag:s19] =	ssyncset.done $0x0  }
0x8b: {  	s24 =	rddreg [dreg:$0xa];
	[sflag:s19] =	ssyncadd.s32 $0xFFFFFB00  }
0x8c: {  	[spmem:s24] =	stream.linear.scatter [tilespmem:s12], [sflag:$0x7], $0x2800, $0x38;
	[tilespmem:$0x1BC10] =	vst v63  }
0x8d: {  	_ =	swait.ge [sflag:s19], $0x2800  }
0x8e: {  	[sflag:s19] =	ssyncset.done $0x0  }
0x8f: {  	s28 =	rddreg [dreg:$0xb];
	[sflag:s19] =	ssyncadd.s32 $0xFFFFD800  }
0x90: {  	[spmem:s28] =	stream.linear.scatter [tilespmem:s9], [sflag:$0x7], $0x500, $0x38;
	[tilespmem:$0x1BC10] =	vst v63  }
0x91: {  	_ =	swait.ge [sflag:s19], $0x500  }
0x92: {  	[sflag:s19] =	ssyncset.done $0x0  }
0x93: {  	s24 =	rddreg [dreg:$0xc];
	[sflag:s19] =	ssyncadd.s32 $0xFFFFFB00  }
0x94: {  	[spmem:s24] =	stream.linear.scatter [tilespmem:s12], [sflag:$0x7], $0x2800, $0x38;
	[tilespmem:$0x1BC10] =	vst v63  }
0x95: {  	_ =	swait.ge [sflag:s19], $0x2800  }
0x96: {  	[sflag:s19] =	ssyncset.done $0x0  }
0x97: {  	s28 =	rddreg [dreg:$0xd];
	[sflag:s19] =	ssyncadd.s32 $0xFFFFD800  }
0x98: {  	[spmem:s28] =	stream.linear.scatter [tilespmem:s9], [sflag:$0x7], $0x500, $0x38;
	[tilespmem:$0x1BC10] =	vst v63  }
0x99: {  	_ =	swait.ge [sflag:s19], $0x500  }
0x9a: {  	[sflag:s19] =	ssyncset.done $0x0  }
0x9b: {  	s24 =	rddreg [dreg:$0xe];
	[sflag:s19] =	ssyncadd.s32 $0xFFFFFB00  }
0x9c: {  	[spmem:s24] =	stream.linear.scatter [tilespmem:s12], [sflag:$0x7], $0x2800, $0x38;
	[tilespmem:$0x1BC10] =	vst v63  }
0x9d: {  	_ =	swait.ge [sflag:s19], $0x2800  }
0x9e: {  	[sflag:s19] =	ssyncset.done $0x0  }
0x9f: {  	s28 =	rddreg [dreg:$0xf];
	[sflag:s19] =	ssyncadd.s32 $0xFFFFD800  }
0xa0: {  	[spmem:s28] =	stream.linear.scatter [tilespmem:s9], [sflag:$0x7], $0x500, $0x38;
	[tilespmem:$0x1BC10] =	vst v63  }
0xa1: {  	_ =	swait.ge [sflag:s19], $0x500  }
0xa2: {  	[sflag:s19] =	ssyncset.done $0x0  }
0xa3: {  	s24 =	rddreg [dreg:$0x10];
	[sflag:s19] =	ssyncadd.s32 $0xFFFFFB00  }
0xa4: {  	[spmem:s24] =	stream.linear.scatter [tilespmem:s12], [sflag:$0x7], $0x2800, $0x38;
	[tilespmem:$0x1BC10] =	vst v63  }
0xa5: {  	_ =	swait.ge [sflag:s19], $0x2800  }
0xa6: {  	[sflag:s19] =	ssyncset.done $0x0  }
0xa7: {  	s28 =	rddreg [dreg:$0x11];
	[sflag:s19] =	ssyncadd.s32 $0xFFFFD800  }
0xa8: {  	[spmem:s28] =	stream.linear.scatter [tilespmem:s9], [sflag:$0x7], $0x500, $0x38;
	[tilespmem:$0x1BC10] =	vst v63  }
0xa9: {  	_ =	swait.ge [sflag:s19], $0x500  }
0xaa: {  	[sflag:s19] =	ssyncset.done $0x0  }
0xab: {  	s24 =	rddreg [dreg:$0x12];
	[sflag:s19] =	ssyncadd.s32 $0xFFFFFB00  }
0xac: {  	[spmem:s24] =	stream.linear.scatter [tilespmem:s12], [sflag:$0x7], $0x2800, $0x38;
	[tilespmem:$0x1BC10] =	vst v63  }
0xad: {  	_ =	swait.ge [sflag:s19], $0x2800  }
0xae: {  	[sflag:s19] =	ssyncset.done $0x0  }
0xaf: {  	s28 =	rddreg [dreg:$0x13];
	[sflag:s19] =	ssyncadd.s32 $0xFFFFD800  }
0xb0: {  	[spmem:s28] =	stream.linear.scatter [tilespmem:s9], [sflag:$0x7], $0x500, $0x38;
	[tilespmem:$0x1BC10] =	vst v63  }
0xb1: {  	_ =	swait.ge [sflag:s19], $0x500  }
0xb2: {  	[sflag:s19] =	ssyncset.done $0x0  }
0xb3: {  	s24 =	rddreg [dreg:$0x14];
	[sflag:s19] =	ssyncadd.s32 $0xFFFFFB00  }
0xb4: {  	[spmem:s24] =	stream.linear.scatter [tilespmem:s12], [sflag:$0x7], $0x2080, $0x38;
	[tilespmem:$0x1BC10] =	vst v63  }
0xb5: {  	_ =	swait.ge [sflag:s19], $0x2080  }
0xb6: {  	[sflag:s19] =	ssyncset.done $0x0  }
0xb7: {  	s28 =	rddreg [dreg:$0x15];
	[sflag:s19] =	ssyncadd.s32 $0xFFFFDF80  }
0xb8: {  	[spmem:s28] =	stream.linear.scatter [tilespmem:s9], [sflag:$0x7], $0x410, $0x38;
	[tilespmem:$0x1BC10] =	vst v63  }
0xb9: {  	_ =	swait.ge [sflag:s19], $0x410  }
0xba: {  	[sflag:s19] =	ssyncset.done $0x0  }
0xbb: {  	[sflag:s19] =	ssyncadd.s32 $0xFFFFFBF0  }
0xbc: {  	[bflag:$0x0] =	sbarrier.arrive $0xFFFF  }
0xbd: {  	s9 =	rddreg [dreg:$0x1b]  }
.LBB2_4:
0xbe: {  	_ =	swait.ge [sflag:s13], $0x50  }
0xbf: {  	[sflag:s13] =	ssyncset.done $0x0  }
0xc0: {  	[sflag:s13] =	ssyncadd.s32 $0xFFFFFFB0  }
0xc1: {  	_ =	swait.ge [sflag:s13], $0x50  }
0xc2: {  	[sflag:s13] =	ssyncset.done $0x0  }
0xc3: {  	[sflag:s13] =	ssyncadd.s32 $0xFFFFFFB0  }
0xc4: {  	[tilespmem:s12], [sflag:$0x6] =	stream.indirect.gather [hbm4b:s1+s21], $0x80, s21, s21, $0xb8;
	[tilespmem:$0x1BC10] =	vst v63  }
0xc5: {  	_ =	swait.ge [sflag:s14], $0x2800  }
0xc6: {  	[sflag:s14] =	ssyncset.done $0x0  }
0xc7: {  	[sflag:s14] =	ssyncadd.s32 $0xFFFFD800  }
0xc8: {  	[spmem:s3] =	stream.indirect.scatter.add.f32 [tilespmem:s22], [sflag:$0x7], $0x80, s20, s21, $0xb8;
	[tilespmem:$0x1BC10] =	vst v63  }
0xc9: {  	_ =	swait.ge [sflag:s19], $0x2800  }
0xca: {  	[sflag:s19] =	ssyncset.done $0x0  }
0xcb: {  	[sflag:s19] =	ssyncadd.s32 $0xFFFFD800  }
0xcc: {  	[spmem:s4] =	stream.indirect.scatter.add.f32 [tilespmem:s15], [sflag:$0x7], $0x10, s20, s21, $0xb8;
	[tilespmem:$0x1BC10] =	vst v63  }
0xcd: {  	_ =	swait.ge [sflag:s19], $0x500  }
0xce: {  	s24 =	sshrl.u32 s9, $0x3;
	[sflag:s19] =	ssyncset.done $0x0  }
0xcf: {  	s24 =	sadd.s32 s29, s24;
	[sflag:s19] =	ssyncadd.s32 $0xFFFFFB00  }
0xd0: {  	[tilespmem:s5], [sflag:$0x1] =	stream.linear.gather [hbm4b:s24+s5], $0x50, $0x38;
	[tilespmem:$0x1BC10] =	vst v63  }
0xd1: {  	s28 =	sadd.s32 s10, s11  }
0xd2: {  	[tilespmem:s20], [sflag:$0x1] =	stream.linear.gather [hbm4b:s28+s5], $0x50, $0x38;
	[tilespmem:$0x1BC10] =	vst v63  }
0xd3: {  	_ =	swait.ge [sflag:s16], $0x50  }
0xd4: {  	[sflag:s16] =	ssyncset.done $0x0  }
0xd5: {  	[sflag:s16] =	ssyncadd.s32 $0xFFFFFFB0  }
0xd6: {  	_ =	swait.ge [sflag:s16], $0x50  }
0xd7: {  	[sflag:s16] =	ssyncset.done $0x0  }
0xd8: {  	s6 =	simm.s32 $0xA0;
	[sflag:s16] =	ssyncadd.s32 $0xFFFFFFB0  }
0xd9: {  	[tilespmem:s22], [sflag:$0x5] =	stream.indirect.gather [hbm4b:s1+s21], $0x80, s6, s21, $0xb8;
	[tilespmem:$0x1BC10] =	vst v63  }
0xda: {  	_ =	swait.ge [sflag:s17], $0x2800  }
0xdb: {  	[sflag:s17] =	ssyncset.done $0x0  }
0xdc: {  	[sflag:s17] =	ssyncadd.s32 $0xFFFFD800  }
0xdd: {  	[spmem:s3] =	stream.indirect.scatter.add.f32 [tilespmem:s12], [sflag:$0x7], $0x80, s23, s21, $0xb8;
	[tilespmem:$0x1BC10] =	vst v63  }
0xde: {  	_ =	swait.ge [sflag:s19], $0x2800  }
0xdf: {  	[sflag:s19] =	ssyncset.done $0x0  }
0xe0: {  	[sflag:s19] =	ssyncadd.s32 $0xFFFFD800  }
0xe1: {  	[spmem:s4] =	stream.indirect.scatter.add.f32 [tilespmem:s15], [sflag:$0x7], $0x10, s23, s21, $0xb8;
	[tilespmem:$0x1BC10] =	vst v63  }
0xe2: {  	p0 =	seq.s32 s10, $0x4B0;
	_ =	swait.ge [sflag:s19], $0x500  }
0xe3: {  	s24 =	sadd.s32 @!p0 s10, s0;
	[sflag:s19] =	ssyncset.done $0x0  }
0xe4: {  	s28 =	simm.s32 @!p0 $0x50;
	s6 =	simm.s32 @!p0 $0x0;
	[sflag:s19] =	ssyncadd.s32 $0xFFFFFB00  }
0xe5: {  	[tilespmem:s28], [sflag:$0x2] =	stream.linear.gather @!p0 [hbm4b:s24+s6], $0x50, $0x38;
	[tilespmem:$0x1BC10] =	vst v63  }
0xe6: {  	s24 =	sadd.s32 @!p0 s10, s2;
	s28 =	simm.s32 @!p0 $0x190  }
0xe7: {  	[tilespmem:s28], [sflag:$0x2] =	stream.linear.gather @!p0 [hbm4b:s24+s6], $0x50, $0x38;
	[tilespmem:$0x1BC10] =	vst v63  }
0xe8: {  	_ =	swait.ge [sflag:s18], $0x50  }
0xe9: {  	[sflag:s18] =	ssyncset.done $0x0  }
0xea: {  	[sflag:s18] =	ssyncadd.s32 $0xFFFFFFB0  }
0xeb: {  	_ =	swait.ge [sflag:s18], $0x50  }
0xec: {  	[sflag:s18] =	ssyncset.done $0x0  }
0xed: {  	[sflag:s18] =	ssyncadd.s32 $0xFFFFFFB0  }
0xee: {  	[tilespmem:s12], [sflag:$0x6] =	stream.indirect.gather [hbm4b:s1+s21], $0x80, s26, s21, $0xb8;
	[tilespmem:$0x1BC10] =	vst v63  }
0xef: {  	_ =	swait.ge [sflag:s14], $0x2800  }
0xf0: {  	[sflag:s14] =	ssyncset.done $0x0  }
0xf1: {  	[sflag:s14] =	ssyncadd.s32 $0xFFFFD800  }
0xf2: {  	[spmem:s3] =	stream.indirect.scatter.add.f32 [tilespmem:s22], [sflag:$0x7], $0x80, s25, s21, $0xb8;
	[tilespmem:$0x1BC10] =	vst v63  }
0xf3: {  	_ =	swait.ge [sflag:s19], $0x2800  }
0xf4: {  	[sflag:s19] =	ssyncset.done $0x0  }
0xf5: {  	[sflag:s19] =	ssyncadd.s32 $0xFFFFD800  }
0xf6: {  	[spmem:s4] =	stream.indirect.scatter.add.f32 [tilespmem:s15], [sflag:$0x7], $0x10, s25, s21, $0xb8;
	[tilespmem:$0x1BC10] =	vst v63  }
0xf7: {  	_ =	swait.ge [sflag:s19], $0x500  }
0xf8: {  	[sflag:s19] =	ssyncset.done $0x0  }
0xf9: {  	s24 =	sadd.s32 @!p0 s10, s30;
	s28 =	simm.s32 @!p0 $0xA0;
	[sflag:s19] =	ssyncadd.s32 $0xFFFFFB00  }
0xfa: {  	[tilespmem:s28], [sflag:$0x3] =	stream.linear.gather @!p0 [hbm4b:s24+s6], $0x50, $0x38;
	[tilespmem:$0x1BC10] =	vst v63  }
0xfb: {  	s24 =	sadd.s32 @!p0 s10, s31;
	s28 =	simm.s32 @!p0 $0x1E0  }
0xfc: {  	[tilespmem:s28], [sflag:$0x3] =	stream.linear.gather @!p0 [hbm4b:s24+s6], $0x50, $0x38;
	[tilespmem:$0x1BC10] =	vst v63  }
0xfd: {  	_ =	swait.ge [sflag:s8], $0x50  }
0xfe: {  	[sflag:s8] =	ssyncset.done $0x0  }
0xff: {  	[sflag:s8] =	ssyncadd.s32 $0xFFFFFFB0  }
0x100: {  	_ =	swait.ge [sflag:s8], $0x50  }
0x101: {  	[sflag:s8] =	ssyncset.done $0x0  }
0x102: {  	[sflag:s8] =	ssyncadd.s32 $0xFFFFFFB0  }
0x103: {  	[tilespmem:s22], [sflag:$0x5] =	stream.indirect.gather [hbm4b:s1+s21], $0x80, s5, s21, $0xb8;
	[tilespmem:$0x1BC10] =	vst v63  }
0x104: {  	_ =	swait.ge [sflag:s17], $0x2800  }
0x105: {  	[sflag:s17] =	ssyncset.done $0x0  }
0x106: {  	[sflag:s17] =	ssyncadd.s32 $0xFFFFD800  }
0x107: {  	[spmem:s3] =	stream.indirect.scatter.add.f32 [tilespmem:s12], [sflag:$0x7], $0x80, s7, s21, $0xb8;
	[tilespmem:$0x1BC10] =	vst v63  }
0x108: {  	_ =	swait.ge [sflag:s19], $0x2800  }
0x109: {  	[sflag:s19] =	ssyncset.done $0x0  }
.Ltmp3:
0x10a: {  	[sflag:s19] =	ssyncadd.s32 $0xFFFFD800;
	(pc) =	sbr.rel @p0 .LBB2_6-.Ltmp3, $4  }
0x10b: {  	[spmem:s4] =	stream.indirect.scatter.add.f32 [tilespmem:s15], [sflag:$0x7], $0x10, s7, s21, $0xb8;
	[tilespmem:$0x1BC10] =	vst v63  }
0x10c: {  	_ =	swait.ge [sflag:s19], $0x500  }
0x10d: {  	[sflag:s19] =	ssyncset.done $0x0  }
0x10e: {  	[sflag:s19] =	ssyncadd.s32 $0xFFFFFB00  }
.Ltmp4:
0x10f: {  	s6 =	rddreg [dreg:$0x19];
	(pc) =	sbr.rel .LBB2_4-.Ltmp4, $4  }
0x110: {  	s28 =	rddreg [dreg:$0x1a];
	s6 =	sadd.s32 s10, s6  }
0x111: {  	[tilespmem:s26], [sflag:$0x4] =	stream.linear.gather [hbm4b:s6+s5], $0x50, $0x38;
	[tilespmem:$0x1BC10] =	vst v63  }
0x112: {  	s9 =	sadd.s32 $0x140, s9;
	s6 =	sadd.s32 s10, s28;
	s10 =	sadd.s32 $0x28, s10  }
0x113: {  	[tilespmem:s7], [sflag:$0x4] =	stream.linear.gather [hbm4b:s6+s5], $0x50, $0x38;
	[tilespmem:$0x1BC10] =	vst v63  }
.LBB2_7:
0x114: {  	_ =	sfence.sel $0x180000  }
0x115: {  	[bflag:$0x0] =	sbarrier.arrive $0xFFFF  }
0x116: {  	_ =	strace $0x90000047  }
0x117: {  	s0 =	stileid.u32;
	[bflag:$0x2] =	sbarrier.arrive $0xFFFF  }
0x118: {  	p0 =	sne.s32 s0, $0x0;
	s0 =	rddreg [dreg:$0x4]  }
0x119: {  	s0 =	sadd.s32 @!p0 $0x100000, s0  }
0x11a: {  	[sflag:s0] =	ssyncadd.tile.s32 @!p0 $0x1;
	_ =	shalt  }
.Lfunc_end2:
_tile_overlayer_lowered:
.L_overlay_start_2:
0x11b: {  	(tag) =	ssettag $0x2  }
0x11c: {  	s0 =	rddreg [dreg:$0x0];
	s2 =	stileid.u32  }
0x11d: {  	s1 =	rddreg [dreg:$0x1];
	p0 =	sne.s32 s2, $0x0  }
0x11e: {  	s3 =	rddreg [dreg:$0x2];
	[bflag:$0x3] =	sbarrier.arrive $0xFFFF;
	s2 =	simm.s32 @!p0 $0x1C07  }
0x11f: {  	[timem:s3], [sflag:s2] =	dma.local @!p0 [hbm:s0], s1  }
0x120: {  	s0 =	simm.s32 @!p0 $0x7  }
0x121: {  	_ =	swait.ge @!p0 [sflag:s0], s1  }
0x122: {  	s1 =	ssub.s32 @!p0 $0x0, s1;
	[sflag:s0] =	ssyncset.done @!p0 $0x0  }
0x123: {  	[sflag:s0] =	ssyncadd.s32 @!p0 s1  }
0x124: {  	[bflag:$0x3] =	sbarrier.arrive $0xFFFF  }
0x125: {  	_ =	shalt  }

</sc_bundles>
